<compile_context>
chip_gen: v7x
topology: tpu7x:2x2x1
jax: 0.10.2.dev20260603
libtpu: 0.0.44.dev20260713+nightly
codegen_flags: <defaults>
</compile_context>

<pallas_src>
import functools

import jax
import jax.numpy as jnp
from jax import lax
from jax.experimental import pallas as pl
from jax.experimental.pallas import tpu as pltpu
from jax.experimental.pallas import tpu_sc as plsc

NC = 2
NS = 16
NW = NC * NS
BE = 128
BN = 1024


def _mesh():
    return plsc.VectorSubcoreMesh(core_axis_name="c", subcore_axis_name="s")


DW = 16


@functools.lru_cache(maxsize=None)
def _degree_kernel(NP, KE):
    rpt = NP // NS

    def body(dst3, zrows, ones_h, out, acc, didx, ones_v):
        c = lax.axis_index("c")
        s = lax.axis_index("s")
        r0 = s * rpt
        pltpu.sync_copy(dst3.at[c, s], didx)
        pltpu.sync_copy(zrows, acc.at[pl.ds(r0, rpt)])
        pltpu.sync_copy(ones_h, ones_v)
        plsc.subcore_barrier()

        @pl.loop(0, KE)
        def _scat(j):
            pltpu.sync_copy(ones_v, acc.at[didx.at[j]], add=True)

        plsc.subcore_barrier()
        pltpu.sync_copy(acc.at[pl.ds(r0, rpt)], out.at[c, pl.ds(r0, rpt)])

    return pl.kernel(
        body,
        out_type=jax.ShapeDtypeStruct((NC, NP, DW), jnp.float32),
        mesh=_mesh(),
        scratch_types=[
            pltpu.VMEM_SHARED((NP, DW), jnp.float32),
            pltpu.VMEM((KE, BE), jnp.int32),
            pltpu.VMEM((BE, DW), jnp.float32),
        ],
        compiler_params=pltpu.CompilerParams(use_tc_tiling_on_sc=False),
    )


@functools.lru_cache(maxsize=None)
def _propagate_kernel(NP, KE, D):
    rpt = NP // NS

    KE2 = KE // 2

    def body(table, src3, dst3, zrows, out, acc, sidx, didx, rows, sems, zsem):
        c = lax.axis_index("c")
        s = lax.axis_index("s")
        r0 = s * rpt
        zdesc = pltpu.async_copy(zrows, acc.at[pl.ds(r0, rpt)], zsem)

        for p in range(2):
            pltpu.sync_copy(src3.at[c, s, pl.ds(p * KE2, KE2)], sidx)
            pltpu.sync_copy(dst3.at[c, s, pl.ds(p * KE2, KE2)], didx)
            pltpu.async_copy(table.at[sidx.at[0]], rows.at[0], sems.at[0])
            pltpu.async_copy(table.at[sidx.at[1]], rows.at[1], sems.at[1])
            if p == 0:
                zdesc.wait()
                plsc.subcore_barrier()

            @pl.loop(0, KE2 // 2)
            def _go(g):
                for b in range(2):
                    j = g * 2 + b
                    pltpu.make_async_copy(
                        table.at[sidx.at[j]], rows.at[b], sems.at[b]
                    ).wait()
                    pltpu.sync_copy(rows.at[b], acc.at[didx.at[j]], add=True)

                    @pl.when(j + 2 < KE2)
                    def _next():
                        pltpu.async_copy(
                            table.at[sidx.at[j + 2]], rows.at[b], sems.at[b]
                        )

        plsc.subcore_barrier()
        pltpu.sync_copy(acc.at[pl.ds(r0, rpt)], out.at[c, pl.ds(r0, rpt)])

    return pl.kernel(
        body,
        out_type=jax.ShapeDtypeStruct((NC, NP, D), jnp.float32),
        mesh=_mesh(),
        scratch_types=[
            pltpu.VMEM_SHARED((NP, D), jnp.float32),
            pltpu.VMEM((KE2, BE), jnp.int32),
            pltpu.VMEM((KE2, BE), jnp.int32),
            pltpu.VMEM((2, BE, D), jnp.float32),
            pltpu.SemaphoreType.DMA((2,)),
            pltpu.SemaphoreType.DMA,
        ],
    )


def _dinv_block(degp_ref):
    deg = degp_ref[0, :, 0:1] + degp_ref[1, :, 0:1]
    return lax.rsqrt(jnp.maximum(deg, 1.0))


def _layer0_body(x_ref, degp_ref, w_ref, out_ref):
    out_ref[...] = _dinv_block(degp_ref) * jnp.dot(
        x_ref[...], w_ref[...], preferred_element_type=jnp.float32
    )


def _mid_body(p_ref, degp_ref, b_ref, w_ref, out_ref):
    dinv = _dinv_block(degp_ref)
    xin = jnp.maximum(dinv * (p_ref[0] + p_ref[1]) + b_ref[...], 0.0)
    out_ref[...] = dinv * jnp.dot(
        xin, w_ref[...], preferred_element_type=jnp.float32
    )


def _final_body(p_ref, degp_ref, b_ref, out_ref):
    out_ref[...] = _dinv_block(degp_ref) * (p_ref[0] + p_ref[1]) + b_ref[...]


def _nodes_spec(D):
    return pl.BlockSpec((BN, D), lambda i: (i, 0))


def _pair_spec(D):
    return pl.BlockSpec((2, BN, D), lambda i: (0, i, 0))


def _full_spec(shape):
    return pl.BlockSpec(shape, lambda i: tuple(0 for _ in shape))


@functools.lru_cache(maxsize=None)
def _layer0_call(NP, D):
    return pl.pallas_call(
        _layer0_body,
        grid=(NP // BN,),
        in_specs=[_nodes_spec(D), _pair_spec(DW), _full_spec((D, D))],
        out_specs=_nodes_spec(D),
        out_shape=jax.ShapeDtypeStruct((NP, D), jnp.float32),
    )


@functools.lru_cache(maxsize=None)
def _mid_call(NP, D):
    return pl.pallas_call(
        _mid_body,
        grid=(NP // BN,),
        in_specs=[_pair_spec(D), _pair_spec(DW), _full_spec((1, D)),
                  _full_spec((D, D))],
        out_specs=_nodes_spec(D),
        out_shape=jax.ShapeDtypeStruct((NP, D), jnp.float32),
    )


@functools.lru_cache(maxsize=None)
def _final_call(NP, D):
    return pl.pallas_call(
        _final_body,
        grid=(NP // BN,),
        in_specs=[_pair_spec(D), _pair_spec(DW), _full_spec((1, D))],
        out_specs=_nodes_spec(D),
        out_shape=jax.ShapeDtypeStruct((NP, D), jnp.float32),
    )


def kernel(x, edge_index, W0, b0, W1, b1, W2, b2):
    N, D = x.shape
    E = edge_index.shape[1]

    NP = -(-(N + 1) // BN) * BN
    KE = 16 * (-(-E // (NW * BE * 16)))
    EP = NW * KE * BE

    pad_idx = N + (jnp.arange(EP - E, dtype=jnp.int32) % (NP - N))
    src = jnp.concatenate([edge_index[0], pad_idx]).reshape(NC, NS, KE, BE)
    dst = jnp.concatenate([edge_index[1], pad_idx]).reshape(NC, NS, KE, BE)
    x_pad = jnp.zeros((NP, D), jnp.float32).at[:N].set(x)
    zrows = jnp.zeros((NP // NS, D), jnp.float32)
    zdeg = jnp.zeros((NP // NS, DW), jnp.float32)
    ones_h = jnp.ones((BE, DW), jnp.float32)

    degp = _degree_kernel(NP, KE)(dst, zdeg, ones_h)

    h = _layer0_call(NP, D)(x_pad, degp, W0)
    p = _propagate_kernel(NP, KE, D)(h, src, dst, zrows)

    h = _mid_call(NP, D)(p, degp, b0.reshape(1, D), W1)
    p = _propagate_kernel(NP, KE, D)(h, src, dst, zrows)

    h = _mid_call(NP, D)(p, degp, b1.reshape(1, D), W2)
    p = _propagate_kernel(NP, KE, D)(h, src, dst, zrows)

    return _final_call(NP, D)(p, degp, b2.reshape(1, D))[:N]

# --- scband reference (transcript-rebuilt; emitter-appended) ---
"""Pipeline reference for scband-node-prediction-64742337020303 (READ-ONLY COPY).

The authoritative reference and input builder live on the scoring server;
editing this copy changes nothing except your own understanding.
"""

import jax, jax.numpy as jnp
import numpy as np

N = 10000
E = 320000
D_IN = 128
D_HID = 128
D_OUT = 128


def setup_inputs(seed: int = 0) -> dict:
    key = jax.random.key(seed)
    ks = jax.random.split(key, 10)
    x = jax.random.normal(ks[0], (N, D_IN), dtype=jnp.float32)
    edge_index = jax.random.randint(ks[1], (2, E), 0, N, dtype=jnp.int32)
    s0 = 1.0 / np.sqrt(D_IN)
    s1 = 1.0 / np.sqrt(D_HID)
    W0 = jax.random.normal(ks[2], (D_IN, D_HID), dtype=jnp.float32) * s0
    b0 = jnp.zeros((D_HID,), dtype=jnp.float32)
    W1 = jax.random.normal(ks[3], (D_HID, D_HID), dtype=jnp.float32) * s1
    b1 = jnp.zeros((D_HID,), dtype=jnp.float32)
    W2 = jax.random.normal(ks[4], (D_HID, D_OUT), dtype=jnp.float32) * s1
    b2 = jnp.zeros((D_OUT,), dtype=jnp.float32)
    return {"x": x, "edge_index": edge_index, "W0": W0, "b0": b0, "W1": W1, "b1": b1, "W2": W2, "b2": b2}


def gcn_conv(x, edge_index, W, b):
    # GCN layer: out = D^{-1/2} A D^{-1/2} (X W) + b
    src = edge_index[0]
    dst = edge_index[1]
    deg = jnp.zeros((N,), dtype=x.dtype).at[dst].add(1.0)
    deg_inv_sqrt = jax.lax.rsqrt(jnp.maximum(deg, 1.0))
    norm = deg_inv_sqrt[src] * deg_inv_sqrt[dst]
    h = x @ W
    msg = jnp.take(h, src, axis=0) * norm[:, None]
    agg = jnp.zeros((N, h.shape[1]), dtype=h.dtype).at[dst].add(msg)
    return agg + b


def reference(x, edge_index, W0, b0, W1, b1, W2, b2):
    # layer 0 (in -> hidden) + relu
    h = gcn_conv(x, edge_index, W0, b0)
    h = jax.nn.relu(h)
    # hidden layer (hidden -> hidden) + relu
    h = gcn_conv(h, edge_index, W1, b1)
    h = jax.nn.relu(h)
    # final layer (hidden -> out), no activation
    out = gcn_conv(h, edge_index, W2, b2)
    return out

if __name__ == "__main__":
    import jax
    _d = setup_inputs()
    print(jax.jit(kernel)(*tuple(_d.values())))

</pallas_src>

<mosaic_0001>
#map = affine_map<(d0, d1) -> (0, 0, 0, 0)>
#map1 = affine_map<(d0, d1) -> (0, 0)>
#map2 = affine_map<(d0, d1) -> (0, 0, 0)>
module attributes {stable_mosaic.version = 14 : i64} {
  func.func @body(%arg0: i32, %arg1: i32, %arg2: memref<2x16x80x128xi32, #tpu.memory_space<hbm>>, %arg3: memref<640x16xf32, #tpu.memory_space<hbm>>, %arg4: memref<128x16xf32, #tpu.memory_space<hbm>>, %arg5: memref<2x10240x16xf32, #tpu.memory_space<hbm>>, %arg6: memref<10240x16xf32, #tpu.memory_space<vmem_shared>>, %arg7: memref<80x128xi32, #tpu.memory_space<vmem>>, %arg8: memref<128x16xf32, #tpu.memory_space<vmem>>) attributes {dimension_semantics = [#tpu.dimension_semantics<core_parallel>, #tpu.dimension_semantics<subcore_parallel>], iteration_bounds = array<i64: 2, 16>, scalar_prefetch = 0 : i64, scratch_operands = 3 : i64, tpu.core_type = #tpu.core_type<sc_vector_subcore>, window_params = [{transform_indices = #map}, {transform_indices = #map1}, {transform_indices = #map1}, {transform_indices = #map2}]} {
    %mul3A = arith.constant 640 : i32
    %mul3A_0 = arith.muli %arg1, %mul3A : i32
    "tpu.region"() ({
      %run_scoped3A = tpu.sem_alloc : memref<!tpu.dma_semaphore, #tpu.memory_space<semaphore_mem>>
      %dma_start3A = arith.constant 0 : i32
      %dma_start3A_6 = arith.constant 0 : i32
      %dma_start3A_7 = tpu.memref_slice %arg2[%arg0, %arg1, %dma_start3A, %dma_start3A_6] : memref<2x16x80x128xi32, #tpu.memory_space<hbm>> -> memref<1x1x80x128xi32, #tpu.memory_space<hbm>>
      %dma_start3A_8 = tpu.memref_squeeze %dma_start3A_7 : memref<1x1x80x128xi32, #tpu.memory_space<hbm>> -> memref<80x128xi32, #tpu.memory_space<hbm>>
      %dma_start3A_9 = arith.constant 0 : i32
      %dma_start3A_10 = arith.constant 0 : i32
      %dma_start3A_11 = tpu.memref_slice %arg2[%arg0, %arg1, %dma_start3A_9, %dma_start3A_10] : memref<2x16x80x128xi32, #tpu.memory_space<hbm>> -> memref<1x1x80x128xi32, #tpu.memory_space<hbm>>
      %dma_start3A_12 = tpu.memref_squeeze %dma_start3A_11 : memref<1x1x80x128xi32, #tpu.memory_space<hbm>> -> memref<80x128xi32, #tpu.memory_space<hbm>>
      tpu.enqueue_dma source(%dma_start3A_12 : memref<80x128xi32, #tpu.memory_space<hbm>>) target(%arg7 : memref<80x128xi32, #tpu.memory_space<vmem>>) target_semaphore(%run_scoped3A : memref<!tpu.dma_semaphore, #tpu.memory_space<semaphore_mem>>)
      %dma_wait3A = arith.constant 0 : i32
      %dma_wait3A_13 = arith.constant 0 : i32
      %dma_wait3A_14 = tpu.memref_slice %arg2[%arg0, %arg1, %dma_wait3A, %dma_wait3A_13] : memref<2x16x80x128xi32, #tpu.memory_space<hbm>> -> memref<1x1x80x128xi32, #tpu.memory_space<hbm>>
      %dma_wait3A_15 = tpu.memref_squeeze %dma_wait3A_14 : memref<1x1x80x128xi32, #tpu.memory_space<hbm>> -> memref<80x128xi32, #tpu.memory_space<hbm>>
      %dma_wait3A_16 = arith.constant 0 : i32
      %dma_wait3A_17 = arith.constant 0 : i32
      %dma_wait3A_18 = tpu.memref_slice %arg2[%arg0, %arg1, %dma_wait3A_16, %dma_wait3A_17] : memref<2x16x80x128xi32, #tpu.memory_space<hbm>> -> memref<1x1x80x128xi32, #tpu.memory_space<hbm>>
      %dma_wait3A_19 = tpu.memref_squeeze %dma_wait3A_18 : memref<1x1x80x128xi32, #tpu.memory_space<hbm>> -> memref<80x128xi32, #tpu.memory_space<hbm>>
      tpu.wait_dma2 semaphore(%run_scoped3A : memref<!tpu.dma_semaphore, #tpu.memory_space<semaphore_mem>>) src(%dma_wait3A_19 : memref<80x128xi32, #tpu.memory_space<hbm>>) dst(%arg7 : memref<80x128xi32, #tpu.memory_space<vmem>>)
      tpu.yield
    }) : () -> ()
    "tpu.region"() ({
      %run_scoped3A = tpu.sem_alloc : memref<!tpu.dma_semaphore, #tpu.memory_space<semaphore_mem>>
      %dma_start3A = arith.constant 0 : i32
      %dma_start3A_6 = tpu.memref_slice %arg6[%mul3A_0, %dma_start3A] : memref<10240x16xf32, #tpu.memory_space<vmem_shared>> -> memref<640x16xf32, #tpu.memory_space<vmem_shared>>
      tpu.enqueue_dma source(%arg3 : memref<640x16xf32, #tpu.memory_space<hbm>>) target(%dma_start3A_6 : memref<640x16xf32, #tpu.memory_space<vmem_shared>>) target_semaphore(%run_scoped3A : memref<!tpu.dma_semaphore, #tpu.memory_space<semaphore_mem>>)
      %dma_wait3A = arith.constant 0 : i32
      %dma_wait3A_7 = tpu.memref_slice %arg6[%mul3A_0, %dma_wait3A] : memref<10240x16xf32, #tpu.memory_space<vmem_shared>> -> memref<640x16xf32, #tpu.memory_space<vmem_shared>>
      tpu.wait_dma2 semaphore(%run_scoped3A : memref<!tpu.dma_semaphore, #tpu.memory_space<semaphore_mem>>) src(%arg3 : memref<640x16xf32, #tpu.memory_space<hbm>>) dst(%dma_wait3A_7 : memref<640x16xf32, #tpu.memory_space<vmem_shared>>)
      tpu.yield
    }) : () -> ()
    "tpu.region"() ({
      %run_scoped3A = tpu.sem_alloc : memref<!tpu.dma_semaphore, #tpu.memory_space<semaphore_mem>>
      tpu.enqueue_dma source(%arg4 : memref<128x16xf32, #tpu.memory_space<hbm>>) target(%arg8 : memref<128x16xf32, #tpu.memory_space<vmem>>) target_semaphore(%run_scoped3A : memref<!tpu.dma_semaphore, #tpu.memory_space<semaphore_mem>>)
      tpu.wait_dma2 semaphore(%run_scoped3A : memref<!tpu.dma_semaphore, #tpu.memory_space<semaphore_mem>>) src(%arg4 : memref<128x16xf32, #tpu.memory_space<hbm>>) dst(%arg8 : memref<128x16xf32, #tpu.memory_space<vmem>>)
      tpu.yield
    }) : () -> ()
    %barrier3A = arith.constant 0 : index
    tpu.barrier barrier_id(%barrier3A)
    %scan3A = arith.constant 0 : i32
    %scan3A_1 = arith.constant 80 : i32
    %scan3A_2 = arith.addi %scan3A, %scan3A_1 : i32
    %scan3A_3 = arith.constant 1 : i32
    scf.for %scan3A_6 = %scan3A to %scan3A_2 step %scan3A_3  : i32 {
      %mul3A_7 = arith.constant 1 : i32
      %mul3A_8 = arith.muli %scan3A_6, %mul3A_7 : i32
      %add3A = arith.constant 0 : i32
      %add3A_9 = arith.addi %add3A, %mul3A_8 : i32
      "tpu.region"() ({
        %run_scoped3A = tpu.sem_alloc : memref<!tpu.dma_semaphore, #tpu.memory_space<semaphore_mem>>
        %dma_start3A = arith.constant 0 : i32
        %dma_start3A_10 = tpu.memref_slice %arg7[%add3A_9, %dma_start3A] : memref<80x128xi32, #tpu.memory_space<vmem>> -> memref<1x128xi32, #tpu.memory_space<vmem>>
        %dma_start3A_11 = tpu.memref_squeeze %dma_start3A_10 : memref<1x128xi32, #tpu.memory_space<vmem>> -> memref<128xi32, #tpu.memory_space<vmem>>
        %dma_start3A_12 = arith.constant 0 : i32
        %dma_start3A_13 = arith.constant 0 : i32
        %dma_start3A_14 = tpu.memref_slice %arg6[%dma_start3A_12, %dma_start3A_13] : memref<10240x16xf32, #tpu.memory_space<vmem_shared>> -> memref<10240x16xf32, #tpu.memory_space<vmem_shared>>
        tpu.enqueue_indirect_dma source(%arg8 : memref<128x16xf32, #tpu.memory_space<vmem>>) target(%dma_start3A_14 : memref<10240x16xf32, #tpu.memory_space<vmem_shared>>) offsets(%dma_start3A_11 : memref<128xi32, #tpu.memory_space<vmem>>) semaphore(%run_scoped3A : memref<!tpu.dma_semaphore, #tpu.memory_space<semaphore_mem>>) {add = true}
        %dma_wait3A = arith.constant 0 : i32
        %dma_wait3A_15 = tpu.memref_slice %arg7[%add3A_9, %dma_wait3A] : memref<80x128xi32, #tpu.memory_space<vmem>> -> memref<1x128xi32, #tpu.memory_space<vmem>>
        %dma_wait3A_16 = tpu.memref_squeeze %dma_wait3A_15 : memref<1x128xi32, #tpu.memory_space<vmem>> -> memref<128xi32, #tpu.memory_space<vmem>>
        %dma_wait3A_17 = arith.constant 0 : i32
        %dma_wait3A_18 = arith.constant 0 : i32
        %dma_wait3A_19 = tpu.memref_slice %arg6[%dma_wait3A_17, %dma_wait3A_18] : memref<10240x16xf32, #tpu.memory_space<vmem_shared>> -> memref<10240x16xf32, #tpu.memory_space<vmem_shared>>
        tpu.wait_indirect_dma semaphore(%run_scoped3A : memref<!tpu.dma_semaphore, #tpu.memory_space<semaphore_mem>>) src(%arg8 : memref<128x16xf32, #tpu.memory_space<vmem>>) dst(%dma_wait3A_19 : memref<10240x16xf32, #tpu.memory_space<vmem_shared>>)
        tpu.yield
      }) : () -> ()
    }
    %scan3A_4 = arith.constant 80 : i32
    %barrier3A_5 = arith.constant 0 : index
    tpu.barrier barrier_id(%barrier3A_5)
    "tpu.region"() ({
      %run_scoped3A = tpu.sem_alloc : memref<!tpu.dma_semaphore, #tpu.memory_space<semaphore_mem>>
      %dma_start3A = arith.constant 0 : i32
      %dma_start3A_6 = tpu.memref_slice %arg5[%arg0, %mul3A_0, %dma_start3A] : memref<2x10240x16xf32, #tpu.memory_space<hbm>> -> memref<1x640x16xf32, #tpu.memory_space<hbm>>
      %dma_start3A_7 = tpu.memref_squeeze %dma_start3A_6 : memref<1x640x16xf32, #tpu.memory_space<hbm>> -> memref<640x16xf32, #tpu.memory_space<hbm>>
      %dma_start3A_8 = arith.constant 0 : i32
      %dma_start3A_9 = tpu.memref_slice %arg6[%mul3A_0, %dma_start3A_8] : memref<10240x16xf32, #tpu.memory_space<vmem_shared>> -> memref<640x16xf32, #tpu.memory_space<vmem_shared>>
      tpu.enqueue_dma source(%dma_start3A_9 : memref<640x16xf32, #tpu.memory_space<vmem_shared>>) target(%dma_start3A_7 : memref<640x16xf32, #tpu.memory_space<hbm>>) target_semaphore(%run_scoped3A : memref<!tpu.dma_semaphore, #tpu.memory_space<semaphore_mem>>)
      %dma_wait3A = arith.constant 0 : i32
      %dma_wait3A_10 = tpu.memref_slice %arg5[%arg0, %mul3A_0, %dma_wait3A] : memref<2x10240x16xf32, #tpu.memory_space<hbm>> -> memref<1x640x16xf32, #tpu.memory_space<hbm>>
      %dma_wait3A_11 = tpu.memref_squeeze %dma_wait3A_10 : memref<1x640x16xf32, #tpu.memory_space<hbm>> -> memref<640x16xf32, #tpu.memory_space<hbm>>
      %dma_wait3A_12 = arith.constant 0 : i32
      %dma_wait3A_13 = tpu.memref_slice %arg6[%mul3A_0, %dma_wait3A_12] : memref<10240x16xf32, #tpu.memory_space<vmem_shared>> -> memref<640x16xf32, #tpu.memory_space<vmem_shared>>
      tpu.wait_dma2 semaphore(%run_scoped3A : memref<!tpu.dma_semaphore, #tpu.memory_space<semaphore_mem>>) src(%dma_wait3A_13 : memref<640x16xf32, #tpu.memory_space<vmem_shared>>) dst(%dma_wait3A_11 : memref<640x16xf32, #tpu.memory_space<hbm>>)
      tpu.yield
    }) : () -> ()
    return
  }
}

#map = affine_map<(d0, d1) -> (0, 0)>
#map1 = affine_map<(d0, d1) -> (0, 0, 0, 0)>
#map2 = affine_map<(d0, d1) -> (0, 0, 0)>
module attributes {stable_mosaic.version = 14 : i64} {
  func.func @body(%arg0: i32, %arg1: i32, %arg2: memref<10240x128xf32, #tpu.memory_space<hbm>>, %arg3: memref<2x16x80x128xi32, #tpu.memory_space<hbm>>, %arg4: memref<2x16x80x128xi32, #tpu.memory_space<hbm>>, %arg5: memref<640x128xf32, #tpu.memory_space<hbm>>, %arg6: memref<2x10240x128xf32, #tpu.memory_space<hbm>>, %arg7: memref<10240x128xf32, #tpu.memory_space<vmem_shared>>, %arg8: memref<40x128xi32, #tpu.memory_space<vmem>>, %arg9: memref<40x128xi32, #tpu.memory_space<vmem>>, %arg10: memref<2x128x128xf32, #tpu.memory_space<vmem>>, %arg11: memref<2x!tpu.dma_semaphore, #tpu.memory_space<semaphore_mem>>, %arg12: memref<!tpu.dma_semaphore, #tpu.memory_space<semaphore_mem>>) attributes {dimension_semantics = [#tpu.dimension_semantics<core_parallel>, #tpu.dimension_semantics<subcore_parallel>], iteration_bounds = array<i64: 2, 16>, scalar_prefetch = 0 : i64, scratch_operands = 6 : i64, tpu.core_type = #tpu.core_type<sc_vector_subcore>, window_params = [{transform_indices = #map}, {transform_indices = #map1}, {transform_indices = #map1}, {transform_indices = #map}, {transform_indices = #map2}]} {
    %mul3A = arith.constant 640 : i32
    %mul3A_0 = arith.muli %arg1, %mul3A : i32
    %dma_start3A = arith.constant 0 : i32
    %dma_start3A_1 = tpu.memref_slice %arg7[%mul3A_0, %dma_start3A] : memref<10240x128xf32, #tpu.memory_space<vmem_shared>> -> memref<640x128xf32, #tpu.memory_space<vmem_shared>>
    tpu.enqueue_dma source(%arg5 : memref<640x128xf32, #tpu.memory_space<hbm>>) target(%dma_start3A_1 : memref<640x128xf32, #tpu.memory_space<vmem_shared>>) target_semaphore(%arg12 : memref<!tpu.dma_semaphore, #tpu.memory_space<semaphore_mem>>)
    "tpu.region"() ({
      %run_scoped3A = tpu.sem_alloc : memref<!tpu.dma_semaphore, #tpu.memory_space<semaphore_mem>>
      %dma_start3A_73 = arith.constant 0 : i32
      %dma_start3A_74 = arith.constant 0 : i32
      %dma_start3A_75 = tpu.memref_slice %arg3[%arg0, %arg1, %dma_start3A_73, %dma_start3A_74] : memref<2x16x80x128xi32, #tpu.memory_space<hbm>> -> memref<1x1x40x128xi32, #tpu.memory_space<hbm>>
      %dma_start3A_76 = tpu.memref_squeeze %dma_start3A_75 : memref<1x1x40x128xi32, #tpu.memory_space<hbm>> -> memref<40x128xi32, #tpu.memory_space<hbm>>
      %dma_start3A_77 = arith.constant 0 : i32
      %dma_start3A_78 = arith.constant 0 : i32
      %dma_start3A_79 = tpu.memref_slice %arg3[%arg0, %arg1, %dma_start3A_77, %dma_start3A_78] : memref<2x16x80x128xi32, #tpu.memory_space<hbm>> -> memref<1x1x40x128xi32, #tpu.memory_space<hbm>>
      %dma_start3A_80 = tpu.memref_squeeze %dma_start3A_79 : memref<1x1x40x128xi32, #tpu.memory_space<hbm>> -> memref<40x128xi32, #tpu.memory_space<hbm>>
      tpu.enqueue_dma source(%dma_start3A_80 : memref<40x128xi32, #tpu.memory_space<hbm>>) target(%arg8 : memref<40x128xi32, #tpu.memory_space<vmem>>) target_semaphore(%run_scoped3A : memref<!tpu.dma_semaphore, #tpu.memory_space<semaphore_mem>>)
      %dma_wait3A_81 = arith.constant 0 : i32
      %dma_wait3A_82 = arith.constant 0 : i32
      %dma_wait3A_83 = tpu.memref_slice %arg3[%arg0, %arg1, %dma_wait3A_81, %dma_wait3A_82] : memref<2x16x80x128xi32, #tpu.memory_space<hbm>> -> memref<1x1x40x128xi32, #tpu.memory_space<hbm>>
      %dma_wait3A_84 = tpu.memref_squeeze %dma_wait3A_83 : memref<1x1x40x128xi32, #tpu.memory_space<hbm>> -> memref<40x128xi32, #tpu.memory_space<hbm>>
      %dma_wait3A_85 = arith.constant 0 : i32
      %dma_wait3A_86 = arith.constant 0 : i32
      %dma_wait3A_87 = tpu.memref_slice %arg3[%arg0, %arg1, %dma_wait3A_85, %dma_wait3A_86] : memref<2x16x80x128xi32, #tpu.memory_space<hbm>> -> memref<1x1x40x128xi32, #tpu.memory_space<hbm>>
      %dma_wait3A_88 = tpu.memref_squeeze %dma_wait3A_87 : memref<1x1x40x128xi32, #tpu.memory_space<hbm>> -> memref<40x128xi32, #tpu.memory_space<hbm>>
      tpu.wait_dma2 semaphore(%run_scoped3A : memref<!tpu.dma_semaphore, #tpu.memory_space<semaphore_mem>>) src(%dma_wait3A_88 : memref<40x128xi32, #tpu.memory_space<hbm>>) dst(%arg8 : memref<40x128xi32, #tpu.memory_space<vmem>>)
      tpu.yield
    }) : () -> ()
    "tpu.region"() ({
      %run_scoped3A = tpu.sem_alloc : memref<!tpu.dma_semaphore, #tpu.memory_space<semaphore_mem>>
      %dma_start3A_73 = arith.constant 0 : i32
      %dma_start3A_74 = arith.constant 0 : i32
      %dma_start3A_75 = tpu.memref_slice %arg4[%arg0, %arg1, %dma_start3A_73, %dma_start3A_74] : memref<2x16x80x128xi32, #tpu.memory_space<hbm>> -> memref<1x1x40x128xi32, #tpu.memory_space<hbm>>
      %dma_start3A_76 = tpu.memref_squeeze %dma_start3A_75 : memref<1x1x40x128xi32, #tpu.memory_space<hbm>> -> memref<40x128xi32, #tpu.memory_space<hbm>>
      %dma_start3A_77 = arith.constant 0 : i32
      %dma_start3A_78 = arith.constant 0 : i32
      %dma_start3A_79 = tpu.memref_slice %arg4[%arg0, %arg1, %dma_start3A_77, %dma_start3A_78] : memref<2x16x80x128xi32, #tpu.memory_space<hbm>> -> memref<1x1x40x128xi32, #tpu.memory_space<hbm>>
      %dma_start3A_80 = tpu.memref_squeeze %dma_start3A_79 : memref<1x1x40x128xi32, #tpu.memory_space<hbm>> -> memref<40x128xi32, #tpu.memory_space<hbm>>
      tpu.enqueue_dma source(%dma_start3A_80 : memref<40x128xi32, #tpu.memory_space<hbm>>) target(%arg9 : memref<40x128xi32, #tpu.memory_space<vmem>>) target_semaphore(%run_scoped3A : memref<!tpu.dma_semaphore, #tpu.memory_space<semaphore_mem>>)
      %dma_wait3A_81 = arith.constant 0 : i32
      %dma_wait3A_82 = arith.constant 0 : i32
      %dma_wait3A_83 = tpu.memref_slice %arg4[%arg0, %arg1, %dma_wait3A_81, %dma_wait3A_82] : memref<2x16x80x128xi32, #tpu.memory_space<hbm>> -> memref<1x1x40x128xi32, #tpu.memory_space<hbm>>
      %dma_wait3A_84 = tpu.memref_squeeze %dma_wait3A_83 : memref<1x1x40x128xi32, #tpu.memory_space<hbm>> -> memref<40x128xi32, #tpu.memory_space<hbm>>
      %dma_wait3A_85 = arith.constant 0 : i32
      %dma_wait3A_86 = arith.constant 0 : i32
      %dma_wait3A_87 = tpu.memref_slice %arg4[%arg0, %arg1, %dma_wait3A_85, %dma_wait3A_86] : memref<2x16x80x128xi32, #tpu.memory_space<hbm>> -> memref<1x1x40x128xi32, #tpu.memory_space<hbm>>
      %dma_wait3A_88 = tpu.memref_squeeze %dma_wait3A_87 : memref<1x1x40x128xi32, #tpu.memory_space<hbm>> -> memref<40x128xi32, #tpu.memory_space<hbm>>
      tpu.wait_dma2 semaphore(%run_scoped3A : memref<!tpu.dma_semaphore, #tpu.memory_space<semaphore_mem>>) src(%dma_wait3A_88 : memref<40x128xi32, #tpu.memory_space<hbm>>) dst(%arg9 : memref<40x128xi32, #tpu.memory_space<vmem>>)
      tpu.yield
    }) : () -> ()
    %dma_start3A_2 = arith.constant 0 : i32
    %dma_start3A_3 = arith.constant 0 : i32
    %dma_start3A_4 = arith.constant 0 : i32
    %dma_start3A_5 = arith.constant 0 : i32
    %dma_start3A_6 = arith.constant 0 : i32
    %dma_start3A_7 = tpu.memref_slice %arg10[%dma_start3A_3, %dma_start3A_5, %dma_start3A_6] : memref<2x128x128xf32, #tpu.memory_space<vmem>> -> memref<1x128x128xf32, #tpu.memory_space<vmem>>
    %dma_start3A_8 = tpu.memref_squeeze %dma_start3A_7 : memref<1x128x128xf32, #tpu.memory_space<vmem>> -> memref<128x128xf32, #tpu.memory_space<vmem>>
    %dma_start3A_9 = arith.constant 0 : i32
    %dma_start3A_10 = tpu.memref_slice %arg8[%dma_start3A_2, %dma_start3A_9] : memref<40x128xi32, #tpu.memory_space<vmem>> -> memref<1x128xi32, #tpu.memory_space<vmem>>
    %dma_start3A_11 = tpu.memref_squeeze %dma_start3A_10 : memref<1x128xi32, #tpu.memory_space<vmem>> -> memref<128xi32, #tpu.memory_space<vmem>>
    %dma_start3A_12 = arith.constant 0 : i32
    %dma_start3A_13 = arith.constant 0 : i32
    %dma_start3A_14 = tpu.memref_slice %arg2[%dma_start3A_12, %dma_start3A_13] : memref<10240x128xf32, #tpu.memory_space<hbm>> -> memref<10240x128xf32, #tpu.memory_space<hbm>>
    %dma_start3A_15 = tpu.memref_slice %arg11[%dma_start3A_4] : memref<2x!tpu.dma_semaphore, #tpu.memory_space<semaphore_mem>> -> memref<1x!tpu.dma_semaphore, #tpu.memory_space<semaphore_mem>>
    %dma_start3A_16 = tpu.memref_squeeze %dma_start3A_15 : memref<1x!tpu.dma_semaphore, #tpu.memory_space<semaphore_mem>> -> memref<!tpu.dma_semaphore, #tpu.memory_space<semaphore_mem>>
    tpu.enqueue_indirect_dma source(%dma_start3A_14 : memref<10240x128xf32, #tpu.memory_space<hbm>>) target(%dma_start3A_8 : memref<128x128xf32, #tpu.memory_space<vmem>>) offsets(%dma_start3A_11 : memref<128xi32, #tpu.memory_space<vmem>>) semaphore(%dma_start3A_16 : memref<!tpu.dma_semaphore, #tpu.memory_space<semaphore_mem>>)
    %dma_start3A_17 = arith.constant 1 : i32
    %dma_start3A_18 = arith.constant 1 : i32
    %dma_start3A_19 = arith.constant 1 : i32
    %dma_start3A_20 = arith.constant 0 : i32
    %dma_start3A_21 = arith.constant 0 : i32
    %dma_start3A_22 = tpu.memref_slice %arg10[%dma_start3A_18, %dma_start3A_20, %dma_start3A_21] : memref<2x128x128xf32, #tpu.memory_space<vmem>> -> memref<1x128x128xf32, #tpu.memory_space<vmem>>
    %dma_start3A_23 = tpu.memref_squeeze %dma_start3A_22 : memref<1x128x128xf32, #tpu.memory_space<vmem>> -> memref<128x128xf32, #tpu.memory_space<vmem>>
    %dma_start3A_24 = arith.constant 0 : i32
    %dma_start3A_25 = tpu.memref_slice %arg8[%dma_start3A_17, %dma_start3A_24] : memref<40x128xi32, #tpu.memory_space<vmem>> -> memref<1x128xi32, #tpu.memory_space<vmem>>
    %dma_start3A_26 = tpu.memref_squeeze %dma_start3A_25 : memref<1x128xi32, #tpu.memory_space<vmem>> -> memref<128xi32, #tpu.memory_space<vmem>>
    %dma_start3A_27 = arith.constant 0 : i32
    %dma_start3A_28 = arith.constant 0 : i32
    %dma_start3A_29 = tpu.memref_slice %arg2[%dma_start3A_27, %dma_start3A_28] : memref<10240x128xf32, #tpu.memory_space<hbm>> -> memref<10240x128xf32, #tpu.memory_space<hbm>>
    %dma_start3A_30 = tpu.memref_slice %arg11[%dma_start3A_19] : memref<2x!tpu.dma_semaphore, #tpu.memory_space<semaphore_mem>> -> memref<1x!tpu.dma_semaphore, #tpu.memory_space<semaphore_mem>>
    %dma_start3A_31 = tpu.memref_squeeze %dma_start3A_30 : memref<1x!tpu.dma_semaphore, #tpu.memory_space<semaphore_mem>> -> memref<!tpu.dma_semaphore, #tpu.memory_space<semaphore_mem>>
    tpu.enqueue_indirect_dma source(%dma_start3A_29 : memref<10240x128xf32, #tpu.memory_space<hbm>>) target(%dma_start3A_23 : memref<128x128xf32, #tpu.memory_space<vmem>>) offsets(%dma_start3A_26 : memref<128xi32, #tpu.memory_space<vmem>>) semaphore(%dma_start3A_31 : memref<!tpu.dma_semaphore, #tpu.memory_space<semaphore_mem>>)
    %dma_wait3A = arith.constant 0 : i32
    %dma_wait3A_32 = tpu.memref_slice %arg7[%mul3A_0, %dma_wait3A] : memref<10240x128xf32, #tpu.memory_space<vmem_shared>> -> memref<640x128xf32, #tpu.memory_space<vmem_shared>>
    tpu.wait_dma2 semaphore(%arg12 : memref<!tpu.dma_semaphore, #tpu.memory_space<semaphore_mem>>) src(%arg5 : memref<640x128xf32, #tpu.memory_space<hbm>>) dst(%dma_wait3A_32 : memref<640x128xf32, #tpu.memory_space<vmem_shared>>)
    %barrier3A = arith.constant 0 : index
    tpu.barrier barrier_id(%barrier3A)
    %scan3A = arith.constant 0 : i32
    %scan3A_33 = arith.constant 20 : i32
    %scan3A_34 = arith.addi %scan3A, %scan3A_33 : i32
    %scan3A_35 = arith.constant 1 : i32
    scf.for %scan3A_73 = %scan3A to %scan3A_34 step %scan3A_35  : i32 {
      %mul3A_74 = arith.constant 1 : i32
      %mul3A_75 = arith.muli %scan3A_73, %mul3A_74 : i32
      %add3A = arith.constant 0 : i32
      %add3A_76 = arith.addi %add3A, %mul3A_75 : i32
      %mul3A_77 = arith.constant 2 : i32
      %mul3A_78 = arith.muli %add3A_76, %mul3A_77 : i32
      %add3A_79 = arith.constant 0 : i32
      %add3A_80 = arith.addi %mul3A_78, %add3A_79 : i32
      %dma_wait3A_81 = arith.constant 0 : i32
      %dma_wait3A_82 = arith.constant 0 : i32
      %dma_wait3A_83 = arith.constant 0 : i32
      %dma_wait3A_84 = arith.constant 0 : i32
      %dma_wait3A_85 = tpu.memref_slice %arg10[%dma_wait3A_81, %dma_wait3A_83, %dma_wait3A_84] : memref<2x128x128xf32, #tpu.memory_space<vmem>> -> memref<1x128x128xf32, #tpu.memory_space<vmem>>
      %dma_wait3A_86 = tpu.memref_squeeze %dma_wait3A_85 : memref<1x128x128xf32, #tpu.memory_space<vmem>> -> memref<128x128xf32, #tpu.memory_space<vmem>>
      %dma_wait3A_87 = arith.constant 0 : i32
      %dma_wait3A_88 = tpu.memref_slice %arg8[%add3A_80, %dma_wait3A_87] : memref<40x128xi32, #tpu.memory_space<vmem>> -> memref<1x128xi32, #tpu.memory_space<vmem>>
      %dma_wait3A_89 = tpu.memref_squeeze %dma_wait3A_88 : memref<1x128xi32, #tpu.memory_space<vmem>> -> memref<128xi32, #tpu.memory_space<vmem>>
      %dma_wait3A_90 = arith.constant 0 : i32
      %dma_wait3A_91 = arith.constant 0 : i32
      %dma_wait3A_92 = tpu.memref_slice %arg2[%dma_wait3A_90, %dma_wait3A_91] : memref<10240x128xf32, #tpu.memory_space<hbm>> -> memref<10240x128xf32, #tpu.memory_space<hbm>>
      %dma_wait3A_93 = tpu.memref_slice %arg11[%dma_wait3A_82] : memref<2x!tpu.dma_semaphore, #tpu.memory_space<semaphore_mem>> -> memref<1x!tpu.dma_semaphore, #tpu.memory_space<semaphore_mem>>
      %dma_wait3A_94 = tpu.memref_squeeze %dma_wait3A_93 : memref<1x!tpu.dma_semaphore, #tpu.memory_space<semaphore_mem>> -> memref<!tpu.dma_semaphore, #tpu.memory_space<semaphore_mem>>
      tpu.wait_indirect_dma semaphore(%dma_wait3A_94 : memref<!tpu.dma_semaphore, #tpu.memory_space<semaphore_mem>>) src(%dma_wait3A_92 : memref<10240x128xf32, #tpu.memory_space<hbm>>) dst(%dma_wait3A_86 : memref<128x128xf32, #tpu.memory_space<vmem>>)
      %run_scoped3A = arith.constant 0 : i32
      "tpu.region"() ({
        %run_scoped3A_125 = tpu.sem_alloc : memref<!tpu.dma_semaphore, #tpu.memory_space<semaphore_mem>>
        %dma_start3A_126 = arith.constant 0 : i32
        %dma_start3A_127 = arith.constant 0 : i32
        %dma_start3A_128 = tpu.memref_slice %arg10[%run_scoped3A, %dma_start3A_126, %dma_start3A_127] : memref<2x128x128xf32, #tpu.memory_space<vmem>> -> memref<1x128x128xf32, #tpu.memory_space<vmem>>
        %dma_start3A_129 = tpu.memref_squeeze %dma_start3A_128 : memref<1x128x128xf32, #tpu.memory_space<vmem>> -> memref<128x128xf32, #tpu.memory_space<vmem>>
        %dma_start3A_130 = arith.constant 0 : i32
        %dma_start3A_131 = tpu.memref_slice %arg9[%add3A_80, %dma_start3A_130] : memref<40x128xi32, #tpu.memory_space<vmem>> -> memref<1x128xi32, #tpu.memory_space<vmem>>
        %dma_start3A_132 = tpu.memref_squeeze %dma_start3A_131 : memref<1x128xi32, #tpu.memory_space<vmem>> -> memref<128xi32, #tpu.memory_space<vmem>>
        %dma_start3A_133 = arith.constant 0 : i32
        %dma_start3A_134 = arith.constant 0 : i32
        %dma_start3A_135 = tpu.memref_slice %arg7[%dma_start3A_133, %dma_start3A_134] : memref<10240x128xf32, #tpu.memory_space<vmem_shared>> -> memref<10240x128xf32, #tpu.memory_space<vmem_shared>>
        tpu.enqueue_indirect_dma source(%dma_start3A_129 : memref<128x128xf32, #tpu.memory_space<vmem>>) target(%dma_start3A_135 : memref<10240x128xf32, #tpu.memory_space<vmem_shared>>) offsets(%dma_start3A_132 : memref<128xi32, #tpu.memory_space<vmem>>) semaphore(%run_scoped3A_125 : memref<!tpu.dma_semaphore, #tpu.memory_space<semaphore_mem>>) {add = true}
        %dma_wait3A_136 = arith.constant 0 : i32
        %dma_wait3A_137 = arith.constant 0 : i32
        %dma_wait3A_138 = tpu.memref_slice %arg10[%run_scoped3A, %dma_wait3A_136, %dma_wait3A_137] : memref<2x128x128xf32, #tpu.memory_space<vmem>> -> memref<1x128x128xf32, #tpu.memory_space<vmem>>
        %dma_wait3A_139 = tpu.memref_squeeze %dma_wait3A_138 : memref<1x128x128xf32, #tpu.memory_space<vmem>> -> memref<128x128xf32, #tpu.memory_space<vmem>>
        %dma_wait3A_140 = arith.constant 0 : i32
        %dma_wait3A_141 = tpu.memref_slice %arg9[%add3A_80, %dma_wait3A_140] : memref<40x128xi32, #tpu.memory_space<vmem>> -> memref<1x128xi32, #tpu.memory_space<vmem>>
        %dma_wait3A_142 = tpu.memref_squeeze %dma_wait3A_141 : memref<1x128xi32, #tpu.memory_space<vmem>> -> memref<128xi32, #tpu.memory_space<vmem>>
        %dma_wait3A_143 = arith.constant 0 : i32
        %dma_wait3A_144 = arith.constant 0 : i32
        %dma_wait3A_145 = tpu.memref_slice %arg7[%dma_wait3A_143, %dma_wait3A_144] : memref<10240x128xf32, #tpu.memory_space<vmem_shared>> -> memref<10240x128xf32, #tpu.memory_space<vmem_shared>>
        tpu.wait_indirect_dma semaphore(%run_scoped3A_125 : memref<!tpu.dma_semaphore, #tpu.memory_space<semaphore_mem>>) src(%dma_wait3A_139 : memref<128x128xf32, #tpu.memory_space<vmem>>) dst(%dma_wait3A_145 : memref<10240x128xf32, #tpu.memory_space<vmem_shared>>)
        tpu.yield
      }) : () -> ()
      %add3A_95 = arith.constant 2 : i32
      %add3A_96 = arith.addi %add3A_80, %add3A_95 : i32
      %lt3A = arith.constant 40 : i32
      %lt3A_97 = arith.cmpi slt, %add3A_96, %lt3A : i32
      %convert_element_type3A = arith.extui %lt3A_97 : i1 to i32
      %cond3A = arith.constant 0 : i32
      %cond3A_98 = arith.cmpi ne, %convert_element_type3A, %cond3A : i32
      scf.if %cond3A_98 {
        %add3A_125 = arith.constant 2 : i32
        %add3A_126 = arith.addi %add3A_80, %add3A_125 : i32
        %dma_start3A_127 = arith.constant 0 : i32
        %dma_start3A_128 = arith.constant 0 : i32
        %dma_start3A_129 = arith.constant 0 : i32
        %dma_start3A_130 = arith.constant 0 : i32
        %dma_start3A_131 = tpu.memref_slice %arg10[%dma_start3A_127, %dma_start3A_129, %dma_start3A_130] : memref<2x128x128xf32, #tpu.memory_space<vmem>> -> memref<1x128x128xf32, #tpu.memory_space<vmem>>
        %dma_start3A_132 = tpu.memref_squeeze %dma_start3A_131 : memref<1x128x128xf32, #tpu.memory_space<vmem>> -> memref<128x128xf32, #tpu.memory_space<vmem>>
        %dma_start3A_133 = arith.constant 0 : i32
        %dma_start3A_134 = tpu.memref_slice %arg8[%add3A_126, %dma_start3A_133] : memref<40x128xi32, #tpu.memory_space<vmem>> -> memref<1x128xi32, #tpu.memory_space<vmem>>
        %dma_start3A_135 = tpu.memref_squeeze %dma_start3A_134 : memref<1x128xi32, #tpu.memory_space<vmem>> -> memref<128xi32, #tpu.memory_space<vmem>>
        %dma_start3A_136 = arith.constant 0 : i32
        %dma_start3A_137 = arith.constant 0 : i32
        %dma_start3A_138 = tpu.memref_slice %arg2[%dma_start3A_136, %dma_start3A_137] : memref<10240x128xf32, #tpu.memory_space<hbm>> -> memref<10240x128xf32, #tpu.memory_space<hbm>>
        %dma_start3A_139 = tpu.memref_slice %arg11[%dma_start3A_128] : memref<2x!tpu.dma_semaphore, #tpu.memory_space<semaphore_mem>> -> memref<1x!tpu.dma_semaphore, #tpu.memory_space<semaphore_mem>>
        %dma_start3A_140 = tpu.memref_squeeze %dma_start3A_139 : memref<1x!tpu.dma_semaphore, #tpu.memory_space<semaphore_mem>> -> memref<!tpu.dma_semaphore, #tpu.memory_space<semaphore_mem>>
        tpu.enqueue_indirect_dma source(%dma_start3A_138 : memref<10240x128xf32, #tpu.memory_space<hbm>>) target(%dma_start3A_132 : memref<128x128xf32, #tpu.memory_space<vmem>>) offsets(%dma_start3A_135 : memref<128xi32, #tpu.memory_space<vmem>>) semaphore(%dma_start3A_140 : memref<!tpu.dma_semaphore, #tpu.memory_space<semaphore_mem>>)
      } else {
      }
      %mul3A_99 = arith.constant 2 : i32
      %mul3A_100 = arith.muli %add3A_76, %mul3A_99 : i32
      %add3A_101 = arith.constant 1 : i32
      %add3A_102 = arith.addi %mul3A_100, %add3A_101 : i32
      %dma_wait3A_103 = arith.constant 1 : i32
      %dma_wait3A_104 = arith.constant 1 : i32
      %dma_wait3A_105 = arith.constant 0 : i32
      %dma_wait3A_106 = arith.constant 0 : i32
      %dma_wait3A_107 = tpu.memref_slice %arg10[%dma_wait3A_103, %dma_wait3A_105, %dma_wait3A_106] : memref<2x128x128xf32, #tpu.memory_space<vmem>> -> memref<1x128x128xf32, #tpu.memory_space<vmem>>
      %dma_wait3A_108 = tpu.memref_squeeze %dma_wait3A_107 : memref<1x128x128xf32, #tpu.memory_space<vmem>> -> memref<128x128xf32, #tpu.memory_space<vmem>>
      %dma_wait3A_109 = arith.constant 0 : i32
      %dma_wait3A_110 = tpu.memref_slice %arg8[%add3A_102, %dma_wait3A_109] : memref<40x128xi32, #tpu.memory_space<vmem>> -> memref<1x128xi32, #tpu.memory_space<vmem>>
      %dma_wait3A_111 = tpu.memref_squeeze %dma_wait3A_110 : memref<1x128xi32, #tpu.memory_space<vmem>> -> memref<128xi32, #tpu.memory_space<vmem>>
      %dma_wait3A_112 = arith.constant 0 : i32
      %dma_wait3A_113 = arith.constant 0 : i32
      %dma_wait3A_114 = tpu.memref_slice %arg2[%dma_wait3A_112, %dma_wait3A_113] : memref<10240x128xf32, #tpu.memory_space<hbm>> -> memref<10240x128xf32, #tpu.memory_space<hbm>>
      %dma_wait3A_115 = tpu.memref_slice %arg11[%dma_wait3A_104] : memref<2x!tpu.dma_semaphore, #tpu.memory_space<semaphore_mem>> -> memref<1x!tpu.dma_semaphore, #tpu.memory_space<semaphore_mem>>
      %dma_wait3A_116 = tpu.memref_squeeze %dma_wait3A_115 : memref<1x!tpu.dma_semaphore, #tpu.memory_space<semaphore_mem>> -> memref<!tpu.dma_semaphore, #tpu.memory_space<semaphore_mem>>
      tpu.wait_indirect_dma semaphore(%dma_wait3A_116 : memref<!tpu.dma_semaphore, #tpu.memory_space<semaphore_mem>>) src(%dma_wait3A_114 : memref<10240x128xf32, #tpu.memory_space<hbm>>) dst(%dma_wait3A_108 : memref<128x128xf32, #tpu.memory_space<vmem>>)
      %run_scoped3A_117 = arith.constant 1 : i32
      "tpu.region"() ({
        %run_scoped3A_125 = tpu.sem_alloc : memref<!tpu.dma_semaphore, #tpu.memory_space<semaphore_mem>>
        %dma_start3A_126 = arith.constant 0 : i32
        %dma_start3A_127 = arith.constant 0 : i32
        %dma_start3A_128 = tpu.memref_slice %arg10[%run_scoped3A_117, %dma_start3A_126, %dma_start3A_127] : memref<2x128x128xf32, #tpu.memory_space<vmem>> -> memref<1x128x128xf32, #tpu.memory_space<vmem>>
        %dma_start3A_129 = tpu.memref_squeeze %dma_start3A_128 : memref<1x128x128xf32, #tpu.memory_space<vmem>> -> memref<128x128xf32, #tpu.memory_space<vmem>>
        %dma_start3A_130 = arith.constant 0 : i32
        %dma_start3A_131 = tpu.memref_slice %arg9[%add3A_102, %dma_start3A_130] : memref<40x128xi32, #tpu.memory_space<vmem>> -> memref<1x128xi32, #tpu.memory_space<vmem>>
        %dma_start3A_132 = tpu.memref_squeeze %dma_start3A_131 : memref<1x128xi32, #tpu.memory_space<vmem>> -> memref<128xi32, #tpu.memory_space<vmem>>
        %dma_start3A_133 = arith.constant 0 : i32
        %dma_start3A_134 = arith.constant 0 : i32
        %dma_start3A_135 = tpu.memref_slice %arg7[%dma_start3A_133, %dma_start3A_134] : memref<10240x128xf32, #tpu.memory_space<vmem_shared>> -> memref<10240x128xf32, #tpu.memory_space<vmem_shared>>
        tpu.enqueue_indirect_dma source(%dma_start3A_129 : memref<128x128xf32, #tpu.memory_space<vmem>>) target(%dma_start3A_135 : memref<10240x128xf32, #tpu.memory_space<vmem_shared>>) offsets(%dma_start3A_132 : memref<128xi32, #tpu.memory_space<vmem>>) semaphore(%run_scoped3A_125 : memref<!tpu.dma_semaphore, #tpu.memory_space<semaphore_mem>>) {add = true}
        %dma_wait3A_136 = arith.constant 0 : i32
        %dma_wait3A_137 = arith.constant 0 : i32
        %dma_wait3A_138 = tpu.memref_slice %arg10[%run_scoped3A_117, %dma_wait3A_136, %dma_wait3A_137] : memref<2x128x128xf32, #tpu.memory_space<vmem>> -> memref<1x128x128xf32, #tpu.memory_space<vmem>>
        %dma_wait3A_139 = tpu.memref_squeeze %dma_wait3A_138 : memref<1x128x128xf32, #tpu.memory_space<vmem>> -> memref<128x128xf32, #tpu.memory_space<vmem>>
        %dma_wait3A_140 = arith.constant 0 : i32
        %dma_wait3A_141 = tpu.memref_slice %arg9[%add3A_102, %dma_wait3A_140] : memref<40x128xi32, #tpu.memory_space<vmem>> -> memref<1x128xi32, #tpu.memory_space<vmem>>
        %dma_wait3A_142 = tpu.memref_squeeze %dma_wait3A_141 : memref<1x128xi32, #tpu.memory_space<vmem>> -> memref<128xi32, #tpu.memory_space<vmem>>
        %dma_wait3A_143 = arith.constant 0 : i32
        %dma_wait3A_144 = arith.constant 0 : i32
        %dma_wait3A_145 = tpu.memref_slice %arg7[%dma_wait3A_143, %dma_wait3A_144] : memref<10240x128xf32, #tpu.memory_space<vmem_shared>> -> memref<10240x128xf32, #tpu.memory_space<vmem_shared>>
        tpu.wait_indirect_dma semaphore(%run_scoped3A_125 : memref<!tpu.dma_semaphore, #tpu.memory_space<semaphore_mem>>) src(%dma_wait3A_139 : memref<128x128xf32, #tpu.memory_space<vmem>>) dst(%dma_wait3A_145 : memref<10240x128xf32, #tpu.memory_space<vmem_shared>>)
        tpu.yield
      }) : () -> ()
      %add3A_118 = arith.constant 2 : i32
      %add3A_119 = arith.addi %add3A_102, %add3A_118 : i32
      %lt3A_120 = arith.constant 40 : i32
      %lt3A_121 = arith.cmpi slt, %add3A_119, %lt3A_120 : i32
      %convert_element_type3A_122 = arith.extui %lt3A_121 : i1 to i32
      %cond3A_123 = arith.constant 0 : i32
      %cond3A_124 = arith.cmpi ne, %convert_element_type3A_122, %cond3A_123 : i32
      scf.if %cond3A_124 {
        %add3A_125 = arith.constant 2 : i32
        %add3A_126 = arith.addi %add3A_102, %add3A_125 : i32
        %dma_start3A_127 = arith.constant 1 : i32
        %dma_start3A_128 = arith.constant 1 : i32
        %dma_start3A_129 = arith.constant 0 : i32
        %dma_start3A_130 = arith.constant 0 : i32
        %dma_start3A_131 = tpu.memref_slice %arg10[%dma_start3A_127, %dma_start3A_129, %dma_start3A_130] : memref<2x128x128xf32, #tpu.memory_space<vmem>> -> memref<1x128x128xf32, #tpu.memory_space<vmem>>
        %dma_start3A_132 = tpu.memref_squeeze %dma_start3A_131 : memref<1x128x128xf32, #tpu.memory_space<vmem>> -> memref<128x128xf32, #tpu.memory_space<vmem>>
        %dma_start3A_133 = arith.constant 0 : i32
        %dma_start3A_134 = tpu.memref_slice %arg8[%add3A_126, %dma_start3A_133] : memref<40x128xi32, #tpu.memory_space<vmem>> -> memref<1x128xi32, #tpu.memory_space<vmem>>
        %dma_start3A_135 = tpu.memref_squeeze %dma_start3A_134 : memref<1x128xi32, #tpu.memory_space<vmem>> -> memref<128xi32, #tpu.memory_space<vmem>>
        %dma_start3A_136 = arith.constant 0 : i32
        %dma_start3A_137 = arith.constant 0 : i32
        %dma_start3A_138 = tpu.memref_slice %arg2[%dma_start3A_136, %dma_start3A_137] : memref<10240x128xf32, #tpu.memory_space<hbm>> -> memref<10240x128xf32, #tpu.memory_space<hbm>>
        %dma_start3A_139 = tpu.memref_slice %arg11[%dma_start3A_128] : memref<2x!tpu.dma_semaphore, #tpu.memory_space<semaphore_mem>> -> memref<1x!tpu.dma_semaphore, #tpu.memory_space<semaphore_mem>>
        %dma_start3A_140 = tpu.memref_squeeze %dma_start3A_139 : memref<1x!tpu.dma_semaphore, #tpu.memory_space<semaphore_mem>> -> memref<!tpu.dma_semaphore, #tpu.memory_space<semaphore_mem>>
        tpu.enqueue_indirect_dma source(%dma_start3A_138 : memref<10240x128xf32, #tpu.memory_space<hbm>>) target(%dma_start3A_132 : memref<128x128xf32, #tpu.memory_space<vmem>>) offsets(%dma_start3A_135 : memref<128xi32, #tpu.memory_space<vmem>>) semaphore(%dma_start3A_140 : memref<!tpu.dma_semaphore, #tpu.memory_space<semaphore_mem>>)
      } else {
      }
    }
    %scan3A_36 = arith.constant 20 : i32
    "tpu.region"() ({
      %run_scoped3A = tpu.sem_alloc : memref<!tpu.dma_semaphore, #tpu.memory_space<semaphore_mem>>
      %dma_start3A_73 = arith.constant 40 : i32
      %dma_start3A_74 = arith.constant 0 : i32
      %dma_start3A_75 = tpu.memref_slice %arg3[%arg0, %arg1, %dma_start3A_73, %dma_start3A_74] : memref<2x16x80x128xi32, #tpu.memory_space<hbm>> -> memref<1x1x40x128xi32, #tpu.memory_space<hbm>>
      %dma_start3A_76 = tpu.memref_squeeze %dma_start3A_75 : memref<1x1x40x128xi32, #tpu.memory_space<hbm>> -> memref<40x128xi32, #tpu.memory_space<hbm>>
      %dma_start3A_77 = arith.constant 40 : i32
      %dma_start3A_78 = arith.constant 0 : i32
      %dma_start3A_79 = tpu.memref_slice %arg3[%arg0, %arg1, %dma_start3A_77, %dma_start3A_78] : memref<2x16x80x128xi32, #tpu.memory_space<hbm>> -> memref<1x1x40x128xi32, #tpu.memory_space<hbm>>
      %dma_start3A_80 = tpu.memref_squeeze %dma_start3A_79 : memref<1x1x40x128xi32, #tpu.memory_space<hbm>> -> memref<40x128xi32, #tpu.memory_space<hbm>>
      tpu.enqueue_dma source(%dma_start3A_80 : memref<40x128xi32, #tpu.memory_space<hbm>>) target(%arg8 : memref<40x128xi32, #tpu.memory_space<vmem>>) target_semaphore(%run_scoped3A : memref<!tpu.dma_semaphore, #tpu.memory_space<semaphore_mem>>)
      %dma_wait3A_81 = arith.constant 40 : i32
      %dma_wait3A_82 = arith.constant 0 : i32
      %dma_wait3A_83 = tpu.memref_slice %arg3[%arg0, %arg1, %dma_wait3A_81, %dma_wait3A_82] : memref<2x16x80x128xi32, #tpu.memory_space<hbm>> -> memref<1x1x40x128xi32, #tpu.memory_space<hbm>>
      %dma_wait3A_84 = tpu.memref_squeeze %dma_wait3A_83 : memref<1x1x40x128xi32, #tpu.memory_space<hbm>> -> memref<40x128xi32, #tpu.memory_space<hbm>>
      %dma_wait3A_85 = arith.constant 40 : i32
      %dma_wait3A_86 = arith.constant 0 : i32
      %dma_wait3A_87 = tpu.memref_slice %arg3[%arg0, %arg1, %dma_wait3A_85, %dma_wait3A_86] : memref<2x16x80x128xi32, #tpu.memory_space<hbm>> -> memref<1x1x40x128xi32, #tpu.memory_space<hbm>>
      %dma_wait3A_88 = tpu.memref_squeeze %dma_wait3A_87 : memref<1x1x40x128xi32, #tpu.memory_space<hbm>> -> memref<40x128xi32, #tpu.memory_space<hbm>>
      tpu.wait_dma2 semaphore(%run_scoped3A : memref<!tpu.dma_semaphore, #tpu.memory_space<semaphore_mem>>) src(%dma_wait3A_88 : memref<40x128xi32, #tpu.memory_space<hbm>>) dst(%arg8 : memref<40x128xi32, #tpu.memory_space<vmem>>)
      tpu.yield
    }) : () -> ()
    "tpu.region"() ({
      %run_scoped3A = tpu.sem_alloc : memref<!tpu.dma_semaphore, #tpu.memory_space<semaphore_mem>>
      %dma_start3A_73 = arith.constant 40 : i32
      %dma_start3A_74 = arith.constant 0 : i32
      %dma_start3A_75 = tpu.memref_slice %arg4[%arg0, %arg1, %dma_start3A_73, %dma_start3A_74] : memref<2x16x80x128xi32, #tpu.memory_space<hbm>> -> memref<1x1x40x128xi32, #tpu.memory_space<hbm>>
      %dma_start3A_76 = tpu.memref_squeeze %dma_start3A_75 : memref<1x1x40x128xi32, #tpu.memory_space<hbm>> -> memref<40x128xi32, #tpu.memory_space<hbm>>
      %dma_start3A_77 = arith.constant 40 : i32
      %dma_start3A_78 = arith.constant 0 : i32
      %dma_start3A_79 = tpu.memref_slice %arg4[%arg0, %arg1, %dma_start3A_77, %dma_start3A_78] : memref<2x16x80x128xi32, #tpu.memory_space<hbm>> -> memref<1x1x40x128xi32, #tpu.memory_space<hbm>>
      %dma_start3A_80 = tpu.memref_squeeze %dma_start3A_79 : memref<1x1x40x128xi32, #tpu.memory_space<hbm>> -> memref<40x128xi32, #tpu.memory_space<hbm>>
      tpu.enqueue_dma source(%dma_start3A_80 : memref<40x128xi32, #tpu.memory_space<hbm>>) target(%arg9 : memref<40x128xi32, #tpu.memory_space<vmem>>) target_semaphore(%run_scoped3A : memref<!tpu.dma_semaphore, #tpu.memory_space<semaphore_mem>>)
      %dma_wait3A_81 = arith.constant 40 : i32
      %dma_wait3A_82 = arith.constant 0 : i32
      %dma_wait3A_83 = tpu.memref_slice %arg4[%arg0, %arg1, %dma_wait3A_81, %dma_wait3A_82] : memref<2x16x80x128xi32, #tpu.memory_space<hbm>> -> memref<1x1x40x128xi32, #tpu.memory_space<hbm>>
      %dma_wait3A_84 = tpu.memref_squeeze %dma_wait3A_83 : memref<1x1x40x128xi32, #tpu.memory_space<hbm>> -> memref<40x128xi32, #tpu.memory_space<hbm>>
      %dma_wait3A_85 = arith.constant 40 : i32
      %dma_wait3A_86 = arith.constant 0 : i32
      %dma_wait3A_87 = tpu.memref_slice %arg4[%arg0, %arg1, %dma_wait3A_85, %dma_wait3A_86] : memref<2x16x80x128xi32, #tpu.memory_space<hbm>> -> memref<1x1x40x128xi32, #tpu.memory_space<hbm>>
      %dma_wait3A_88 = tpu.memref_squeeze %dma_wait3A_87 : memref<1x1x40x128xi32, #tpu.memory_space<hbm>> -> memref<40x128xi32, #tpu.memory_space<hbm>>
      tpu.wait_dma2 semaphore(%run_scoped3A : memref<!tpu.dma_semaphore, #tpu.memory_space<semaphore_mem>>) src(%dma_wait3A_88 : memref<40x128xi32, #tpu.memory_space<hbm>>) dst(%arg9 : memref<40x128xi32, #tpu.memory_space<vmem>>)
      tpu.yield
    }) : () -> ()
    %dma_start3A_37 = arith.constant 0 : i32
    %dma_start3A_38 = arith.constant 0 : i32
    %dma_start3A_39 = arith.constant 0 : i32
    %dma_start3A_40 = arith.constant 0 : i32
    %dma_start3A_41 = arith.constant 0 : i32
    %dma_start3A_42 = tpu.memref_slice %arg10[%dma_start3A_38, %dma_start3A_40, %dma_start3A_41] : memref<2x128x128xf32, #tpu.memory_space<vmem>> -> memref<1x128x128xf32, #tpu.memory_space<vmem>>
    %dma_start3A_43 = tpu.memref_squeeze %dma_start3A_42 : memref<1x128x128xf32, #tpu.memory_space<vmem>> -> memref<128x128xf32, #tpu.memory_space<vmem>>
    %dma_start3A_44 = arith.constant 0 : i32
    %dma_start3A_45 = tpu.memref_slice %arg8[%dma_start3A_37, %dma_start3A_44] : memref<40x128xi32, #tpu.memory_space<vmem>> -> memref<1x128xi32, #tpu.memory_space<vmem>>
    %dma_start3A_46 = tpu.memref_squeeze %dma_start3A_45 : memref<1x128xi32, #tpu.memory_space<vmem>> -> memref<128xi32, #tpu.memory_space<vmem>>
    %dma_start3A_47 = arith.constant 0 : i32
    %dma_start3A_48 = arith.constant 0 : i32
    %dma_start3A_49 = tpu.memref_slice %arg2[%dma_start3A_47, %dma_start3A_48] : memref<10240x128xf32, #tpu.memory_space<hbm>> -> memref<10240x128xf32, #tpu.memory_space<hbm>>
    %dma_start3A_50 = tpu.memref_slice %arg11[%dma_start3A_39] : memref<2x!tpu.dma_semaphore, #tpu.memory_space<semaphore_mem>> -> memref<1x!tpu.dma_semaphore, #tpu.memory_space<semaphore_mem>>
    %dma_start3A_51 = tpu.memref_squeeze %dma_start3A_50 : memref<1x!tpu.dma_semaphore, #tpu.memory_space<semaphore_mem>> -> memref<!tpu.dma_semaphore, #tpu.memory_space<semaphore_mem>>
    tpu.enqueue_indirect_dma source(%dma_start3A_49 : memref<10240x128xf32, #tpu.memory_space<hbm>>) target(%dma_start3A_43 : memref<128x128xf32, #tpu.memory_space<vmem>>) offsets(%dma_start3A_46 : memref<128xi32, #tpu.memory_space<vmem>>) semaphore(%dma_start3A_51 : memref<!tpu.dma_semaphore, #tpu.memory_space<semaphore_mem>>)
    %dma_start3A_52 = arith.constant 1 : i32
    %dma_start3A_53 = arith.constant 1 : i32
    %dma_start3A_54 = arith.constant 1 : i32
    %dma_start3A_55 = arith.constant 0 : i32
    %dma_start3A_56 = arith.constant 0 : i32
    %dma_start3A_57 = tpu.memref_slice %arg10[%dma_start3A_53, %dma_start3A_55, %dma_start3A_56] : memref<2x128x128xf32, #tpu.memory_space<vmem>> -> memref<1x128x128xf32, #tpu.memory_space<vmem>>
    %dma_start3A_58 = tpu.memref_squeeze %dma_start3A_57 : memref<1x128x128xf32, #tpu.memory_space<vmem>> -> memref<128x128xf32, #tpu.memory_space<vmem>>
    %dma_start3A_59 = arith.constant 0 : i32
    %dma_start3A_60 = tpu.memref_slice %arg8[%dma_start3A_52, %dma_start3A_59] : memref<40x128xi32, #tpu.memory_space<vmem>> -> memref<1x128xi32, #tpu.memory_space<vmem>>
    %dma_start3A_61 = tpu.memref_squeeze %dma_start3A_60 : memref<1x128xi32, #tpu.memory_space<vmem>> -> memref<128xi32, #tpu.memory_space<vmem>>
    %dma_start3A_62 = arith.constant 0 : i32
    %dma_start3A_63 = arith.constant 0 : i32
    %dma_start3A_64 = tpu.memref_slice %arg2[%dma_start3A_62, %dma_start3A_63] : memref<10240x128xf32, #tpu.memory_space<hbm>> -> memref<10240x128xf32, #tpu.memory_space<hbm>>
    %dma_start3A_65 = tpu.memref_slice %arg11[%dma_start3A_54] : memref<2x!tpu.dma_semaphore, #tpu.memory_space<semaphore_mem>> -> memref<1x!tpu.dma_semaphore, #tpu.memory_space<semaphore_mem>>
    %dma_start3A_66 = tpu.memref_squeeze %dma_start3A_65 : memref<1x!tpu.dma_semaphore, #tpu.memory_space<semaphore_mem>> -> memref<!tpu.dma_semaphore, #tpu.memory_space<semaphore_mem>>
    tpu.enqueue_indirect_dma source(%dma_start3A_64 : memref<10240x128xf32, #tpu.memory_space<hbm>>) target(%dma_start3A_58 : memref<128x128xf32, #tpu.memory_space<vmem>>) offsets(%dma_start3A_61 : memref<128xi32, #tpu.memory_space<vmem>>) semaphore(%dma_start3A_66 : memref<!tpu.dma_semaphore, #tpu.memory_space<semaphore_mem>>)
    %scan3A_67 = arith.constant 0 : i32
    %scan3A_68 = arith.constant 20 : i32
    %scan3A_69 = arith.addi %scan3A_67, %scan3A_68 : i32
    %scan3A_70 = arith.constant 1 : i32
    scf.for %scan3A_73 = %scan3A_67 to %scan3A_69 step %scan3A_70  : i32 {
      %mul3A_74 = arith.constant 1 : i32
      %mul3A_75 = arith.muli %scan3A_73, %mul3A_74 : i32
      %add3A = arith.constant 0 : i32
      %add3A_76 = arith.addi %add3A, %mul3A_75 : i32
      %mul3A_77 = arith.constant 2 : i32
      %mul3A_78 = arith.muli %add3A_76, %mul3A_77 : i32
      %add3A_79 = arith.constant 0 : i32
      %add3A_80 = arith.addi %mul3A_78, %add3A_79 : i32
      %dma_wait3A_81 = arith.constant 0 : i32
      %dma_wait3A_82 = arith.constant 0 : i32
      %dma_wait3A_83 = arith.constant 0 : i32
      %dma_wait3A_84 = arith.constant 0 : i32
      %dma_wait3A_85 = tpu.memref_slice %arg10[%dma_wait3A_81, %dma_wait3A_83, %dma_wait3A_84] : memref<2x128x128xf32, #tpu.memory_space<vmem>> -> memref<1x128x128xf32, #tpu.memory_space<vmem>>
      %dma_wait3A_86 = tpu.memref_squeeze %dma_wait3A_85 : memref<1x128x128xf32, #tpu.memory_space<vmem>> -> memref<128x128xf32, #tpu.memory_space<vmem>>
      %dma_wait3A_87 = arith.constant 0 : i32
      %dma_wait3A_88 = tpu.memref_slice %arg8[%add3A_80, %dma_wait3A_87] : memref<40x128xi32, #tpu.memory_space<vmem>> -> memref<1x128xi32, #tpu.memory_space<vmem>>
      %dma_wait3A_89 = tpu.memref_squeeze %dma_wait3A_88 : memref<1x128xi32, #tpu.memory_space<vmem>> -> memref<128xi32, #tpu.memory_space<vmem>>
      %dma_wait3A_90 = arith.constant 0 : i32
      %dma_wait3A_91 = arith.constant 0 : i32
      %dma_wait3A_92 = tpu.memref_slice %arg2[%dma_wait3A_90, %dma_wait3A_91] : memref<10240x128xf32, #tpu.memory_space<hbm>> -> memref<10240x128xf32, #tpu.memory_space<hbm>>
      %dma_wait3A_93 = tpu.memref_slice %arg11[%dma_wait3A_82] : memref<2x!tpu.dma_semaphore, #tpu.memory_space<semaphore_mem>> -> memref<1x!tpu.dma_semaphore, #tpu.memory_space<semaphore_mem>>
      %dma_wait3A_94 = tpu.memref_squeeze %dma_wait3A_93 : memref<1x!tpu.dma_semaphore, #tpu.memory_space<semaphore_mem>> -> memref<!tpu.dma_semaphore, #tpu.memory_space<semaphore_mem>>
      tpu.wait_indirect_dma semaphore(%dma_wait3A_94 : memref<!tpu.dma_semaphore, #tpu.memory_space<semaphore_mem>>) src(%dma_wait3A_92 : memref<10240x128xf32, #tpu.memory_space<hbm>>) dst(%dma_wait3A_86 : memref<128x128xf32, #tpu.memory_space<vmem>>)
      %run_scoped3A = arith.constant 0 : i32
      "tpu.region"() ({
        %run_scoped3A_125 = tpu.sem_alloc : memref<!tpu.dma_semaphore, #tpu.memory_space<semaphore_mem>>
        %dma_start3A_126 = arith.constant 0 : i32
        %dma_start3A_127 = arith.constant 0 : i32
        %dma_start3A_128 = tpu.memref_slice %arg10[%run_scoped3A, %dma_start3A_126, %dma_start3A_127] : memref<2x128x128xf32, #tpu.memory_space<vmem>> -> memref<1x128x128xf32, #tpu.memory_space<vmem>>
        %dma_start3A_129 = tpu.memref_squeeze %dma_start3A_128 : memref<1x128x128xf32, #tpu.memory_space<vmem>> -> memref<128x128xf32, #tpu.memory_space<vmem>>
        %dma_start3A_130 = arith.constant 0 : i32
        %dma_start3A_131 = tpu.memref_slice %arg9[%add3A_80, %dma_start3A_130] : memref<40x128xi32, #tpu.memory_space<vmem>> -> memref<1x128xi32, #tpu.memory_space<vmem>>
        %dma_start3A_132 = tpu.memref_squeeze %dma_start3A_131 : memref<1x128xi32, #tpu.memory_space<vmem>> -> memref<128xi32, #tpu.memory_space<vmem>>
        %dma_start3A_133 = arith.constant 0 : i32
        %dma_start3A_134 = arith.constant 0 : i32
        %dma_start3A_135 = tpu.memref_slice %arg7[%dma_start3A_133, %dma_start3A_134] : memref<10240x128xf32, #tpu.memory_space<vmem_shared>> -> memref<10240x128xf32, #tpu.memory_space<vmem_shared>>
        tpu.enqueue_indirect_dma source(%dma_start3A_129 : memref<128x128xf32, #tpu.memory_space<vmem>>) target(%dma_start3A_135 : memref<10240x128xf32, #tpu.memory_space<vmem_shared>>) offsets(%dma_start3A_132 : memref<128xi32, #tpu.memory_space<vmem>>) semaphore(%run_scoped3A_125 : memref<!tpu.dma_semaphore, #tpu.memory_space<semaphore_mem>>) {add = true}
        %dma_wait3A_136 = arith.constant 0 : i32
        %dma_wait3A_137 = arith.constant 0 : i32
        %dma_wait3A_138 = tpu.memref_slice %arg10[%run_scoped3A, %dma_wait3A_136, %dma_wait3A_137] : memref<2x128x128xf32, #tpu.memory_space<vmem>> -> memref<1x128x128xf32, #tpu.memory_space<vmem>>
        %dma_wait3A_139 = tpu.memref_squeeze %dma_wait3A_138 : memref<1x128x128xf32, #tpu.memory_space<vmem>> -> memref<128x128xf32, #tpu.memory_space<vmem>>
        %dma_wait3A_140 = arith.constant 0 : i32
        %dma_wait3A_141 = tpu.memref_slice %arg9[%add3A_80, %dma_wait3A_140] : memref<40x128xi32, #tpu.memory_space<vmem>> -> memref<1x128xi32, #tpu.memory_space<vmem>>
        %dma_wait3A_142 = tpu.memref_squeeze %dma_wait3A_141 : memref<1x128xi32, #tpu.memory_space<vmem>> -> memref<128xi32, #tpu.memory_space<vmem>>
        %dma_wait3A_143 = arith.constant 0 : i32
        %dma_wait3A_144 = arith.constant 0 : i32
        %dma_wait3A_145 = tpu.memref_slice %arg7[%dma_wait3A_143, %dma_wait3A_144] : memref<10240x128xf32, #tpu.memory_space<vmem_shared>> -> memref<10240x128xf32, #tpu.memory_space<vmem_shared>>
        tpu.wait_indirect_dma semaphore(%run_scoped3A_125 : memref<!tpu.dma_semaphore, #tpu.memory_space<semaphore_mem>>) src(%dma_wait3A_139 : memref<128x128xf32, #tpu.memory_space<vmem>>) dst(%dma_wait3A_145 : memref<10240x128xf32, #tpu.memory_space<vmem_shared>>)
        tpu.yield
      }) : () -> ()
      %add3A_95 = arith.constant 2 : i32
      %add3A_96 = arith.addi %add3A_80, %add3A_95 : i32
      %lt3A = arith.constant 40 : i32
      %lt3A_97 = arith.cmpi slt, %add3A_96, %lt3A : i32
      %convert_element_type3A = arith.extui %lt3A_97 : i1 to i32
      %cond3A = arith.constant 0 : i32
      %cond3A_98 = arith.cmpi ne, %convert_element_type3A, %cond3A : i32
      scf.if %cond3A_98 {
        %add3A_125 = arith.constant 2 : i32
        %add3A_126 = arith.addi %add3A_80, %add3A_125 : i32
        %dma_start3A_127 = arith.constant 0 : i32
        %dma_start3A_128 = arith.constant 0 : i32
        %dma_start3A_129 = arith.constant 0 : i32
        %dma_start3A_130 = arith.constant 0 : i32
        %dma_start3A_131 = tpu.memref_slice %arg10[%dma_start3A_127, %dma_start3A_129, %dma_start3A_130] : memref<2x128x128xf32, #tpu.memory_space<vmem>> -> memref<1x128x128xf32, #tpu.memory_space<vmem>>
        %dma_start3A_132 = tpu.memref_squeeze %dma_start3A_131 : memref<1x128x128xf32, #tpu.memory_space<vmem>> -> memref<128x128xf32, #tpu.memory_space<vmem>>
        %dma_start3A_133 = arith.constant 0 : i32
        %dma_start3A_134 = tpu.memref_slice %arg8[%add3A_126, %dma_start3A_133] : memref<40x128xi32, #tpu.memory_space<vmem>> -> memref<1x128xi32, #tpu.memory_space<vmem>>
        %dma_start3A_135 = tpu.memref_squeeze %dma_start3A_134 : memref<1x128xi32, #tpu.memory_space<vmem>> -> memref<128xi32, #tpu.memory_space<vmem>>
        %dma_start3A_136 = arith.constant 0 : i32
        %dma_start3A_137 = arith.constant 0 : i32
        %dma_start3A_138 = tpu.memref_slice %arg2[%dma_start3A_136, %dma_start3A_137] : memref<10240x128xf32, #tpu.memory_space<hbm>> -> memref<10240x128xf32, #tpu.memory_space<hbm>>
        %dma_start3A_139 = tpu.memref_slice %arg11[%dma_start3A_128] : memref<2x!tpu.dma_semaphore, #tpu.memory_space<semaphore_mem>> -> memref<1x!tpu.dma_semaphore, #tpu.memory_space<semaphore_mem>>
        %dma_start3A_140 = tpu.memref_squeeze %dma_start3A_139 : memref<1x!tpu.dma_semaphore, #tpu.memory_space<semaphore_mem>> -> memref<!tpu.dma_semaphore, #tpu.memory_space<semaphore_mem>>
        tpu.enqueue_indirect_dma source(%dma_start3A_138 : memref<10240x128xf32, #tpu.memory_space<hbm>>) target(%dma_start3A_132 : memref<128x128xf32, #tpu.memory_space<vmem>>) offsets(%dma_start3A_135 : memref<128xi32, #tpu.memory_space<vmem>>) semaphore(%dma_start3A_140 : memref<!tpu.dma_semaphore, #tpu.memory_space<semaphore_mem>>)
      } else {
      }
      %mul3A_99 = arith.constant 2 : i32
      %mul3A_100 = arith.muli %add3A_76, %mul3A_99 : i32
      %add3A_101 = arith.constant 1 : i32
      %add3A_102 = arith.addi %mul3A_100, %add3A_101 : i32
      %dma_wait3A_103 = arith.constant 1 : i32
      %dma_wait3A_104 = arith.constant 1 : i32
      %dma_wait3A_105 = arith.constant 0 : i32
      %dma_wait3A_106 = arith.constant 0 : i32
      %dma_wait3A_107 = tpu.memref_slice %arg10[%dma_wait3A_103, %dma_wait3A_105, %dma_wait3A_106] : memref<2x128x128xf32, #tpu.memory_space<vmem>> -> memref<1x128x128xf32, #tpu.memory_space<vmem>>
      %dma_wait3A_108 = tpu.memref_squeeze %dma_wait3A_107 : memref<1x128x128xf32, #tpu.memory_space<vmem>> -> memref<128x128xf32, #tpu.memory_space<vmem>>
      %dma_wait3A_109 = arith.constant 0 : i32
      %dma_wait3A_110 = tpu.memref_slice %arg8[%add3A_102, %dma_wait3A_109] : memref<40x128xi32, #tpu.memory_space<vmem>> -> memref<1x128xi32, #tpu.memory_space<vmem>>
      %dma_wait3A_111 = tpu.memref_squeeze %dma_wait3A_110 : memref<1x128xi32, #tpu.memory_space<vmem>> -> memref<128xi32, #tpu.memory_space<vmem>>
      %dma_wait3A_112 = arith.constant 0 : i32
      %dma_wait3A_113 = arith.constant 0 : i32
      %dma_wait3A_114 = tpu.memref_slice %arg2[%dma_wait3A_112, %dma_wait3A_113] : memref<10240x128xf32, #tpu.memory_space<hbm>> -> memref<10240x128xf32, #tpu.memory_space<hbm>>
      %dma_wait3A_115 = tpu.memref_slice %arg11[%dma_wait3A_104] : memref<2x!tpu.dma_semaphore, #tpu.memory_space<semaphore_mem>> -> memref<1x!tpu.dma_semaphore, #tpu.memory_space<semaphore_mem>>
      %dma_wait3A_116 = tpu.memref_squeeze %dma_wait3A_115 : memref<1x!tpu.dma_semaphore, #tpu.memory_space<semaphore_mem>> -> memref<!tpu.dma_semaphore, #tpu.memory_space<semaphore_mem>>
      tpu.wait_indirect_dma semaphore(%dma_wait3A_116 : memref<!tpu.dma_semaphore, #tpu.memory_space<semaphore_mem>>) src(%dma_wait3A_114 : memref<10240x128xf32, #tpu.memory_space<hbm>>) dst(%dma_wait3A_108 : memref<128x128xf32, #tpu.memory_space<vmem>>)
      %run_scoped3A_117 = arith.constant 1 : i32
      "tpu.region"() ({
        %run_scoped3A_125 = tpu.sem_alloc : memref<!tpu.dma_semaphore, #tpu.memory_space<semaphore_mem>>
        %dma_start3A_126 = arith.constant 0 : i32
        %dma_start3A_127 = arith.constant 0 : i32
        %dma_start3A_128 = tpu.memref_slice %arg10[%run_scoped3A_117, %dma_start3A_126, %dma_start3A_127] : memref<2x128x128xf32, #tpu.memory_space<vmem>> -> memref<1x128x128xf32, #tpu.memory_space<vmem>>
        %dma_start3A_129 = tpu.memref_squeeze %dma_start3A_128 : memref<1x128x128xf32, #tpu.memory_space<vmem>> -> memref<128x128xf32, #tpu.memory_space<vmem>>
        %dma_start3A_130 = arith.constant 0 : i32
        %dma_start3A_131 = tpu.memref_slice %arg9[%add3A_102, %dma_start3A_130] : memref<40x128xi32, #tpu.memory_space<vmem>> -> memref<1x128xi32, #tpu.memory_space<vmem>>
        %dma_start3A_132 = tpu.memref_squeeze %dma_start3A_131 : memref<1x128xi32, #tpu.memory_space<vmem>> -> memref<128xi32, #tpu.memory_space<vmem>>
        %dma_start3A_133 = arith.constant 0 : i32
        %dma_start3A_134 = arith.constant 0 : i32
        %dma_start3A_135 = tpu.memref_slice %arg7[%dma_start3A_133, %dma_start3A_134] : memref<10240x128xf32, #tpu.memory_space<vmem_shared>> -> memref<10240x128xf32, #tpu.memory_space<vmem_shared>>
        tpu.enqueue_indirect_dma source(%dma_start3A_129 : memref<128x128xf32, #tpu.memory_space<vmem>>) target(%dma_start3A_135 : memref<10240x128xf32, #tpu.memory_space<vmem_shared>>) offsets(%dma_start3A_132 : memref<128xi32, #tpu.memory_space<vmem>>) semaphore(%run_scoped3A_125 : memref<!tpu.dma_semaphore, #tpu.memory_space<semaphore_mem>>) {add = true}
        %dma_wait3A_136 = arith.constant 0 : i32
        %dma_wait3A_137 = arith.constant 0 : i32
        %dma_wait3A_138 = tpu.memref_slice %arg10[%run_scoped3A_117, %dma_wait3A_136, %dma_wait3A_137] : memref<2x128x128xf32, #tpu.memory_space<vmem>> -> memref<1x128x128xf32, #tpu.memory_space<vmem>>
        %dma_wait3A_139 = tpu.memref_squeeze %dma_wait3A_138 : memref<1x128x128xf32, #tpu.memory_space<vmem>> -> memref<128x128xf32, #tpu.memory_space<vmem>>
        %dma_wait3A_140 = arith.constant 0 : i32
        %dma_wait3A_141 = tpu.memref_slice %arg9[%add3A_102, %dma_wait3A_140] : memref<40x128xi32, #tpu.memory_space<vmem>> -> memref<1x128xi32, #tpu.memory_space<vmem>>
        %dma_wait3A_142 = tpu.memref_squeeze %dma_wait3A_141 : memref<1x128xi32, #tpu.memory_space<vmem>> -> memref<128xi32, #tpu.memory_space<vmem>>
        %dma_wait3A_143 = arith.constant 0 : i32
        %dma_wait3A_144 = arith.constant 0 : i32
        %dma_wait3A_145 = tpu.memref_slice %arg7[%dma_wait3A_143, %dma_wait3A_144] : memref<10240x128xf32, #tpu.memory_space<vmem_shared>> -> memref<10240x128xf32, #tpu.memory_space<vmem_shared>>
        tpu.wait_indirect_dma semaphore(%run_scoped3A_125 : memref<!tpu.dma_semaphore, #tpu.memory_space<semaphore_mem>>) src(%dma_wait3A_139 : memref<128x128xf32, #tpu.memory_space<vmem>>) dst(%dma_wait3A_145 : memref<10240x128xf32, #tpu.memory_space<vmem_shared>>)
        tpu.yield
      }) : () -> ()
      %add3A_118 = arith.constant 2 : i32
      %add3A_119 = arith.addi %add3A_102, %add3A_118 : i32
      %lt3A_120 = arith.constant 40 : i32
      %lt3A_121 = arith.cmpi slt, %add3A_119, %lt3A_120 : i32
      %convert_element_type3A_122 = arith.extui %lt3A_121 : i1 to i32
      %cond3A_123 = arith.constant 0 : i32
      %cond3A_124 = arith.cmpi ne, %convert_element_type3A_122, %cond3A_123 : i32
      scf.if %cond3A_124 {
        %add3A_125 = arith.constant 2 : i32
        %add3A_126 = arith.addi %add3A_102, %add3A_125 : i32
        %dma_start3A_127 = arith.constant 1 : i32
        %dma_start3A_128 = arith.constant 1 : i32
        %dma_start3A_129 = arith.constant 0 : i32
        %dma_start3A_130 = arith.constant 0 : i32
        %dma_start3A_131 = tpu.memref_slice %arg10[%dma_start3A_127, %dma_start3A_129, %dma_start3A_130] : memref<2x128x128xf32, #tpu.memory_space<vmem>> -> memref<1x128x128xf32, #tpu.memory_space<vmem>>
        %dma_start3A_132 = tpu.memref_squeeze %dma_start3A_131 : memref<1x128x128xf32, #tpu.memory_space<vmem>> -> memref<128x128xf32, #tpu.memory_space<vmem>>
        %dma_start3A_133 = arith.constant 0 : i32
        %dma_start3A_134 = tpu.memref_slice %arg8[%add3A_126, %dma_start3A_133] : memref<40x128xi32, #tpu.memory_space<vmem>> -> memref<1x128xi32, #tpu.memory_space<vmem>>
        %dma_start3A_135 = tpu.memref_squeeze %dma_start3A_134 : memref<1x128xi32, #tpu.memory_space<vmem>> -> memref<128xi32, #tpu.memory_space<vmem>>
        %dma_start3A_136 = arith.constant 0 : i32
        %dma_start3A_137 = arith.constant 0 : i32
        %dma_start3A_138 = tpu.memref_slice %arg2[%dma_start3A_136, %dma_start3A_137] : memref<10240x128xf32, #tpu.memory_space<hbm>> -> memref<10240x128xf32, #tpu.memory_space<hbm>>
        %dma_start3A_139 = tpu.memref_slice %arg11[%dma_start3A_128] : memref<2x!tpu.dma_semaphore, #tpu.memory_space<semaphore_mem>> -> memref<1x!tpu.dma_semaphore, #tpu.memory_space<semaphore_mem>>
        %dma_start3A_140 = tpu.memref_squeeze %dma_start3A_139 : memref<1x!tpu.dma_semaphore, #tpu.memory_space<semaphore_mem>> -> memref<!tpu.dma_semaphore, #tpu.memory_space<semaphore_mem>>
        tpu.enqueue_indirect_dma source(%dma_start3A_138 : memref<10240x128xf32, #tpu.memory_space<hbm>>) target(%dma_start3A_132 : memref<128x128xf32, #tpu.memory_space<vmem>>) offsets(%dma_start3A_135 : memref<128xi32, #tpu.memory_space<vmem>>) semaphore(%dma_start3A_140 : memref<!tpu.dma_semaphore, #tpu.memory_space<semaphore_mem>>)
      } else {
      }
    }
    %scan3A_71 = arith.constant 20 : i32
    %barrier3A_72 = arith.constant 0 : index
    tpu.barrier barrier_id(%barrier3A_72)
    "tpu.region"() ({
      %run_scoped3A = tpu.sem_alloc : memref<!tpu.dma_semaphore, #tpu.memory_space<semaphore_mem>>
      %dma_start3A_73 = arith.constant 0 : i32
      %dma_start3A_74 = tpu.memref_slice %arg6[%arg0, %mul3A_0, %dma_start3A_73] : memref<2x10240x128xf32, #tpu.memory_space<hbm>> -> memref<1x640x128xf32, #tpu.memory_space<hbm>>
      %dma_start3A_75 = tpu.memref_squeeze %dma_start3A_74 : memref<1x640x128xf32, #tpu.memory_space<hbm>> -> memref<640x128xf32, #tpu.memory_space<hbm>>
      %dma_start3A_76 = arith.constant 0 : i32
      %dma_start3A_77 = tpu.memref_slice %arg7[%mul3A_0, %dma_start3A_76] : memref<10240x128xf32, #tpu.memory_space<vmem_shared>> -> memref<640x128xf32, #tpu.memory_space<vmem_shared>>
      tpu.enqueue_dma source(%dma_start3A_77 : memref<640x128xf32, #tpu.memory_space<vmem_shared>>) target(%dma_start3A_75 : memref<640x128xf32, #tpu.memory_space<hbm>>) target_semaphore(%run_scoped3A : memref<!tpu.dma_semaphore, #tpu.memory_space<semaphore_mem>>)
      %dma_wait3A_78 = arith.constant 0 : i32
      %dma_wait3A_79 = tpu.memref_slice %arg6[%arg0, %mul3A_0, %dma_wait3A_78] : memref<2x10240x128xf32, #tpu.memory_space<hbm>> -> memref<1x640x128xf32, #tpu.memory_space<hbm>>
      %dma_wait3A_80 = tpu.memref_squeeze %dma_wait3A_79 : memref<1x640x128xf32, #tpu.memory_space<hbm>> -> memref<640x128xf32, #tpu.memory_space<hbm>>
      %dma_wait3A_81 = arith.constant 0 : i32
      %dma_wait3A_82 = tpu.memref_slice %arg7[%mul3A_0, %dma_wait3A_81] : memref<10240x128xf32, #tpu.memory_space<vmem_shared>> -> memref<640x128xf32, #tpu.memory_space<vmem_shared>>
      tpu.wait_dma2 semaphore(%run_scoped3A : memref<!tpu.dma_semaphore, #tpu.memory_space<semaphore_mem>>) src(%dma_wait3A_82 : memref<640x128xf32, #tpu.memory_space<vmem_shared>>) dst(%dma_wait3A_80 : memref<640x128xf32, #tpu.memory_space<hbm>>)
      tpu.yield
    }) : () -> ()
    return
  }
}

#map = affine_map<(d0, d1) -> (0, 0)>
#map1 = affine_map<(d0, d1) -> (0, 0, 0, 0)>
#map2 = affine_map<(d0, d1) -> (0, 0, 0)>
module attributes {stable_mosaic.version = 14 : i64} {
  func.func @body(%arg0: i32, %arg1: i32, %arg2: memref<10240x128xf32, #tpu.memory_space<hbm>>, %arg3: memref<2x16x80x128xi32, #tpu.memory_space<hbm>>, %arg4: memref<2x16x80x128xi32, #tpu.memory_space<hbm>>, %arg5: memref<640x128xf32, #tpu.memory_space<hbm>>, %arg6: memref<2x10240x128xf32, #tpu.memory_space<hbm>>, %arg7: memref<10240x128xf32, #tpu.memory_space<vmem_shared>>, %arg8: memref<40x128xi32, #tpu.memory_space<vmem>>, %arg9: memref<40x128xi32, #tpu.memory_space<vmem>>, %arg10: memref<2x128x128xf32, #tpu.memory_space<vmem>>, %arg11: memref<2x!tpu.dma_semaphore, #tpu.memory_space<semaphore_mem>>, %arg12: memref<!tpu.dma_semaphore, #tpu.memory_space<semaphore_mem>>) attributes {dimension_semantics = [#tpu.dimension_semantics<core_parallel>, #tpu.dimension_semantics<subcore_parallel>], iteration_bounds = array<i64: 2, 16>, scalar_prefetch = 0 : i64, scratch_operands = 6 : i64, tpu.core_type = #tpu.core_type<sc_vector_subcore>, window_params = [{transform_indices = #map}, {transform_indices = #map1}, {transform_indices = #map1}, {transform_indices = #map}, {transform_indices = #map2}]} {
    %mul3A = arith.constant 640 : i32
    %mul3A_0 = arith.muli %arg1, %mul3A : i32
    %dma_start3A = arith.constant 0 : i32
    %dma_start3A_1 = tpu.memref_slice %arg7[%mul3A_0, %dma_start3A] : memref<10240x128xf32, #tpu.memory_space<vmem_shared>> -> memref<640x128xf32, #tpu.memory_space<vmem_shared>>
    tpu.enqueue_dma source(%arg5 : memref<640x128xf32, #tpu.memory_space<hbm>>) target(%dma_start3A_1 : memref<640x128xf32, #tpu.memory_space<vmem_shared>>) target_semaphore(%arg12 : memref<!tpu.dma_semaphore, #tpu.memory_space<semaphore_mem>>)
    "tpu.region"() ({
      %run_scoped3A = tpu.sem_alloc : memref<!tpu.dma_semaphore, #tpu.memory_space<semaphore_mem>>
      %dma_start3A_73 = arith.constant 0 : i32
      %dma_start3A_74 = arith.constant 0 : i32
      %dma_start3A_75 = tpu.memref_slice %arg3[%arg0, %arg1, %dma_start3A_73, %dma_start3A_74] : memref<2x16x80x128xi32, #tpu.memory_space<hbm>> -> memref<1x1x40x128xi32, #tpu.memory_space<hbm>>
      %dma_start3A_76 = tpu.memref_squeeze %dma_start3A_75 : memref<1x1x40x128xi32, #tpu.memory_space<hbm>> -> memref<40x128xi32, #tpu.memory_space<hbm>>
      %dma_start3A_77 = arith.constant 0 : i32
      %dma_start3A_78 = arith.constant 0 : i32
      %dma_start3A_79 = tpu.memref_slice %arg3[%arg0, %arg1, %dma_start3A_77, %dma_start3A_78] : memref<2x16x80x128xi32, #tpu.memory_space<hbm>> -> memref<1x1x40x128xi32, #tpu.memory_space<hbm>>
      %dma_start3A_80 = tpu.memref_squeeze %dma_start3A_79 : memref<1x1x40x128xi32, #tpu.memory_space<hbm>> -> memref<40x128xi32, #tpu.memory_space<hbm>>
      tpu.enqueue_dma source(%dma_start3A_80 : memref<40x128xi32, #tpu.memory_space<hbm>>) target(%arg8 : memref<40x128xi32, #tpu.memory_space<vmem>>) target_semaphore(%run_scoped3A : memref<!tpu.dma_semaphore, #tpu.memory_space<semaphore_mem>>)
      %dma_wait3A_81 = arith.constant 0 : i32
      %dma_wait3A_82 = arith.constant 0 : i32
      %dma_wait3A_83 = tpu.memref_slice %arg3[%arg0, %arg1, %dma_wait3A_81, %dma_wait3A_82] : memref<2x16x80x128xi32, #tpu.memory_space<hbm>> -> memref<1x1x40x128xi32, #tpu.memory_space<hbm>>
      %dma_wait3A_84 = tpu.memref_squeeze %dma_wait3A_83 : memref<1x1x40x128xi32, #tpu.memory_space<hbm>> -> memref<40x128xi32, #tpu.memory_space<hbm>>
      %dma_wait3A_85 = arith.constant 0 : i32
      %dma_wait3A_86 = arith.constant 0 : i32
      %dma_wait3A_87 = tpu.memref_slice %arg3[%arg0, %arg1, %dma_wait3A_85, %dma_wait3A_86] : memref<2x16x80x128xi32, #tpu.memory_space<hbm>> -> memref<1x1x40x128xi32, #tpu.memory_space<hbm>>
      %dma_wait3A_88 = tpu.memref_squeeze %dma_wait3A_87 : memref<1x1x40x128xi32, #tpu.memory_space<hbm>> -> memref<40x128xi32, #tpu.memory_space<hbm>>
      tpu.wait_dma2 semaphore(%run_scoped3A : memref<!tpu.dma_semaphore, #tpu.memory_space<semaphore_mem>>) src(%dma_wait3A_88 : memref<40x128xi32, #tpu.memory_space<hbm>>) dst(%arg8 : memref<40x128xi32, #tpu.memory_space<vmem>>)
      tpu.yield
    }) : () -> ()
    "tpu.region"() ({
      %run_scoped3A = tpu.sem_alloc : memref<!tpu.dma_semaphore, #tpu.memory_space<semaphore_mem>>
      %dma_start3A_73 = arith.constant 0 : i32
      %dma_start3A_74 = arith.constant 0 : i32
      %dma_start3A_75 = tpu.memref_slice %arg4[%arg0, %arg1, %dma_start3A_73, %dma_start3A_74] : memref<2x16x80x128xi32, #tpu.memory_space<hbm>> -> memref<1x1x40x128xi32, #tpu.memory_space<hbm>>
      %dma_start3A_76 = tpu.memref_squeeze %dma_start3A_75 : memref<1x1x40x128xi32, #tpu.memory_space<hbm>> -> memref<40x128xi32, #tpu.memory_space<hbm>>
      %dma_start3A_77 = arith.constant 0 : i32
      %dma_start3A_78 = arith.constant 0 : i32
      %dma_start3A_79 = tpu.memref_slice %arg4[%arg0, %arg1, %dma_start3A_77, %dma_start3A_78] : memref<2x16x80x128xi32, #tpu.memory_space<hbm>> -> memref<1x1x40x128xi32, #tpu.memory_space<hbm>>
      %dma_start3A_80 = tpu.memref_squeeze %dma_start3A_79 : memref<1x1x40x128xi32, #tpu.memory_space<hbm>> -> memref<40x128xi32, #tpu.memory_space<hbm>>
      tpu.enqueue_dma source(%dma_start3A_80 : memref<40x128xi32, #tpu.memory_space<hbm>>) target(%arg9 : memref<40x128xi32, #tpu.memory_space<vmem>>) target_semaphore(%run_scoped3A : memref<!tpu.dma_semaphore, #tpu.memory_space<semaphore_mem>>)
      %dma_wait3A_81 = arith.constant 0 : i32
      %dma_wait3A_82 = arith.constant 0 : i32
      %dma_wait3A_83 = tpu.memref_slice %arg4[%arg0, %arg1, %dma_wait3A_81, %dma_wait3A_82] : memref<2x16x80x128xi32, #tpu.memory_space<hbm>> -> memref<1x1x40x128xi32, #tpu.memory_space<hbm>>
      %dma_wait3A_84 = tpu.memref_squeeze %dma_wait3A_83 : memref<1x1x40x128xi32, #tpu.memory_space<hbm>> -> memref<40x128xi32, #tpu.memory_space<hbm>>
      %dma_wait3A_85 = arith.constant 0 : i32
      %dma_wait3A_86 = arith.constant 0 : i32
      %dma_wait3A_87 = tpu.memref_slice %arg4[%arg0, %arg1, %dma_wait3A_85, %dma_wait3A_86] : memref<2x16x80x128xi32, #tpu.memory_space<hbm>> -> memref<1x1x40x128xi32, #tpu.memory_space<hbm>>
      %dma_wait3A_88 = tpu.memref_squeeze %dma_wait3A_87 : memref<1x1x40x128xi32, #tpu.memory_space<hbm>> -> memref<40x128xi32, #tpu.memory_space<hbm>>
      tpu.wait_dma2 semaphore(%run_scoped3A : memref<!tpu.dma_semaphore, #tpu.memory_space<semaphore_mem>>) src(%dma_wait3A_88 : memref<40x128xi32, #tpu.memory_space<hbm>>) dst(%arg9 : memref<40x128xi32, #tpu.memory_space<vmem>>)
      tpu.yield
    }) : () -> ()
    %dma_start3A_2 = arith.constant 0 : i32
    %dma_start3A_3 = arith.constant 0 : i32
    %dma_start3A_4 = arith.constant 0 : i32
    %dma_start3A_5 = arith.constant 0 : i32
    %dma_start3A_6 = arith.constant 0 : i32
    %dma_start3A_7 = tpu.memref_slice %arg10[%dma_start3A_3, %dma_start3A_5, %dma_start3A_6] : memref<2x128x128xf32, #tpu.memory_space<vmem>> -> memref<1x128x128xf32, #tpu.memory_space<vmem>>
    %dma_start3A_8 = tpu.memref_squeeze %dma_start3A_7 : memref<1x128x128xf32, #tpu.memory_space<vmem>> -> memref<128x128xf32, #tpu.memory_space<vmem>>
    %dma_start3A_9 = arith.constant 0 : i32
    %dma_start3A_10 = tpu.memref_slice %arg8[%dma_start3A_2, %dma_start3A_9] : memref<40x128xi32, #tpu.memory_space<vmem>> -> memref<1x128xi32, #tpu.memory_space<vmem>>
    %dma_start3A_11 = tpu.memref_squeeze %dma_start3A_10 : memref<1x128xi32, #tpu.memory_space<vmem>> -> memref<128xi32, #tpu.memory_space<vmem>>
    %dma_start3A_12 = arith.constant 0 : i32
    %dma_start3A_13 = arith.constant 0 : i32
    %dma_start3A_14 = tpu.memref_slice %arg2[%dma_start3A_12, %dma_start3A_13] : memref<10240x128xf32, #tpu.memory_space<hbm>> -> memref<10240x128xf32, #tpu.memory_space<hbm>>
    %dma_start3A_15 = tpu.memref_slice %arg11[%dma_start3A_4] : memref<2x!tpu.dma_semaphore, #tpu.memory_space<semaphore_mem>> -> memref<1x!tpu.dma_semaphore, #tpu.memory_space<semaphore_mem>>
    %dma_start3A_16 = tpu.memref_squeeze %dma_start3A_15 : memref<1x!tpu.dma_semaphore, #tpu.memory_space<semaphore_mem>> -> memref<!tpu.dma_semaphore, #tpu.memory_space<semaphore_mem>>
    tpu.enqueue_indirect_dma source(%dma_start3A_14 : memref<10240x128xf32, #tpu.memory_space<hbm>>) target(%dma_start3A_8 : memref<128x128xf32, #tpu.memory_space<vmem>>) offsets(%dma_start3A_11 : memref<128xi32, #tpu.memory_space<vmem>>) semaphore(%dma_start3A_16 : memref<!tpu.dma_semaphore, #tpu.memory_space<semaphore_mem>>)
    %dma_start3A_17 = arith.constant 1 : i32
    %dma_start3A_18 = arith.constant 1 : i32
    %dma_start3A_19 = arith.constant 1 : i32
    %dma_start3A_20 = arith.constant 0 : i32
    %dma_start3A_21 = arith.constant 0 : i32
    %dma_start3A_22 = tpu.memref_slice %arg10[%dma_start3A_18, %dma_start3A_20, %dma_start3A_21] : memref<2x128x128xf32, #tpu.memory_space<vmem>> -> memref<1x128x128xf32, #tpu.memory_space<vmem>>
    %dma_start3A_23 = tpu.memref_squeeze %dma_start3A_22 : memref<1x128x128xf32, #tpu.memory_space<vmem>> -> memref<128x128xf32, #tpu.memory_space<vmem>>
    %dma_start3A_24 = arith.constant 0 : i32
    %dma_start3A_25 = tpu.memref_slice %arg8[%dma_start3A_17, %dma_start3A_24] : memref<40x128xi32, #tpu.memory_space<vmem>> -> memref<1x128xi32, #tpu.memory_space<vmem>>
    %dma_start3A_26 = tpu.memref_squeeze %dma_start3A_25 : memref<1x128xi32, #tpu.memory_space<vmem>> -> memref<128xi32, #tpu.memory_space<vmem>>
    %dma_start3A_27 = arith.constant 0 : i32
    %dma_start3A_28 = arith.constant 0 : i32
    %dma_start3A_29 = tpu.memref_slice %arg2[%dma_start3A_27, %dma_start3A_28] : memref<10240x128xf32, #tpu.memory_space<hbm>> -> memref<10240x128xf32, #tpu.memory_space<hbm>>
    %dma_start3A_30 = tpu.memref_slice %arg11[%dma_start3A_19] : memref<2x!tpu.dma_semaphore, #tpu.memory_space<semaphore_mem>> -> memref<1x!tpu.dma_semaphore, #tpu.memory_space<semaphore_mem>>
    %dma_start3A_31 = tpu.memref_squeeze %dma_start3A_30 : memref<1x!tpu.dma_semaphore, #tpu.memory_space<semaphore_mem>> -> memref<!tpu.dma_semaphore, #tpu.memory_space<semaphore_mem>>
    tpu.enqueue_indirect_dma source(%dma_start3A_29 : memref<10240x128xf32, #tpu.memory_space<hbm>>) target(%dma_start3A_23 : memref<128x128xf32, #tpu.memory_space<vmem>>) offsets(%dma_start3A_26 : memref<128xi32, #tpu.memory_space<vmem>>) semaphore(%dma_start3A_31 : memref<!tpu.dma_semaphore, #tpu.memory_space<semaphore_mem>>)
    %dma_wait3A = arith.constant 0 : i32
    %dma_wait3A_32 = tpu.memref_slice %arg7[%mul3A_0, %dma_wait3A] : memref<10240x128xf32, #tpu.memory_space<vmem_shared>> -> memref<640x128xf32, #tpu.memory_space<vmem_shared>>
    tpu.wait_dma2 semaphore(%arg12 : memref<!tpu.dma_semaphore, #tpu.memory_space<semaphore_mem>>) src(%arg5 : memref<640x128xf32, #tpu.memory_space<hbm>>) dst(%dma_wait3A_32 : memref<640x128xf32, #tpu.memory_space<vmem_shared>>)
    %barrier3A = arith.constant 0 : index
    tpu.barrier barrier_id(%barrier3A)
    %scan3A = arith.constant 0 : i32
    %scan3A_33 = arith.constant 20 : i32
    %scan3A_34 = arith.addi %scan3A, %scan3A_33 : i32
    %scan3A_35 = arith.constant 1 : i32
    scf.for %scan3A_73 = %scan3A to %scan3A_34 step %scan3A_35  : i32 {
      %mul3A_74 = arith.constant 1 : i32
      %mul3A_75 = arith.muli %scan3A_73, %mul3A_74 : i32
      %add3A = arith.constant 0 : i32
      %add3A_76 = arith.addi %add3A, %mul3A_75 : i32
      %mul3A_77 = arith.constant 2 : i32
      %mul3A_78 = arith.muli %add3A_76, %mul3A_77 : i32
      %add3A_79 = arith.constant 0 : i32
      %add3A_80 = arith.addi %mul3A_78, %add3A_79 : i32
      %dma_wait3A_81 = arith.constant 0 : i32
      %dma_wait3A_82 = arith.constant 0 : i32
      %dma_wait3A_83 = arith.constant 0 : i32
      %dma_wait3A_84 = arith.constant 0 : i32
      %dma_wait3A_85 = tpu.memref_slice %arg10[%dma_wait3A_81, %dma_wait3A_83, %dma_wait3A_84] : memref<2x128x128xf32, #tpu.memory_space<vmem>> -> memref<1x128x128xf32, #tpu.memory_space<vmem>>
      %dma_wait3A_86 = tpu.memref_squeeze %dma_wait3A_85 : memref<1x128x128xf32, #tpu.memory_space<vmem>> -> memref<128x128xf32, #tpu.memory_space<vmem>>
      %dma_wait3A_87 = arith.constant 0 : i32
      %dma_wait3A_88 = tpu.memref_slice %arg8[%add3A_80, %dma_wait3A_87] : memref<40x128xi32, #tpu.memory_space<vmem>> -> memref<1x128xi32, #tpu.memory_space<vmem>>
      %dma_wait3A_89 = tpu.memref_squeeze %dma_wait3A_88 : memref<1x128xi32, #tpu.memory_space<vmem>> -> memref<128xi32, #tpu.memory_space<vmem>>
      %dma_wait3A_90 = arith.constant 0 : i32
      %dma_wait3A_91 = arith.constant 0 : i32
      %dma_wait3A_92 = tpu.memref_slice %arg2[%dma_wait3A_90, %dma_wait3A_91] : memref<10240x128xf32, #tpu.memory_space<hbm>> -> memref<10240x128xf32, #tpu.memory_space<hbm>>
      %dma_wait3A_93 = tpu.memref_slice %arg11[%dma_wait3A_82] : memref<2x!tpu.dma_semaphore, #tpu.memory_space<semaphore_mem>> -> memref<1x!tpu.dma_semaphore, #tpu.memory_space<semaphore_mem>>
      %dma_wait3A_94 = tpu.memref_squeeze %dma_wait3A_93 : memref<1x!tpu.dma_semaphore, #tpu.memory_space<semaphore_mem>> -> memref<!tpu.dma_semaphore, #tpu.memory_space<semaphore_mem>>
      tpu.wait_indirect_dma semaphore(%dma_wait3A_94 : memref<!tpu.dma_semaphore, #tpu.memory_space<semaphore_mem>>) src(%dma_wait3A_92 : memref<10240x128xf32, #tpu.memory_space<hbm>>) dst(%dma_wait3A_86 : memref<128x128xf32, #tpu.memory_space<vmem>>)
      %run_scoped3A = arith.constant 0 : i32
      "tpu.region"() ({
        %run_scoped3A_125 = tpu.sem_alloc : memref<!tpu.dma_semaphore, #tpu.memory_space<semaphore_mem>>
        %dma_start3A_126 = arith.constant 0 : i32
        %dma_start3A_127 = arith.constant 0 : i32
        %dma_start3A_128 = tpu.memref_slice %arg10[%run_scoped3A, %dma_start3A_126, %dma_start3A_127] : memref<2x128x128xf32, #tpu.memory_space<vmem>> -> memref<1x128x128xf32, #tpu.memory_space<vmem>>
        %dma_start3A_129 = tpu.memref_squeeze %dma_start3A_128 : memref<1x128x128xf32, #tpu.memory_space<vmem>> -> memref<128x128xf32, #tpu.memory_space<vmem>>
        %dma_start3A_130 = arith.constant 0 : i32
        %dma_start3A_131 = tpu.memref_slice %arg9[%add3A_80, %dma_start3A_130] : memref<40x128xi32, #tpu.memory_space<vmem>> -> memref<1x128xi32, #tpu.memory_space<vmem>>
        %dma_start3A_132 = tpu.memref_squeeze %dma_start3A_131 : memref<1x128xi32, #tpu.memory_space<vmem>> -> memref<128xi32, #tpu.memory_space<vmem>>
        %dma_start3A_133 = arith.constant 0 : i32
        %dma_start3A_134 = arith.constant 0 : i32
        %dma_start3A_135 = tpu.memref_slice %arg7[%dma_start3A_133, %dma_start3A_134] : memref<10240x128xf32, #tpu.memory_space<vmem_shared>> -> memref<10240x128xf32, #tpu.memory_space<vmem_shared>>
        tpu.enqueue_indirect_dma source(%dma_start3A_129 : memref<128x128xf32, #tpu.memory_space<vmem>>) target(%dma_start3A_135 : memref<10240x128xf32, #tpu.memory_space<vmem_shared>>) offsets(%dma_start3A_132 : memref<128xi32, #tpu.memory_space<vmem>>) semaphore(%run_scoped3A_125 : memref<!tpu.dma_semaphore, #tpu.memory_space<semaphore_mem>>) {add = true}
        %dma_wait3A_136 = arith.constant 0 : i32
        %dma_wait3A_137 = arith.constant 0 : i32
        %dma_wait3A_138 = tpu.memref_slice %arg10[%run_scoped3A, %dma_wait3A_136, %dma_wait3A_137] : memref<2x128x128xf32, #tpu.memory_space<vmem>> -> memref<1x128x128xf32, #tpu.memory_space<vmem>>
        %dma_wait3A_139 = tpu.memref_squeeze %dma_wait3A_138 : memref<1x128x128xf32, #tpu.memory_space<vmem>> -> memref<128x128xf32, #tpu.memory_space<vmem>>
        %dma_wait3A_140 = arith.constant 0 : i32
        %dma_wait3A_141 = tpu.memref_slice %arg9[%add3A_80, %dma_wait3A_140] : memref<40x128xi32, #tpu.memory_space<vmem>> -> memref<1x128xi32, #tpu.memory_space<vmem>>
        %dma_wait3A_142 = tpu.memref_squeeze %dma_wait3A_141 : memref<1x128xi32, #tpu.memory_space<vmem>> -> memref<128xi32, #tpu.memory_space<vmem>>
        %dma_wait3A_143 = arith.constant 0 : i32
        %dma_wait3A_144 = arith.constant 0 : i32
        %dma_wait3A_145 = tpu.memref_slice %arg7[%dma_wait3A_143, %dma_wait3A_144] : memref<10240x128xf32, #tpu.memory_space<vmem_shared>> -> memref<10240x128xf32, #tpu.memory_space<vmem_shared>>
        tpu.wait_indirect_dma semaphore(%run_scoped3A_125 : memref<!tpu.dma_semaphore, #tpu.memory_space<semaphore_mem>>) src(%dma_wait3A_139 : memref<128x128xf32, #tpu.memory_space<vmem>>) dst(%dma_wait3A_145 : memref<10240x128xf32, #tpu.memory_space<vmem_shared>>)
        tpu.yield
      }) : () -> ()
      %add3A_95 = arith.constant 2 : i32
      %add3A_96 = arith.addi %add3A_80, %add3A_95 : i32
      %lt3A = arith.constant 40 : i32
      %lt3A_97 = arith.cmpi slt, %add3A_96, %lt3A : i32
      %convert_element_type3A = arith.extui %lt3A_97 : i1 to i32
      %cond3A = arith.constant 0 : i32
      %cond3A_98 = arith.cmpi ne, %convert_element_type3A, %cond3A : i32
      scf.if %cond3A_98 {
        %add3A_125 = arith.constant 2 : i32
        %add3A_126 = arith.addi %add3A_80, %add3A_125 : i32
        %dma_start3A_127 = arith.constant 0 : i32
        %dma_start3A_128 = arith.constant 0 : i32
        %dma_start3A_129 = arith.constant 0 : i32
        %dma_start3A_130 = arith.constant 0 : i32
        %dma_start3A_131 = tpu.memref_slice %arg10[%dma_start3A_127, %dma_start3A_129, %dma_start3A_130] : memref<2x128x128xf32, #tpu.memory_space<vmem>> -> memref<1x128x128xf32, #tpu.memory_space<vmem>>
        %dma_start3A_132 = tpu.memref_squeeze %dma_start3A_131 : memref<1x128x128xf32, #tpu.memory_space<vmem>> -> memref<128x128xf32, #tpu.memory_space<vmem>>
        %dma_start3A_133 = arith.constant 0 : i32
        %dma_start3A_134 = tpu.memref_slice %arg8[%add3A_126, %dma_start3A_133] : memref<40x128xi32, #tpu.memory_space<vmem>> -> memref<1x128xi32, #tpu.memory_space<vmem>>
        %dma_start3A_135 = tpu.memref_squeeze %dma_start3A_134 : memref<1x128xi32, #tpu.memory_space<vmem>> -> memref<128xi32, #tpu.memory_space<vmem>>
        %dma_start3A_136 = arith.constant 0 : i32
        %dma_start3A_137 = arith.constant 0 : i32
        %dma_start3A_138 = tpu.memref_slice %arg2[%dma_start3A_136, %dma_start3A_137] : memref<10240x128xf32, #tpu.memory_space<hbm>> -> memref<10240x128xf32, #tpu.memory_space<hbm>>
        %dma_start3A_139 = tpu.memref_slice %arg11[%dma_start3A_128] : memref<2x!tpu.dma_semaphore, #tpu.memory_space<semaphore_mem>> -> memref<1x!tpu.dma_semaphore, #tpu.memory_space<semaphore_mem>>
        %dma_start3A_140 = tpu.memref_squeeze %dma_start3A_139 : memref<1x!tpu.dma_semaphore, #tpu.memory_space<semaphore_mem>> -> memref<!tpu.dma_semaphore, #tpu.memory_space<semaphore_mem>>
        tpu.enqueue_indirect_dma source(%dma_start3A_138 : memref<10240x128xf32, #tpu.memory_space<hbm>>) target(%dma_start3A_132 : memref<128x128xf32, #tpu.memory_space<vmem>>) offsets(%dma_start3A_135 : memref<128xi32, #tpu.memory_space<vmem>>) semaphore(%dma_start3A_140 : memref<!tpu.dma_semaphore, #tpu.memory_space<semaphore_mem>>)
      } else {
      }
      %mul3A_99 = arith.constant 2 : i32
      %mul3A_100 = arith.muli %add3A_76, %mul3A_99 : i32
      %add3A_101 = arith.constant 1 : i32
      %add3A_102 = arith.addi %mul3A_100, %add3A_101 : i32
      %dma_wait3A_103 = arith.constant 1 : i32
      %dma_wait3A_104 = arith.constant 1 : i32
      %dma_wait3A_105 = arith.constant 0 : i32
      %dma_wait3A_106 = arith.constant 0 : i32
      %dma_wait3A_107 = tpu.memref_slice %arg10[%dma_wait3A_103, %dma_wait3A_105, %dma_wait3A_106] : memref<2x128x128xf32, #tpu.memory_space<vmem>> -> memref<1x128x128xf32, #tpu.memory_space<vmem>>
      %dma_wait3A_108 = tpu.memref_squeeze %dma_wait3A_107 : memref<1x128x128xf32, #tpu.memory_space<vmem>> -> memref<128x128xf32, #tpu.memory_space<vmem>>
      %dma_wait3A_109 = arith.constant 0 : i32
      %dma_wait3A_110 = tpu.memref_slice %arg8[%add3A_102, %dma_wait3A_109] : memref<40x128xi32, #tpu.memory_space<vmem>> -> memref<1x128xi32, #tpu.memory_space<vmem>>
      %dma_wait3A_111 = tpu.memref_squeeze %dma_wait3A_110 : memref<1x128xi32, #tpu.memory_space<vmem>> -> memref<128xi32, #tpu.memory_space<vmem>>
      %dma_wait3A_112 = arith.constant 0 : i32
      %dma_wait3A_113 = arith.constant 0 : i32
      %dma_wait3A_114 = tpu.memref_slice %arg2[%dma_wait3A_112, %dma_wait3A_113] : memref<10240x128xf32, #tpu.memory_space<hbm>> -> memref<10240x128xf32, #tpu.memory_space<hbm>>
      %dma_wait3A_115 = tpu.memref_slice %arg11[%dma_wait3A_104] : memref<2x!tpu.dma_semaphore, #tpu.memory_space<semaphore_mem>> -> memref<1x!tpu.dma_semaphore, #tpu.memory_space<semaphore_mem>>
      %dma_wait3A_116 = tpu.memref_squeeze %dma_wait3A_115 : memref<1x!tpu.dma_semaphore, #tpu.memory_space<semaphore_mem>> -> memref<!tpu.dma_semaphore, #tpu.memory_space<semaphore_mem>>
      tpu.wait_indirect_dma semaphore(%dma_wait3A_116 : memref<!tpu.dma_semaphore, #tpu.memory_space<semaphore_mem>>) src(%dma_wait3A_114 : memref<10240x128xf32, #tpu.memory_space<hbm>>) dst(%dma_wait3A_108 : memref<128x128xf32, #tpu.memory_space<vmem>>)
      %run_scoped3A_117 = arith.constant 1 : i32
      "tpu.region"() ({
        %run_scoped3A_125 = tpu.sem_alloc : memref<!tpu.dma_semaphore, #tpu.memory_space<semaphore_mem>>
        %dma_start3A_126 = arith.constant 0 : i32
        %dma_start3A_127 = arith.constant 0 : i32
        %dma_start3A_128 = tpu.memref_slice %arg10[%run_scoped3A_117, %dma_start3A_126, %dma_start3A_127] : memref<2x128x128xf32, #tpu.memory_space<vmem>> -> memref<1x128x128xf32, #tpu.memory_space<vmem>>
        %dma_start3A_129 = tpu.memref_squeeze %dma_start3A_128 : memref<1x128x128xf32, #tpu.memory_space<vmem>> -> memref<128x128xf32, #tpu.memory_space<vmem>>
        %dma_start3A_130 = arith.constant 0 : i32
        %dma_start3A_131 = tpu.memref_slice %arg9[%add3A_102, %dma_start3A_130] : memref<40x128xi32, #tpu.memory_space<vmem>> -> memref<1x128xi32, #tpu.memory_space<vmem>>
        %dma_start3A_132 = tpu.memref_squeeze %dma_start3A_131 : memref<1x128xi32, #tpu.memory_space<vmem>> -> memref<128xi32, #tpu.memory_space<vmem>>
        %dma_start3A_133 = arith.constant 0 : i32
        %dma_start3A_134 = arith.constant 0 : i32
        %dma_start3A_135 = tpu.memref_slice %arg7[%dma_start3A_133, %dma_start3A_134] : memref<10240x128xf32, #tpu.memory_space<vmem_shared>> -> memref<10240x128xf32, #tpu.memory_space<vmem_shared>>
        tpu.enqueue_indirect_dma source(%dma_start3A_129 : memref<128x128xf32, #tpu.memory_space<vmem>>) target(%dma_start3A_135 : memref<10240x128xf32, #tpu.memory_space<vmem_shared>>) offsets(%dma_start3A_132 : memref<128xi32, #tpu.memory_space<vmem>>) semaphore(%run_scoped3A_125 : memref<!tpu.dma_semaphore, #tpu.memory_space<semaphore_mem>>) {add = true}
        %dma_wait3A_136 = arith.constant 0 : i32
        %dma_wait3A_137 = arith.constant 0 : i32
        %dma_wait3A_138 = tpu.memref_slice %arg10[%run_scoped3A_117, %dma_wait3A_136, %dma_wait3A_137] : memref<2x128x128xf32, #tpu.memory_space<vmem>> -> memref<1x128x128xf32, #tpu.memory_space<vmem>>
        %dma_wait3A_139 = tpu.memref_squeeze %dma_wait3A_138 : memref<1x128x128xf32, #tpu.memory_space<vmem>> -> memref<128x128xf32, #tpu.memory_space<vmem>>
        %dma_wait3A_140 = arith.constant 0 : i32
        %dma_wait3A_141 = tpu.memref_slice %arg9[%add3A_102, %dma_wait3A_140] : memref<40x128xi32, #tpu.memory_space<vmem>> -> memref<1x128xi32, #tpu.memory_space<vmem>>
        %dma_wait3A_142 = tpu.memref_squeeze %dma_wait3A_141 : memref<1x128xi32, #tpu.memory_space<vmem>> -> memref<128xi32, #tpu.memory_space<vmem>>
        %dma_wait3A_143 = arith.constant 0 : i32
        %dma_wait3A_144 = arith.constant 0 : i32
        %dma_wait3A_145 = tpu.memref_slice %arg7[%dma_wait3A_143, %dma_wait3A_144] : memref<10240x128xf32, #tpu.memory_space<vmem_shared>> -> memref<10240x128xf32, #tpu.memory_space<vmem_shared>>
        tpu.wait_indirect_dma semaphore(%run_scoped3A_125 : memref<!tpu.dma_semaphore, #tpu.memory_space<semaphore_mem>>) src(%dma_wait3A_139 : memref<128x128xf32, #tpu.memory_space<vmem>>) dst(%dma_wait3A_145 : memref<10240x128xf32, #tpu.memory_space<vmem_shared>>)
        tpu.yield
      }) : () -> ()
      %add3A_118 = arith.constant 2 : i32
      %add3A_119 = arith.addi %add3A_102, %add3A_118 : i32
      %lt3A_120 = arith.constant 40 : i32
      %lt3A_121 = arith.cmpi slt, %add3A_119, %lt3A_120 : i32
      %convert_element_type3A_122 = arith.extui %lt3A_121 : i1 to i32
      %cond3A_123 = arith.constant 0 : i32
      %cond3A_124 = arith.cmpi ne, %convert_element_type3A_122, %cond3A_123 : i32
      scf.if %cond3A_124 {
        %add3A_125 = arith.constant 2 : i32
        %add3A_126 = arith.addi %add3A_102, %add3A_125 : i32
        %dma_start3A_127 = arith.constant 1 : i32
        %dma_start3A_128 = arith.constant 1 : i32
        %dma_start3A_129 = arith.constant 0 : i32
        %dma_start3A_130 = arith.constant 0 : i32
        %dma_start3A_131 = tpu.memref_slice %arg10[%dma_start3A_127, %dma_start3A_129, %dma_start3A_130] : memref<2x128x128xf32, #tpu.memory_space<vmem>> -> memref<1x128x128xf32, #tpu.memory_space<vmem>>
        %dma_start3A_132 = tpu.memref_squeeze %dma_start3A_131 : memref<1x128x128xf32, #tpu.memory_space<vmem>> -> memref<128x128xf32, #tpu.memory_space<vmem>>
        %dma_start3A_133 = arith.constant 0 : i32
        %dma_start3A_134 = tpu.memref_slice %arg8[%add3A_126, %dma_start3A_133] : memref<40x128xi32, #tpu.memory_space<vmem>> -> memref<1x128xi32, #tpu.memory_space<vmem>>
        %dma_start3A_135 = tpu.memref_squeeze %dma_start3A_134 : memref<1x128xi32, #tpu.memory_space<vmem>> -> memref<128xi32, #tpu.memory_space<vmem>>
        %dma_start3A_136 = arith.constant 0 : i32
        %dma_start3A_137 = arith.constant 0 : i32
        %dma_start3A_138 = tpu.memref_slice %arg2[%dma_start3A_136, %dma_start3A_137] : memref<10240x128xf32, #tpu.memory_space<hbm>> -> memref<10240x128xf32, #tpu.memory_space<hbm>>
        %dma_start3A_139 = tpu.memref_slice %arg11[%dma_start3A_128] : memref<2x!tpu.dma_semaphore, #tpu.memory_space<semaphore_mem>> -> memref<1x!tpu.dma_semaphore, #tpu.memory_space<semaphore_mem>>
        %dma_start3A_140 = tpu.memref_squeeze %dma_start3A_139 : memref<1x!tpu.dma_semaphore, #tpu.memory_space<semaphore_mem>> -> memref<!tpu.dma_semaphore, #tpu.memory_space<semaphore_mem>>
        tpu.enqueue_indirect_dma source(%dma_start3A_138 : memref<10240x128xf32, #tpu.memory_space<hbm>>) target(%dma_start3A_132 : memref<128x128xf32, #tpu.memory_space<vmem>>) offsets(%dma_start3A_135 : memref<128xi32, #tpu.memory_space<vmem>>) semaphore(%dma_start3A_140 : memref<!tpu.dma_semaphore, #tpu.memory_space<semaphore_mem>>)
      } else {
      }
    }
    %scan3A_36 = arith.constant 20 : i32
    "tpu.region"() ({
      %run_scoped3A = tpu.sem_alloc : memref<!tpu.dma_semaphore, #tpu.memory_space<semaphore_mem>>
      %dma_start3A_73 = arith.constant 40 : i32
      %dma_start3A_74 = arith.constant 0 : i32
      %dma_start3A_75 = tpu.memref_slice %arg3[%arg0, %arg1, %dma_start3A_73, %dma_start3A_74] : memref<2x16x80x128xi32, #tpu.memory_space<hbm>> -> memref<1x1x40x128xi32, #tpu.memory_space<hbm>>
      %dma_start3A_76 = tpu.memref_squeeze %dma_start3A_75 : memref<1x1x40x128xi32, #tpu.memory_space<hbm>> -> memref<40x128xi32, #tpu.memory_space<hbm>>
      %dma_start3A_77 = arith.constant 40 : i32
      %dma_start3A_78 = arith.constant 0 : i32
      %dma_start3A_79 = tpu.memref_slice %arg3[%arg0, %arg1, %dma_start3A_77, %dma_start3A_78] : memref<2x16x80x128xi32, #tpu.memory_space<hbm>> -> memref<1x1x40x128xi32, #tpu.memory_space<hbm>>
      %dma_start3A_80 = tpu.memref_squeeze %dma_start3A_79 : memref<1x1x40x128xi32, #tpu.memory_space<hbm>> -> memref<40x128xi32, #tpu.memory_space<hbm>>
      tpu.enqueue_dma source(%dma_start3A_80 : memref<40x128xi32, #tpu.memory_space<hbm>>) target(%arg8 : memref<40x128xi32, #tpu.memory_space<vmem>>) target_semaphore(%run_scoped3A : memref<!tpu.dma_semaphore, #tpu.memory_space<semaphore_mem>>)
      %dma_wait3A_81 = arith.constant 40 : i32
      %dma_wait3A_82 = arith.constant 0 : i32
      %dma_wait3A_83 = tpu.memref_slice %arg3[%arg0, %arg1, %dma_wait3A_81, %dma_wait3A_82] : memref<2x16x80x128xi32, #tpu.memory_space<hbm>> -> memref<1x1x40x128xi32, #tpu.memory_space<hbm>>
      %dma_wait3A_84 = tpu.memref_squeeze %dma_wait3A_83 : memref<1x1x40x128xi32, #tpu.memory_space<hbm>> -> memref<40x128xi32, #tpu.memory_space<hbm>>
      %dma_wait3A_85 = arith.constant 40 : i32
      %dma_wait3A_86 = arith.constant 0 : i32
      %dma_wait3A_87 = tpu.memref_slice %arg3[%arg0, %arg1, %dma_wait3A_85, %dma_wait3A_86] : memref<2x16x80x128xi32, #tpu.memory_space<hbm>> -> memref<1x1x40x128xi32, #tpu.memory_space<hbm>>
      %dma_wait3A_88 = tpu.memref_squeeze %dma_wait3A_87 : memref<1x1x40x128xi32, #tpu.memory_space<hbm>> -> memref<40x128xi32, #tpu.memory_space<hbm>>
      tpu.wait_dma2 semaphore(%run_scoped3A : memref<!tpu.dma_semaphore, #tpu.memory_space<semaphore_mem>>) src(%dma_wait3A_88 : memref<40x128xi32, #tpu.memory_space<hbm>>) dst(%arg8 : memref<40x128xi32, #tpu.memory_space<vmem>>)
      tpu.yield
    }) : () -> ()
    "tpu.region"() ({
      %run_scoped3A = tpu.sem_alloc : memref<!tpu.dma_semaphore, #tpu.memory_space<semaphore_mem>>
      %dma_start3A_73 = arith.constant 40 : i32
      %dma_start3A_74 = arith.constant 0 : i32
      %dma_start3A_75 = tpu.memref_slice %arg4[%arg0, %arg1, %dma_start3A_73, %dma_start3A_74] : memref<2x16x80x128xi32, #tpu.memory_space<hbm>> -> memref<1x1x40x128xi32, #tpu.memory_space<hbm>>
      %dma_start3A_76 = tpu.memref_squeeze %dma_start3A_75 : memref<1x1x40x128xi32, #tpu.memory_space<hbm>> -> memref<40x128xi32, #tpu.memory_space<hbm>>
      %dma_start3A_77 = arith.constant 40 : i32
      %dma_start3A_78 = arith.constant 0 : i32
      %dma_start3A_79 = tpu.memref_slice %arg4[%arg0, %arg1, %dma_start3A_77, %dma_start3A_78] : memref<2x16x80x128xi32, #tpu.memory_space<hbm>> -> memref<1x1x40x128xi32, #tpu.memory_space<hbm>>
      %dma_start3A_80 = tpu.memref_squeeze %dma_start3A_79 : memref<1x1x40x128xi32, #tpu.memory_space<hbm>> -> memref<40x128xi32, #tpu.memory_space<hbm>>
      tpu.enqueue_dma source(%dma_start3A_80 : memref<40x128xi32, #tpu.memory_space<hbm>>) target(%arg9 : memref<40x128xi32, #tpu.memory_space<vmem>>) target_semaphore(%run_scoped3A : memref<!tpu.dma_semaphore, #tpu.memory_space<semaphore_mem>>)
      %dma_wait3A_81 = arith.constant 40 : i32
      %dma_wait3A_82 = arith.constant 0 : i32
      %dma_wait3A_83 = tpu.memref_slice %arg4[%arg0, %arg1, %dma_wait3A_81, %dma_wait3A_82] : memref<2x16x80x128xi32, #tpu.memory_space<hbm>> -> memref<1x1x40x128xi32, #tpu.memory_space<hbm>>
      %dma_wait3A_84 = tpu.memref_squeeze %dma_wait3A_83 : memref<1x1x40x128xi32, #tpu.memory_space<hbm>> -> memref<40x128xi32, #tpu.memory_space<hbm>>
      %dma_wait3A_85 = arith.constant 40 : i32
      %dma_wait3A_86 = arith.constant 0 : i32
      %dma_wait3A_87 = tpu.memref_slice %arg4[%arg0, %arg1, %dma_wait3A_85, %dma_wait3A_86] : memref<2x16x80x128xi32, #tpu.memory_space<hbm>> -> memref<1x1x40x128xi32, #tpu.memory_space<hbm>>
      %dma_wait3A_88 = tpu.memref_squeeze %dma_wait3A_87 : memref<1x1x40x128xi32, #tpu.memory_space<hbm>> -> memref<40x128xi32, #tpu.memory_space<hbm>>
      tpu.wait_dma2 semaphore(%run_scoped3A : memref<!tpu.dma_semaphore, #tpu.memory_space<semaphore_mem>>) src(%dma_wait3A_88 : memref<40x128xi32, #tpu.memory_space<hbm>>) dst(%arg9 : memref<40x128xi32, #tpu.memory_space<vmem>>)
      tpu.yield
    }) : () -> ()
    %dma_start3A_37 = arith.constant 0 : i32
    %dma_start3A_38 = arith.constant 0 : i32
    %dma_start3A_39 = arith.constant 0 : i32
    %dma_start3A_40 = arith.constant 0 : i32
    %dma_start3A_41 = arith.constant 0 : i32
    %dma_start3A_42 = tpu.memref_slice %arg10[%dma_start3A_38, %dma_start3A_40, %dma_start3A_41] : memref<2x128x128xf32, #tpu.memory_space<vmem>> -> memref<1x128x128xf32, #tpu.memory_space<vmem>>
    %dma_start3A_43 = tpu.memref_squeeze %dma_start3A_42 : memref<1x128x128xf32, #tpu.memory_space<vmem>> -> memref<128x128xf32, #tpu.memory_space<vmem>>
    %dma_start3A_44 = arith.constant 0 : i32
    %dma_start3A_45 = tpu.memref_slice %arg8[%dma_start3A_37, %dma_start3A_44] : memref<40x128xi32, #tpu.memory_space<vmem>> -> memref<1x128xi32, #tpu.memory_space<vmem>>
    %dma_start3A_46 = tpu.memref_squeeze %dma_start3A_45 : memref<1x128xi32, #tpu.memory_space<vmem>> -> memref<128xi32, #tpu.memory_space<vmem>>
    %dma_start3A_47 = arith.constant 0 : i32
    %dma_start3A_48 = arith.constant 0 : i32
    %dma_start3A_49 = tpu.memref_slice %arg2[%dma_start3A_47, %dma_start3A_48] : memref<10240x128xf32, #tpu.memory_space<hbm>> -> memref<10240x128xf32, #tpu.memory_space<hbm>>
    %dma_start3A_50 = tpu.memref_slice %arg11[%dma_start3A_39] : memref<2x!tpu.dma_semaphore, #tpu.memory_space<semaphore_mem>> -> memref<1x!tpu.dma_semaphore, #tpu.memory_space<semaphore_mem>>
    %dma_start3A_51 = tpu.memref_squeeze %dma_start3A_50 : memref<1x!tpu.dma_semaphore, #tpu.memory_space<semaphore_mem>> -> memref<!tpu.dma_semaphore, #tpu.memory_space<semaphore_mem>>
    tpu.enqueue_indirect_dma source(%dma_start3A_49 : memref<10240x128xf32, #tpu.memory_space<hbm>>) target(%dma_start3A_43 : memref<128x128xf32, #tpu.memory_space<vmem>>) offsets(%dma_start3A_46 : memref<128xi32, #tpu.memory_space<vmem>>) semaphore(%dma_start3A_51 : memref<!tpu.dma_semaphore, #tpu.memory_space<semaphore_mem>>)
    %dma_start3A_52 = arith.constant 1 : i32
    %dma_start3A_53 = arith.constant 1 : i32
    %dma_start3A_54 = arith.constant 1 : i32
    %dma_start3A_55 = arith.constant 0 : i32
    %dma_start3A_56 = arith.constant 0 : i32
    %dma_start3A_57 = tpu.memref_slice %arg10[%dma_start3A_53, %dma_start3A_55, %dma_start3A_56] : memref<2x128x128xf32, #tpu.memory_space<vmem>> -> memref<1x128x128xf32, #tpu.memory_space<vmem>>
    %dma_start3A_58 = tpu.memref_squeeze %dma_start3A_57 : memref<1x128x128xf32, #tpu.memory_space<vmem>> -> memref<128x128xf32, #tpu.memory_space<vmem>>
    %dma_start3A_59 = arith.constant 0 : i32
    %dma_start3A_60 = tpu.memref_slice %arg8[%dma_start3A_52, %dma_start3A_59] : memref<40x128xi32, #tpu.memory_space<vmem>> -> memref<1x128xi32, #tpu.memory_space<vmem>>
    %dma_start3A_61 = tpu.memref_squeeze %dma_start3A_60 : memref<1x128xi32, #tpu.memory_space<vmem>> -> memref<128xi32, #tpu.memory_space<vmem>>
    %dma_start3A_62 = arith.constant 0 : i32
    %dma_start3A_63 = arith.constant 0 : i32
    %dma_start3A_64 = tpu.memref_slice %arg2[%dma_start3A_62, %dma_start3A_63] : memref<10240x128xf32, #tpu.memory_space<hbm>> -> memref<10240x128xf32, #tpu.memory_space<hbm>>
    %dma_start3A_65 = tpu.memref_slice %arg11[%dma_start3A_54] : memref<2x!tpu.dma_semaphore, #tpu.memory_space<semaphore_mem>> -> memref<1x!tpu.dma_semaphore, #tpu.memory_space<semaphore_mem>>
    %dma_start3A_66 = tpu.memref_squeeze %dma_start3A_65 : memref<1x!tpu.dma_semaphore, #tpu.memory_space<semaphore_mem>> -> memref<!tpu.dma_semaphore, #tpu.memory_space<semaphore_mem>>
    tpu.enqueue_indirect_dma source(%dma_start3A_64 : memref<10240x128xf32, #tpu.memory_space<hbm>>) target(%dma_start3A_58 : memref<128x128xf32, #tpu.memory_space<vmem>>) offsets(%dma_start3A_61 : memref<128xi32, #tpu.memory_space<vmem>>) semaphore(%dma_start3A_66 : memref<!tpu.dma_semaphore, #tpu.memory_space<semaphore_mem>>)
    %scan3A_67 = arith.constant 0 : i32
    %scan3A_68 = arith.constant 20 : i32
    %scan3A_69 = arith.addi %scan3A_67, %scan3A_68 : i32
    %scan3A_70 = arith.constant 1 : i32
    scf.for %scan3A_73 = %scan3A_67 to %scan3A_69 step %scan3A_70  : i32 {
      %mul3A_74 = arith.constant 1 : i32
      %mul3A_75 = arith.muli %scan3A_73, %mul3A_74 : i32
      %add3A = arith.constant 0 : i32
      %add3A_76 = arith.addi %add3A, %mul3A_75 : i32
      %mul3A_77 = arith.constant 2 : i32
      %mul3A_78 = arith.muli %add3A_76, %mul3A_77 : i32
      %add3A_79 = arith.constant 0 : i32
      %add3A_80 = arith.addi %mul3A_78, %add3A_79 : i32
      %dma_wait3A_81 = arith.constant 0 : i32
      %dma_wait3A_82 = arith.constant 0 : i32
      %dma_wait3A_83 = arith.constant 0 : i32
      %dma_wait3A_84 = arith.constant 0 : i32
      %dma_wait3A_85 = tpu.memref_slice %arg10[%dma_wait3A_81, %dma_wait3A_83, %dma_wait3A_84] : memref<2x128x128xf32, #tpu.memory_space<vmem>> -> memref<1x128x128xf32, #tpu.memory_space<vmem>>
      %dma_wait3A_86 = tpu.memref_squeeze %dma_wait3A_85 : memref<1x128x128xf32, #tpu.memory_space<vmem>> -> memref<128x128xf32, #tpu.memory_space<vmem>>
      %dma_wait3A_87 = arith.constant 0 : i32
      %dma_wait3A_88 = tpu.memref_slice %arg8[%add3A_80, %dma_wait3A_87] : memref<40x128xi32, #tpu.memory_space<vmem>> -> memref<1x128xi32, #tpu.memory_space<vmem>>
      %dma_wait3A_89 = tpu.memref_squeeze %dma_wait3A_88 : memref<1x128xi32, #tpu.memory_space<vmem>> -> memref<128xi32, #tpu.memory_space<vmem>>
      %dma_wait3A_90 = arith.constant 0 : i32
      %dma_wait3A_91 = arith.constant 0 : i32
      %dma_wait3A_92 = tpu.memref_slice %arg2[%dma_wait3A_90, %dma_wait3A_91] : memref<10240x128xf32, #tpu.memory_space<hbm>> -> memref<10240x128xf32, #tpu.memory_space<hbm>>
      %dma_wait3A_93 = tpu.memref_slice %arg11[%dma_wait3A_82] : memref<2x!tpu.dma_semaphore, #tpu.memory_space<semaphore_mem>> -> memref<1x!tpu.dma_semaphore, #tpu.memory_space<semaphore_mem>>
      %dma_wait3A_94 = tpu.memref_squeeze %dma_wait3A_93 : memref<1x!tpu.dma_semaphore, #tpu.memory_space<semaphore_mem>> -> memref<!tpu.dma_semaphore, #tpu.memory_space<semaphore_mem>>
      tpu.wait_indirect_dma semaphore(%dma_wait3A_94 : memref<!tpu.dma_semaphore, #tpu.memory_space<semaphore_mem>>) src(%dma_wait3A_92 : memref<10240x128xf32, #tpu.memory_space<hbm>>) dst(%dma_wait3A_86 : memref<128x128xf32, #tpu.memory_space<vmem>>)
      %run_scoped3A = arith.constant 0 : i32
      "tpu.region"() ({
        %run_scoped3A_125 = tpu.sem_alloc : memref<!tpu.dma_semaphore, #tpu.memory_space<semaphore_mem>>
        %dma_start3A_126 = arith.constant 0 : i32
        %dma_start3A_127 = arith.constant 0 : i32
        %dma_start3A_128 = tpu.memref_slice %arg10[%run_scoped3A, %dma_start3A_126, %dma_start3A_127] : memref<2x128x128xf32, #tpu.memory_space<vmem>> -> memref<1x128x128xf32, #tpu.memory_space<vmem>>
        %dma_start3A_129 = tpu.memref_squeeze %dma_start3A_128 : memref<1x128x128xf32, #tpu.memory_space<vmem>> -> memref<128x128xf32, #tpu.memory_space<vmem>>
        %dma_start3A_130 = arith.constant 0 : i32
        %dma_start3A_131 = tpu.memref_slice %arg9[%add3A_80, %dma_start3A_130] : memref<40x128xi32, #tpu.memory_space<vmem>> -> memref<1x128xi32, #tpu.memory_space<vmem>>
        %dma_start3A_132 = tpu.memref_squeeze %dma_start3A_131 : memref<1x128xi32, #tpu.memory_space<vmem>> -> memref<128xi32, #tpu.memory_space<vmem>>
        %dma_start3A_133 = arith.constant 0 : i32
        %dma_start3A_134 = arith.constant 0 : i32
        %dma_start3A_135 = tpu.memref_slice %arg7[%dma_start3A_133, %dma_start3A_134] : memref<10240x128xf32, #tpu.memory_space<vmem_shared>> -> memref<10240x128xf32, #tpu.memory_space<vmem_shared>>
        tpu.enqueue_indirect_dma source(%dma_start3A_129 : memref<128x128xf32, #tpu.memory_space<vmem>>) target(%dma_start3A_135 : memref<10240x128xf32, #tpu.memory_space<vmem_shared>>) offsets(%dma_start3A_132 : memref<128xi32, #tpu.memory_space<vmem>>) semaphore(%run_scoped3A_125 : memref<!tpu.dma_semaphore, #tpu.memory_space<semaphore_mem>>) {add = true}
        %dma_wait3A_136 = arith.constant 0 : i32
        %dma_wait3A_137 = arith.constant 0 : i32
        %dma_wait3A_138 = tpu.memref_slice %arg10[%run_scoped3A, %dma_wait3A_136, %dma_wait3A_137] : memref<2x128x128xf32, #tpu.memory_space<vmem>> -> memref<1x128x128xf32, #tpu.memory_space<vmem>>
        %dma_wait3A_139 = tpu.memref_squeeze %dma_wait3A_138 : memref<1x128x128xf32, #tpu.memory_space<vmem>> -> memref<128x128xf32, #tpu.memory_space<vmem>>
        %dma_wait3A_140 = arith.constant 0 : i32
        %dma_wait3A_141 = tpu.memref_slice %arg9[%add3A_80, %dma_wait3A_140] : memref<40x128xi32, #tpu.memory_space<vmem>> -> memref<1x128xi32, #tpu.memory_space<vmem>>
        %dma_wait3A_142 = tpu.memref_squeeze %dma_wait3A_141 : memref<1x128xi32, #tpu.memory_space<vmem>> -> memref<128xi32, #tpu.memory_space<vmem>>
        %dma_wait3A_143 = arith.constant 0 : i32
        %dma_wait3A_144 = arith.constant 0 : i32
        %dma_wait3A_145 = tpu.memref_slice %arg7[%dma_wait3A_143, %dma_wait3A_144] : memref<10240x128xf32, #tpu.memory_space<vmem_shared>> -> memref<10240x128xf32, #tpu.memory_space<vmem_shared>>
        tpu.wait_indirect_dma semaphore(%run_scoped3A_125 : memref<!tpu.dma_semaphore, #tpu.memory_space<semaphore_mem>>) src(%dma_wait3A_139 : memref<128x128xf32, #tpu.memory_space<vmem>>) dst(%dma_wait3A_145 : memref<10240x128xf32, #tpu.memory_space<vmem_shared>>)
        tpu.yield
      }) : () -> ()
      %add3A_95 = arith.constant 2 : i32
      %add3A_96 = arith.addi %add3A_80, %add3A_95 : i32
      %lt3A = arith.constant 40 : i32
      %lt3A_97 = arith.cmpi slt, %add3A_96, %lt3A : i32
      %convert_element_type3A = arith.extui %lt3A_97 : i1 to i32
      %cond3A = arith.constant 0 : i32
      %cond3A_98 = arith.cmpi ne, %convert_element_type3A, %cond3A : i32
      scf.if %cond3A_98 {
        %add3A_125 = arith.constant 2 : i32
        %add3A_126 = arith.addi %add3A_80, %add3A_125 : i32
        %dma_start3A_127 = arith.constant 0 : i32
        %dma_start3A_128 = arith.constant 0 : i32
        %dma_start3A_129 = arith.constant 0 : i32
        %dma_start3A_130 = arith.constant 0 : i32
        %dma_start3A_131 = tpu.memref_slice %arg10[%dma_start3A_127, %dma_start3A_129, %dma_start3A_130] : memref<2x128x128xf32, #tpu.memory_space<vmem>> -> memref<1x128x128xf32, #tpu.memory_space<vmem>>
        %dma_start3A_132 = tpu.memref_squeeze %dma_start3A_131 : memref<1x128x128xf32, #tpu.memory_space<vmem>> -> memref<128x128xf32, #tpu.memory_space<vmem>>
        %dma_start3A_133 = arith.constant 0 : i32
        %dma_start3A_134 = tpu.memref_slice %arg8[%add3A_126, %dma_start3A_133] : memref<40x128xi32, #tpu.memory_space<vmem>> -> memref<1x128xi32, #tpu.memory_space<vmem>>
        %dma_start3A_135 = tpu.memref_squeeze %dma_start3A_134 : memref<1x128xi32, #tpu.memory_space<vmem>> -> memref<128xi32, #tpu.memory_space<vmem>>
        %dma_start3A_136 = arith.constant 0 : i32
        %dma_start3A_137 = arith.constant 0 : i32
        %dma_start3A_138 = tpu.memref_slice %arg2[%dma_start3A_136, %dma_start3A_137] : memref<10240x128xf32, #tpu.memory_space<hbm>> -> memref<10240x128xf32, #tpu.memory_space<hbm>>
        %dma_start3A_139 = tpu.memref_slice %arg11[%dma_start3A_128] : memref<2x!tpu.dma_semaphore, #tpu.memory_space<semaphore_mem>> -> memref<1x!tpu.dma_semaphore, #tpu.memory_space<semaphore_mem>>
        %dma_start3A_140 = tpu.memref_squeeze %dma_start3A_139 : memref<1x!tpu.dma_semaphore, #tpu.memory_space<semaphore_mem>> -> memref<!tpu.dma_semaphore, #tpu.memory_space<semaphore_mem>>
        tpu.enqueue_indirect_dma source(%dma_start3A_138 : memref<10240x128xf32, #tpu.memory_space<hbm>>) target(%dma_start3A_132 : memref<128x128xf32, #tpu.memory_space<vmem>>) offsets(%dma_start3A_135 : memref<128xi32, #tpu.memory_space<vmem>>) semaphore(%dma_start3A_140 : memref<!tpu.dma_semaphore, #tpu.memory_space<semaphore_mem>>)
      } else {
      }
      %mul3A_99 = arith.constant 2 : i32
      %mul3A_100 = arith.muli %add3A_76, %mul3A_99 : i32
      %add3A_101 = arith.constant 1 : i32
      %add3A_102 = arith.addi %mul3A_100, %add3A_101 : i32
      %dma_wait3A_103 = arith.constant 1 : i32
      %dma_wait3A_104 = arith.constant 1 : i32
      %dma_wait3A_105 = arith.constant 0 : i32
      %dma_wait3A_106 = arith.constant 0 : i32
      %dma_wait3A_107 = tpu.memref_slice %arg10[%dma_wait3A_103, %dma_wait3A_105, %dma_wait3A_106] : memref<2x128x128xf32, #tpu.memory_space<vmem>> -> memref<1x128x128xf32, #tpu.memory_space<vmem>>
      %dma_wait3A_108 = tpu.memref_squeeze %dma_wait3A_107 : memref<1x128x128xf32, #tpu.memory_space<vmem>> -> memref<128x128xf32, #tpu.memory_space<vmem>>
      %dma_wait3A_109 = arith.constant 0 : i32
      %dma_wait3A_110 = tpu.memref_slice %arg8[%add3A_102, %dma_wait3A_109] : memref<40x128xi32, #tpu.memory_space<vmem>> -> memref<1x128xi32, #tpu.memory_space<vmem>>
      %dma_wait3A_111 = tpu.memref_squeeze %dma_wait3A_110 : memref<1x128xi32, #tpu.memory_space<vmem>> -> memref<128xi32, #tpu.memory_space<vmem>>
      %dma_wait3A_112 = arith.constant 0 : i32
      %dma_wait3A_113 = arith.constant 0 : i32
      %dma_wait3A_114 = tpu.memref_slice %arg2[%dma_wait3A_112, %dma_wait3A_113] : memref<10240x128xf32, #tpu.memory_space<hbm>> -> memref<10240x128xf32, #tpu.memory_space<hbm>>
      %dma_wait3A_115 = tpu.memref_slice %arg11[%dma_wait3A_104] : memref<2x!tpu.dma_semaphore, #tpu.memory_space<semaphore_mem>> -> memref<1x!tpu.dma_semaphore, #tpu.memory_space<semaphore_mem>>
      %dma_wait3A_116 = tpu.memref_squeeze %dma_wait3A_115 : memref<1x!tpu.dma_semaphore, #tpu.memory_space<semaphore_mem>> -> memref<!tpu.dma_semaphore, #tpu.memory_space<semaphore_mem>>
      tpu.wait_indirect_dma semaphore(%dma_wait3A_116 : memref<!tpu.dma_semaphore, #tpu.memory_space<semaphore_mem>>) src(%dma_wait3A_114 : memref<10240x128xf32, #tpu.memory_space<hbm>>) dst(%dma_wait3A_108 : memref<128x128xf32, #tpu.memory_space<vmem>>)
      %run_scoped3A_117 = arith.constant 1 : i32
      "tpu.region"() ({
        %run_scoped3A_125 = tpu.sem_alloc : memref<!tpu.dma_semaphore, #tpu.memory_space<semaphore_mem>>
        %dma_start3A_126 = arith.constant 0 : i32
        %dma_start3A_127 = arith.constant 0 : i32
        %dma_start3A_128 = tpu.memref_slice %arg10[%run_scoped3A_117, %dma_start3A_126, %dma_start3A_127] : memref<2x128x128xf32, #tpu.memory_space<vmem>> -> memref<1x128x128xf32, #tpu.memory_space<vmem>>
        %dma_start3A_129 = tpu.memref_squeeze %dma_start3A_128 : memref<1x128x128xf32, #tpu.memory_space<vmem>> -> memref<128x128xf32, #tpu.memory_space<vmem>>
        %dma_start3A_130 = arith.constant 0 : i32
        %dma_start3A_131 = tpu.memref_slice %arg9[%add3A_102, %dma_start3A_130] : memref<40x128xi32, #tpu.memory_space<vmem>> -> memref<1x128xi32, #tpu.memory_space<vmem>>
        %dma_start3A_132 = tpu.memref_squeeze %dma_start3A_131 : memref<1x128xi32, #tpu.memory_space<vmem>> -> memref<128xi32, #tpu.memory_space<vmem>>
        %dma_start3A_133 = arith.constant 0 : i32
        %dma_start3A_134 = arith.constant 0 : i32
        %dma_start3A_135 = tpu.memref_slice %arg7[%dma_start3A_133, %dma_start3A_134] : memref<10240x128xf32, #tpu.memory_space<vmem_shared>> -> memref<10240x128xf32, #tpu.memory_space<vmem_shared>>
        tpu.enqueue_indirect_dma source(%dma_start3A_129 : memref<128x128xf32, #tpu.memory_space<vmem>>) target(%dma_start3A_135 : memref<10240x128xf32, #tpu.memory_space<vmem_shared>>) offsets(%dma_start3A_132 : memref<128xi32, #tpu.memory_space<vmem>>) semaphore(%run_scoped3A_125 : memref<!tpu.dma_semaphore, #tpu.memory_space<semaphore_mem>>) {add = true}
        %dma_wait3A_136 = arith.constant 0 : i32
        %dma_wait3A_137 = arith.constant 0 : i32
        %dma_wait3A_138 = tpu.memref_slice %arg10[%run_scoped3A_117, %dma_wait3A_136, %dma_wait3A_137] : memref<2x128x128xf32, #tpu.memory_space<vmem>> -> memref<1x128x128xf32, #tpu.memory_space<vmem>>
        %dma_wait3A_139 = tpu.memref_squeeze %dma_wait3A_138 : memref<1x128x128xf32, #tpu.memory_space<vmem>> -> memref<128x128xf32, #tpu.memory_space<vmem>>
        %dma_wait3A_140 = arith.constant 0 : i32
        %dma_wait3A_141 = tpu.memref_slice %arg9[%add3A_102, %dma_wait3A_140] : memref<40x128xi32, #tpu.memory_space<vmem>> -> memref<1x128xi32, #tpu.memory_space<vmem>>
        %dma_wait3A_142 = tpu.memref_squeeze %dma_wait3A_141 : memref<1x128xi32, #tpu.memory_space<vmem>> -> memref<128xi32, #tpu.memory_space<vmem>>
        %dma_wait3A_143 = arith.constant 0 : i32
        %dma_wait3A_144 = arith.constant 0 : i32
        %dma_wait3A_145 = tpu.memref_slice %arg7[%dma_wait3A_143, %dma_wait3A_144] : memref<10240x128xf32, #tpu.memory_space<vmem_shared>> -> memref<10240x128xf32, #tpu.memory_space<vmem_shared>>
        tpu.wait_indirect_dma semaphore(%run_scoped3A_125 : memref<!tpu.dma_semaphore, #tpu.memory_space<semaphore_mem>>) src(%dma_wait3A_139 : memref<128x128xf32, #tpu.memory_space<vmem>>) dst(%dma_wait3A_145 : memref<10240x128xf32, #tpu.memory_space<vmem_shared>>)
        tpu.yield
      }) : () -> ()
      %add3A_118 = arith.constant 2 : i32
      %add3A_119 = arith.addi %add3A_102, %add3A_118 : i32
      %lt3A_120 = arith.constant 40 : i32
      %lt3A_121 = arith.cmpi slt, %add3A_119, %lt3A_120 : i32
      %convert_element_type3A_122 = arith.extui %lt3A_121 : i1 to i32
      %cond3A_123 = arith.constant 0 : i32
      %cond3A_124 = arith.cmpi ne, %convert_element_type3A_122, %cond3A_123 : i32
      scf.if %cond3A_124 {
        %add3A_125 = arith.constant 2 : i32
        %add3A_126 = arith.addi %add3A_102, %add3A_125 : i32
        %dma_start3A_127 = arith.constant 1 : i32
        %dma_start3A_128 = arith.constant 1 : i32
        %dma_start3A_129 = arith.constant 0 : i32
        %dma_start3A_130 = arith.constant 0 : i32
        %dma_start3A_131 = tpu.memref_slice %arg10[%dma_start3A_127, %dma_start3A_129, %dma_start3A_130] : memref<2x128x128xf32, #tpu.memory_space<vmem>> -> memref<1x128x128xf32, #tpu.memory_space<vmem>>
        %dma_start3A_132 = tpu.memref_squeeze %dma_start3A_131 : memref<1x128x128xf32, #tpu.memory_space<vmem>> -> memref<128x128xf32, #tpu.memory_space<vmem>>
        %dma_start3A_133 = arith.constant 0 : i32
        %dma_start3A_134 = tpu.memref_slice %arg8[%add3A_126, %dma_start3A_133] : memref<40x128xi32, #tpu.memory_space<vmem>> -> memref<1x128xi32, #tpu.memory_space<vmem>>
        %dma_start3A_135 = tpu.memref_squeeze %dma_start3A_134 : memref<1x128xi32, #tpu.memory_space<vmem>> -> memref<128xi32, #tpu.memory_space<vmem>>
        %dma_start3A_136 = arith.constant 0 : i32
        %dma_start3A_137 = arith.constant 0 : i32
        %dma_start3A_138 = tpu.memref_slice %arg2[%dma_start3A_136, %dma_start3A_137] : memref<10240x128xf32, #tpu.memory_space<hbm>> -> memref<10240x128xf32, #tpu.memory_space<hbm>>
        %dma_start3A_139 = tpu.memref_slice %arg11[%dma_start3A_128] : memref<2x!tpu.dma_semaphore, #tpu.memory_space<semaphore_mem>> -> memref<1x!tpu.dma_semaphore, #tpu.memory_space<semaphore_mem>>
        %dma_start3A_140 = tpu.memref_squeeze %dma_start3A_139 : memref<1x!tpu.dma_semaphore, #tpu.memory_space<semaphore_mem>> -> memref<!tpu.dma_semaphore, #tpu.memory_space<semaphore_mem>>
        tpu.enqueue_indirect_dma source(%dma_start3A_138 : memref<10240x128xf32, #tpu.memory_space<hbm>>) target(%dma_start3A_132 : memref<128x128xf32, #tpu.memory_space<vmem>>) offsets(%dma_start3A_135 : memref<128xi32, #tpu.memory_space<vmem>>) semaphore(%dma_start3A_140 : memref<!tpu.dma_semaphore, #tpu.memory_space<semaphore_mem>>)
      } else {
      }
    }
    %scan3A_71 = arith.constant 20 : i32
    %barrier3A_72 = arith.constant 0 : index
    tpu.barrier barrier_id(%barrier3A_72)
    "tpu.region"() ({
      %run_scoped3A = tpu.sem_alloc : memref<!tpu.dma_semaphore, #tpu.memory_space<semaphore_mem>>
      %dma_start3A_73 = arith.constant 0 : i32
      %dma_start3A_74 = tpu.memref_slice %arg6[%arg0, %mul3A_0, %dma_start3A_73] : memref<2x10240x128xf32, #tpu.memory_space<hbm>> -> memref<1x640x128xf32, #tpu.memory_space<hbm>>
      %dma_start3A_75 = tpu.memref_squeeze %dma_start3A_74 : memref<1x640x128xf32, #tpu.memory_space<hbm>> -> memref<640x128xf32, #tpu.memory_space<hbm>>
      %dma_start3A_76 = arith.constant 0 : i32
      %dma_start3A_77 = tpu.memref_slice %arg7[%mul3A_0, %dma_start3A_76] : memref<10240x128xf32, #tpu.memory_space<vmem_shared>> -> memref<640x128xf32, #tpu.memory_space<vmem_shared>>
      tpu.enqueue_dma source(%dma_start3A_77 : memref<640x128xf32, #tpu.memory_space<vmem_shared>>) target(%dma_start3A_75 : memref<640x128xf32, #tpu.memory_space<hbm>>) target_semaphore(%run_scoped3A : memref<!tpu.dma_semaphore, #tpu.memory_space<semaphore_mem>>)
      %dma_wait3A_78 = arith.constant 0 : i32
      %dma_wait3A_79 = tpu.memref_slice %arg6[%arg0, %mul3A_0, %dma_wait3A_78] : memref<2x10240x128xf32, #tpu.memory_space<hbm>> -> memref<1x640x128xf32, #tpu.memory_space<hbm>>
      %dma_wait3A_80 = tpu.memref_squeeze %dma_wait3A_79 : memref<1x640x128xf32, #tpu.memory_space<hbm>> -> memref<640x128xf32, #tpu.memory_space<hbm>>
      %dma_wait3A_81 = arith.constant 0 : i32
      %dma_wait3A_82 = tpu.memref_slice %arg7[%mul3A_0, %dma_wait3A_81] : memref<10240x128xf32, #tpu.memory_space<vmem_shared>> -> memref<640x128xf32, #tpu.memory_space<vmem_shared>>
      tpu.wait_dma2 semaphore(%run_scoped3A : memref<!tpu.dma_semaphore, #tpu.memory_space<semaphore_mem>>) src(%dma_wait3A_82 : memref<640x128xf32, #tpu.memory_space<vmem_shared>>) dst(%dma_wait3A_80 : memref<640x128xf32, #tpu.memory_space<hbm>>)
      tpu.yield
    }) : () -> ()
    return
  }
}

#map = affine_map<(d0, d1) -> (0, 0)>
#map1 = affine_map<(d0, d1) -> (0, 0, 0, 0)>
#map2 = affine_map<(d0, d1) -> (0, 0, 0)>
module attributes {stable_mosaic.version = 14 : i64} {
  func.func @body(%arg0: i32, %arg1: i32, %arg2: memref<10240x128xf32, #tpu.memory_space<hbm>>, %arg3: memref<2x16x80x128xi32, #tpu.memory_space<hbm>>, %arg4: memref<2x16x80x128xi32, #tpu.memory_space<hbm>>, %arg5: memref<640x128xf32, #tpu.memory_space<hbm>>, %arg6: memref<2x10240x128xf32, #tpu.memory_space<hbm>>, %arg7: memref<10240x128xf32, #tpu.memory_space<vmem_shared>>, %arg8: memref<40x128xi32, #tpu.memory_space<vmem>>, %arg9: memref<40x128xi32, #tpu.memory_space<vmem>>, %arg10: memref<2x128x128xf32, #tpu.memory_space<vmem>>, %arg11: memref<2x!tpu.dma_semaphore, #tpu.memory_space<semaphore_mem>>, %arg12: memref<!tpu.dma_semaphore, #tpu.memory_space<semaphore_mem>>) attributes {dimension_semantics = [#tpu.dimension_semantics<core_parallel>, #tpu.dimension_semantics<subcore_parallel>], iteration_bounds = array<i64: 2, 16>, scalar_prefetch = 0 : i64, scratch_operands = 6 : i64, tpu.core_type = #tpu.core_type<sc_vector_subcore>, window_params = [{transform_indices = #map}, {transform_indices = #map1}, {transform_indices = #map1}, {transform_indices = #map}, {transform_indices = #map2}]} {
    %mul3A = arith.constant 640 : i32
    %mul3A_0 = arith.muli %arg1, %mul3A : i32
    %dma_start3A = arith.constant 0 : i32
    %dma_start3A_1 = tpu.memref_slice %arg7[%mul3A_0, %dma_start3A] : memref<10240x128xf32, #tpu.memory_space<vmem_shared>> -> memref<640x128xf32, #tpu.memory_space<vmem_shared>>
    tpu.enqueue_dma source(%arg5 : memref<640x128xf32, #tpu.memory_space<hbm>>) target(%dma_start3A_1 : memref<640x128xf32, #tpu.memory_space<vmem_shared>>) target_semaphore(%arg12 : memref<!tpu.dma_semaphore, #tpu.memory_space<semaphore_mem>>)
    "tpu.region"() ({
      %run_scoped3A = tpu.sem_alloc : memref<!tpu.dma_semaphore, #tpu.memory_space<semaphore_mem>>
      %dma_start3A_73 = arith.constant 0 : i32
      %dma_start3A_74 = arith.constant 0 : i32
      %dma_start3A_75 = tpu.memref_slice %arg3[%arg0, %arg1, %dma_start3A_73, %dma_start3A_74] : memref<2x16x80x128xi32, #tpu.memory_space<hbm>> -> memref<1x1x40x128xi32, #tpu.memory_space<hbm>>
      %dma_start3A_76 = tpu.memref_squeeze %dma_start3A_75 : memref<1x1x40x128xi32, #tpu.memory_space<hbm>> -> memref<40x128xi32, #tpu.memory_space<hbm>>
      %dma_start3A_77 = arith.constant 0 : i32
      %dma_start3A_78 = arith.constant 0 : i32
      %dma_start3A_79 = tpu.memref_slice %arg3[%arg0, %arg1, %dma_start3A_77, %dma_start3A_78] : memref<2x16x80x128xi32, #tpu.memory_space<hbm>> -> memref<1x1x40x128xi32, #tpu.memory_space<hbm>>
      %dma_start3A_80 = tpu.memref_squeeze %dma_start3A_79 : memref<1x1x40x128xi32, #tpu.memory_space<hbm>> -> memref<40x128xi32, #tpu.memory_space<hbm>>
      tpu.enqueue_dma source(%dma_start3A_80 : memref<40x128xi32, #tpu.memory_space<hbm>>) target(%arg8 : memref<40x128xi32, #tpu.memory_space<vmem>>) target_semaphore(%run_scoped3A : memref<!tpu.dma_semaphore, #tpu.memory_space<semaphore_mem>>)
      %dma_wait3A_81 = arith.constant 0 : i32
      %dma_wait3A_82 = arith.constant 0 : i32
      %dma_wait3A_83 = tpu.memref_slice %arg3[%arg0, %arg1, %dma_wait3A_81, %dma_wait3A_82] : memref<2x16x80x128xi32, #tpu.memory_space<hbm>> -> memref<1x1x40x128xi32, #tpu.memory_space<hbm>>
      %dma_wait3A_84 = tpu.memref_squeeze %dma_wait3A_83 : memref<1x1x40x128xi32, #tpu.memory_space<hbm>> -> memref<40x128xi32, #tpu.memory_space<hbm>>
      %dma_wait3A_85 = arith.constant 0 : i32
      %dma_wait3A_86 = arith.constant 0 : i32
      %dma_wait3A_87 = tpu.memref_slice %arg3[%arg0, %arg1, %dma_wait3A_85, %dma_wait3A_86] : memref<2x16x80x128xi32, #tpu.memory_space<hbm>> -> memref<1x1x40x128xi32, #tpu.memory_space<hbm>>
      %dma_wait3A_88 = tpu.memref_squeeze %dma_wait3A_87 : memref<1x1x40x128xi32, #tpu.memory_space<hbm>> -> memref<40x128xi32, #tpu.memory_space<hbm>>
      tpu.wait_dma2 semaphore(%run_scoped3A : memref<!tpu.dma_semaphore, #tpu.memory_space<semaphore_mem>>) src(%dma_wait3A_88 : memref<40x128xi32, #tpu.memory_space<hbm>>) dst(%arg8 : memref<40x128xi32, #tpu.memory_space<vmem>>)
      tpu.yield
    }) : () -> ()
    "tpu.region"() ({
      %run_scoped3A = tpu.sem_alloc : memref<!tpu.dma_semaphore, #tpu.memory_space<semaphore_mem>>
      %dma_start3A_73 = arith.constant 0 : i32
      %dma_start3A_74 = arith.constant 0 : i32
      %dma_start3A_75 = tpu.memref_slice %arg4[%arg0, %arg1, %dma_start3A_73, %dma_start3A_74] : memref<2x16x80x128xi32, #tpu.memory_space<hbm>> -> memref<1x1x40x128xi32, #tpu.memory_space<hbm>>
      %dma_start3A_76 = tpu.memref_squeeze %dma_start3A_75 : memref<1x1x40x128xi32, #tpu.memory_space<hbm>> -> memref<40x128xi32, #tpu.memory_space<hbm>>
      %dma_start3A_77 = arith.constant 0 : i32
      %dma_start3A_78 = arith.constant 0 : i32
      %dma_start3A_79 = tpu.memref_slice %arg4[%arg0, %arg1, %dma_start3A_77, %dma_start3A_78] : memref<2x16x80x128xi32, #tpu.memory_space<hbm>> -> memref<1x1x40x128xi32, #tpu.memory_space<hbm>>
      %dma_start3A_80 = tpu.memref_squeeze %dma_start3A_79 : memref<1x1x40x128xi32, #tpu.memory_space<hbm>> -> memref<40x128xi32, #tpu.memory_space<hbm>>
      tpu.enqueue_dma source(%dma_start3A_80 : memref<40x128xi32, #tpu.memory_space<hbm>>) target(%arg9 : memref<40x128xi32, #tpu.memory_space<vmem>>) target_semaphore(%run_scoped3A : memref<!tpu.dma_semaphore, #tpu.memory_space<semaphore_mem>>)
      %dma_wait3A_81 = arith.constant 0 : i32
      %dma_wait3A_82 = arith.constant 0 : i32
      %dma_wait3A_83 = tpu.memref_slice %arg4[%arg0, %arg1, %dma_wait3A_81, %dma_wait3A_82] : memref<2x16x80x128xi32, #tpu.memory_space<hbm>> -> memref<1x1x40x128xi32, #tpu.memory_space<hbm>>
      %dma_wait3A_84 = tpu.memref_squeeze %dma_wait3A_83 : memref<1x1x40x128xi32, #tpu.memory_space<hbm>> -> memref<40x128xi32, #tpu.memory_space<hbm>>
      %dma_wait3A_85 = arith.constant 0 : i32
      %dma_wait3A_86 = arith.constant 0 : i32
      %dma_wait3A_87 = tpu.memref_slice %arg4[%arg0, %arg1, %dma_wait3A_85, %dma_wait3A_86] : memref<2x16x80x128xi32, #tpu.memory_space<hbm>> -> memref<1x1x40x128xi32, #tpu.memory_space<hbm>>
      %dma_wait3A_88 = tpu.memref_squeeze %dma_wait3A_87 : memref<1x1x40x128xi32, #tpu.memory_space<hbm>> -> memref<40x128xi32, #tpu.memory_space<hbm>>
      tpu.wait_dma2 semaphore(%run_scoped3A : memref<!tpu.dma_semaphore, #tpu.memory_space<semaphore_mem>>) src(%dma_wait3A_88 : memref<40x128xi32, #tpu.memory_space<hbm>>) dst(%arg9 : memref<40x128xi32, #tpu.memory_space<vmem>>)
      tpu.yield
    }) : () -> ()
    %dma_start3A_2 = arith.constant 0 : i32
    %dma_start3A_3 = arith.constant 0 : i32
    %dma_start3A_4 = arith.constant 0 : i32
    %dma_start3A_5 = arith.constant 0 : i32
    %dma_start3A_6 = arith.constant 0 : i32
    %dma_start3A_7 = tpu.memref_slice %arg10[%dma_start3A_3, %dma_start3A_5, %dma_start3A_6] : memref<2x128x128xf32, #tpu.memory_space<vmem>> -> memref<1x128x128xf32, #tpu.memory_space<vmem>>
    %dma_start3A_8 = tpu.memref_squeeze %dma_start3A_7 : memref<1x128x128xf32, #tpu.memory_space<vmem>> -> memref<128x128xf32, #tpu.memory_space<vmem>>
    %dma_start3A_9 = arith.constant 0 : i32
    %dma_start3A_10 = tpu.memref_slice %arg8[%dma_start3A_2, %dma_start3A_9] : memref<40x128xi32, #tpu.memory_space<vmem>> -> memref<1x128xi32, #tpu.memory_space<vmem>>
    %dma_start3A_11 = tpu.memref_squeeze %dma_start3A_10 : memref<1x128xi32, #tpu.memory_space<vmem>> -> memref<128xi32, #tpu.memory_space<vmem>>
    %dma_start3A_12 = arith.constant 0 : i32
    %dma_start3A_13 = arith.constant 0 : i32
    %dma_start3A_14 = tpu.memref_slice %arg2[%dma_start3A_12, %dma_start3A_13] : memref<10240x128xf32, #tpu.memory_space<hbm>> -> memref<10240x128xf32, #tpu.memory_space<hbm>>
    %dma_start3A_15 = tpu.memref_slice %arg11[%dma_start3A_4] : memref<2x!tpu.dma_semaphore, #tpu.memory_space<semaphore_mem>> -> memref<1x!tpu.dma_semaphore, #tpu.memory_space<semaphore_mem>>
    %dma_start3A_16 = tpu.memref_squeeze %dma_start3A_15 : memref<1x!tpu.dma_semaphore, #tpu.memory_space<semaphore_mem>> -> memref<!tpu.dma_semaphore, #tpu.memory_space<semaphore_mem>>
    tpu.enqueue_indirect_dma source(%dma_start3A_14 : memref<10240x128xf32, #tpu.memory_space<hbm>>) target(%dma_start3A_8 : memref<128x128xf32, #tpu.memory_space<vmem>>) offsets(%dma_start3A_11 : memref<128xi32, #tpu.memory_space<vmem>>) semaphore(%dma_start3A_16 : memref<!tpu.dma_semaphore, #tpu.memory_space<semaphore_mem>>)
    %dma_start3A_17 = arith.constant 1 : i32
    %dma_start3A_18 = arith.constant 1 : i32
    %dma_start3A_19 = arith.constant 1 : i32
    %dma_start3A_20 = arith.constant 0 : i32
    %dma_start3A_21 = arith.constant 0 : i32
    %dma_start3A_22 = tpu.memref_slice %arg10[%dma_start3A_18, %dma_start3A_20, %dma_start3A_21] : memref<2x128x128xf32, #tpu.memory_space<vmem>> -> memref<1x128x128xf32, #tpu.memory_space<vmem>>
    %dma_start3A_23 = tpu.memref_squeeze %dma_start3A_22 : memref<1x128x128xf32, #tpu.memory_space<vmem>> -> memref<128x128xf32, #tpu.memory_space<vmem>>
    %dma_start3A_24 = arith.constant 0 : i32
    %dma_start3A_25 = tpu.memref_slice %arg8[%dma_start3A_17, %dma_start3A_24] : memref<40x128xi32, #tpu.memory_space<vmem>> -> memref<1x128xi32, #tpu.memory_space<vmem>>
    %dma_start3A_26 = tpu.memref_squeeze %dma_start3A_25 : memref<1x128xi32, #tpu.memory_space<vmem>> -> memref<128xi32, #tpu.memory_space<vmem>>
    %dma_start3A_27 = arith.constant 0 : i32
    %dma_start3A_28 = arith.constant 0 : i32
    %dma_start3A_29 = tpu.memref_slice %arg2[%dma_start3A_27, %dma_start3A_28] : memref<10240x128xf32, #tpu.memory_space<hbm>> -> memref<10240x128xf32, #tpu.memory_space<hbm>>
    %dma_start3A_30 = tpu.memref_slice %arg11[%dma_start3A_19] : memref<2x!tpu.dma_semaphore, #tpu.memory_space<semaphore_mem>> -> memref<1x!tpu.dma_semaphore, #tpu.memory_space<semaphore_mem>>
    %dma_start3A_31 = tpu.memref_squeeze %dma_start3A_30 : memref<1x!tpu.dma_semaphore, #tpu.memory_space<semaphore_mem>> -> memref<!tpu.dma_semaphore, #tpu.memory_space<semaphore_mem>>
    tpu.enqueue_indirect_dma source(%dma_start3A_29 : memref<10240x128xf32, #tpu.memory_space<hbm>>) target(%dma_start3A_23 : memref<128x128xf32, #tpu.memory_space<vmem>>) offsets(%dma_start3A_26 : memref<128xi32, #tpu.memory_space<vmem>>) semaphore(%dma_start3A_31 : memref<!tpu.dma_semaphore, #tpu.memory_space<semaphore_mem>>)
    %dma_wait3A = arith.constant 0 : i32
    %dma_wait3A_32 = tpu.memref_slice %arg7[%mul3A_0, %dma_wait3A] : memref<10240x128xf32, #tpu.memory_space<vmem_shared>> -> memref<640x128xf32, #tpu.memory_space<vmem_shared>>
    tpu.wait_dma2 semaphore(%arg12 : memref<!tpu.dma_semaphore, #tpu.memory_space<semaphore_mem>>) src(%arg5 : memref<640x128xf32, #tpu.memory_space<hbm>>) dst(%dma_wait3A_32 : memref<640x128xf32, #tpu.memory_space<vmem_shared>>)
    %barrier3A = arith.constant 0 : index
    tpu.barrier barrier_id(%barrier3A)
    %scan3A = arith.constant 0 : i32
    %scan3A_33 = arith.constant 20 : i32
    %scan3A_34 = arith.addi %scan3A, %scan3A_33 : i32
    %scan3A_35 = arith.constant 1 : i32
    scf.for %scan3A_73 = %scan3A to %scan3A_34 step %scan3A_35  : i32 {
      %mul3A_74 = arith.constant 1 : i32
      %mul3A_75 = arith.muli %scan3A_73, %mul3A_74 : i32
      %add3A = arith.constant 0 : i32
      %add3A_76 = arith.addi %add3A, %mul3A_75 : i32
      %mul3A_77 = arith.constant 2 : i32
      %mul3A_78 = arith.muli %add3A_76, %mul3A_77 : i32
      %add3A_79 = arith.constant 0 : i32
      %add3A_80 = arith.addi %mul3A_78, %add3A_79 : i32
      %dma_wait3A_81 = arith.constant 0 : i32
      %dma_wait3A_82 = arith.constant 0 : i32
      %dma_wait3A_83 = arith.constant 0 : i32
      %dma_wait3A_84 = arith.constant 0 : i32
      %dma_wait3A_85 = tpu.memref_slice %arg10[%dma_wait3A_81, %dma_wait3A_83, %dma_wait3A_84] : memref<2x128x128xf32, #tpu.memory_space<vmem>> -> memref<1x128x128xf32, #tpu.memory_space<vmem>>
      %dma_wait3A_86 = tpu.memref_squeeze %dma_wait3A_85 : memref<1x128x128xf32, #tpu.memory_space<vmem>> -> memref<128x128xf32, #tpu.memory_space<vmem>>
      %dma_wait3A_87 = arith.constant 0 : i32
      %dma_wait3A_88 = tpu.memref_slice %arg8[%add3A_80, %dma_wait3A_87] : memref<40x128xi32, #tpu.memory_space<vmem>> -> memref<1x128xi32, #tpu.memory_space<vmem>>
      %dma_wait3A_89 = tpu.memref_squeeze %dma_wait3A_88 : memref<1x128xi32, #tpu.memory_space<vmem>> -> memref<128xi32, #tpu.memory_space<vmem>>
      %dma_wait3A_90 = arith.constant 0 : i32
      %dma_wait3A_91 = arith.constant 0 : i32
      %dma_wait3A_92 = tpu.memref_slice %arg2[%dma_wait3A_90, %dma_wait3A_91] : memref<10240x128xf32, #tpu.memory_space<hbm>> -> memref<10240x128xf32, #tpu.memory_space<hbm>>
      %dma_wait3A_93 = tpu.memref_slice %arg11[%dma_wait3A_82] : memref<2x!tpu.dma_semaphore, #tpu.memory_space<semaphore_mem>> -> memref<1x!tpu.dma_semaphore, #tpu.memory_space<semaphore_mem>>
      %dma_wait3A_94 = tpu.memref_squeeze %dma_wait3A_93 : memref<1x!tpu.dma_semaphore, #tpu.memory_space<semaphore_mem>> -> memref<!tpu.dma_semaphore, #tpu.memory_space<semaphore_mem>>
      tpu.wait_indirect_dma semaphore(%dma_wait3A_94 : memref<!tpu.dma_semaphore, #tpu.memory_space<semaphore_mem>>) src(%dma_wait3A_92 : memref<10240x128xf32, #tpu.memory_space<hbm>>) dst(%dma_wait3A_86 : memref<128x128xf32, #tpu.memory_space<vmem>>)
      %run_scoped3A = arith.constant 0 : i32
      "tpu.region"() ({
        %run_scoped3A_125 = tpu.sem_alloc : memref<!tpu.dma_semaphore, #tpu.memory_space<semaphore_mem>>
        %dma_start3A_126 = arith.constant 0 : i32
        %dma_start3A_127 = arith.constant 0 : i32
        %dma_start3A_128 = tpu.memref_slice %arg10[%run_scoped3A, %dma_start3A_126, %dma_start3A_127] : memref<2x128x128xf32, #tpu.memory_space<vmem>> -> memref<1x128x128xf32, #tpu.memory_space<vmem>>
        %dma_start3A_129 = tpu.memref_squeeze %dma_start3A_128 : memref<1x128x128xf32, #tpu.memory_space<vmem>> -> memref<128x128xf32, #tpu.memory_space<vmem>>
        %dma_start3A_130 = arith.constant 0 : i32
        %dma_start3A_131 = tpu.memref_slice %arg9[%add3A_80, %dma_start3A_130] : memref<40x128xi32, #tpu.memory_space<vmem>> -> memref<1x128xi32, #tpu.memory_space<vmem>>
        %dma_start3A_132 = tpu.memref_squeeze %dma_start3A_131 : memref<1x128xi32, #tpu.memory_space<vmem>> -> memref<128xi32, #tpu.memory_space<vmem>>
        %dma_start3A_133 = arith.constant 0 : i32
        %dma_start3A_134 = arith.constant 0 : i32
        %dma_start3A_135 = tpu.memref_slice %arg7[%dma_start3A_133, %dma_start3A_134] : memref<10240x128xf32, #tpu.memory_space<vmem_shared>> -> memref<10240x128xf32, #tpu.memory_space<vmem_shared>>
        tpu.enqueue_indirect_dma source(%dma_start3A_129 : memref<128x128xf32, #tpu.memory_space<vmem>>) target(%dma_start3A_135 : memref<10240x128xf32, #tpu.memory_space<vmem_shared>>) offsets(%dma_start3A_132 : memref<128xi32, #tpu.memory_space<vmem>>) semaphore(%run_scoped3A_125 : memref<!tpu.dma_semaphore, #tpu.memory_space<semaphore_mem>>) {add = true}
        %dma_wait3A_136 = arith.constant 0 : i32
        %dma_wait3A_137 = arith.constant 0 : i32
        %dma_wait3A_138 = tpu.memref_slice %arg10[%run_scoped3A, %dma_wait3A_136, %dma_wait3A_137] : memref<2x128x128xf32, #tpu.memory_space<vmem>> -> memref<1x128x128xf32, #tpu.memory_space<vmem>>
        %dma_wait3A_139 = tpu.memref_squeeze %dma_wait3A_138 : memref<1x128x128xf32, #tpu.memory_space<vmem>> -> memref<128x128xf32, #tpu.memory_space<vmem>>
        %dma_wait3A_140 = arith.constant 0 : i32
        %dma_wait3A_141 = tpu.memref_slice %arg9[%add3A_80, %dma_wait3A_140] : memref<40x128xi32, #tpu.memory_space<vmem>> -> memref<1x128xi32, #tpu.memory_space<vmem>>
        %dma_wait3A_142 = tpu.memref_squeeze %dma_wait3A_141 : memref<1x128xi32, #tpu.memory_space<vmem>> -> memref<128xi32, #tpu.memory_space<vmem>>
        %dma_wait3A_143 = arith.constant 0 : i32
        %dma_wait3A_144 = arith.constant 0 : i32
        %dma_wait3A_145 = tpu.memref_slice %arg7[%dma_wait3A_143, %dma_wait3A_144] : memref<10240x128xf32, #tpu.memory_space<vmem_shared>> -> memref<10240x128xf32, #tpu.memory_space<vmem_shared>>
        tpu.wait_indirect_dma semaphore(%run_scoped3A_125 : memref<!tpu.dma_semaphore, #tpu.memory_space<semaphore_mem>>) src(%dma_wait3A_139 : memref<128x128xf32, #tpu.memory_space<vmem>>) dst(%dma_wait3A_145 : memref<10240x128xf32, #tpu.memory_space<vmem_shared>>)
        tpu.yield
      }) : () -> ()
      %add3A_95 = arith.constant 2 : i32
      %add3A_96 = arith.addi %add3A_80, %add3A_95 : i32
      %lt3A = arith.constant 40 : i32
      %lt3A_97 = arith.cmpi slt, %add3A_96, %lt3A : i32
      %convert_element_type3A = arith.extui %lt3A_97 : i1 to i32
      %cond3A = arith.constant 0 : i32
      %cond3A_98 = arith.cmpi ne, %convert_element_type3A, %cond3A : i32
      scf.if %cond3A_98 {
        %add3A_125 = arith.constant 2 : i32
        %add3A_126 = arith.addi %add3A_80, %add3A_125 : i32
        %dma_start3A_127 = arith.constant 0 : i32
        %dma_start3A_128 = arith.constant 0 : i32
        %dma_start3A_129 = arith.constant 0 : i32
        %dma_start3A_130 = arith.constant 0 : i32
        %dma_start3A_131 = tpu.memref_slice %arg10[%dma_start3A_127, %dma_start3A_129, %dma_start3A_130] : memref<2x128x128xf32, #tpu.memory_space<vmem>> -> memref<1x128x128xf32, #tpu.memory_space<vmem>>
        %dma_start3A_132 = tpu.memref_squeeze %dma_start3A_131 : memref<1x128x128xf32, #tpu.memory_space<vmem>> -> memref<128x128xf32, #tpu.memory_space<vmem>>
        %dma_start3A_133 = arith.constant 0 : i32
        %dma_start3A_134 = tpu.memref_slice %arg8[%add3A_126, %dma_start3A_133] : memref<40x128xi32, #tpu.memory_space<vmem>> -> memref<1x128xi32, #tpu.memory_space<vmem>>
        %dma_start3A_135 = tpu.memref_squeeze %dma_start3A_134 : memref<1x128xi32, #tpu.memory_space<vmem>> -> memref<128xi32, #tpu.memory_space<vmem>>
        %dma_start3A_136 = arith.constant 0 : i32
        %dma_start3A_137 = arith.constant 0 : i32
        %dma_start3A_138 = tpu.memref_slice %arg2[%dma_start3A_136, %dma_start3A_137] : memref<10240x128xf32, #tpu.memory_space<hbm>> -> memref<10240x128xf32, #tpu.memory_space<hbm>>
        %dma_start3A_139 = tpu.memref_slice %arg11[%dma_start3A_128] : memref<2x!tpu.dma_semaphore, #tpu.memory_space<semaphore_mem>> -> memref<1x!tpu.dma_semaphore, #tpu.memory_space<semaphore_mem>>
        %dma_start3A_140 = tpu.memref_squeeze %dma_start3A_139 : memref<1x!tpu.dma_semaphore, #tpu.memory_space<semaphore_mem>> -> memref<!tpu.dma_semaphore, #tpu.memory_space<semaphore_mem>>
        tpu.enqueue_indirect_dma source(%dma_start3A_138 : memref<10240x128xf32, #tpu.memory_space<hbm>>) target(%dma_start3A_132 : memref<128x128xf32, #tpu.memory_space<vmem>>) offsets(%dma_start3A_135 : memref<128xi32, #tpu.memory_space<vmem>>) semaphore(%dma_start3A_140 : memref<!tpu.dma_semaphore, #tpu.memory_space<semaphore_mem>>)
      } else {
      }
      %mul3A_99 = arith.constant 2 : i32
      %mul3A_100 = arith.muli %add3A_76, %mul3A_99 : i32
      %add3A_101 = arith.constant 1 : i32
      %add3A_102 = arith.addi %mul3A_100, %add3A_101 : i32
      %dma_wait3A_103 = arith.constant 1 : i32
      %dma_wait3A_104 = arith.constant 1 : i32
      %dma_wait3A_105 = arith.constant 0 : i32
      %dma_wait3A_106 = arith.constant 0 : i32
      %dma_wait3A_107 = tpu.memref_slice %arg10[%dma_wait3A_103, %dma_wait3A_105, %dma_wait3A_106] : memref<2x128x128xf32, #tpu.memory_space<vmem>> -> memref<1x128x128xf32, #tpu.memory_space<vmem>>
      %dma_wait3A_108 = tpu.memref_squeeze %dma_wait3A_107 : memref<1x128x128xf32, #tpu.memory_space<vmem>> -> memref<128x128xf32, #tpu.memory_space<vmem>>
      %dma_wait3A_109 = arith.constant 0 : i32
      %dma_wait3A_110 = tpu.memref_slice %arg8[%add3A_102, %dma_wait3A_109] : memref<40x128xi32, #tpu.memory_space<vmem>> -> memref<1x128xi32, #tpu.memory_space<vmem>>
      %dma_wait3A_111 = tpu.memref_squeeze %dma_wait3A_110 : memref<1x128xi32, #tpu.memory_space<vmem>> -> memref<128xi32, #tpu.memory_space<vmem>>
      %dma_wait3A_112 = arith.constant 0 : i32
      %dma_wait3A_113 = arith.constant 0 : i32
      %dma_wait3A_114 = tpu.memref_slice %arg2[%dma_wait3A_112, %dma_wait3A_113] : memref<10240x128xf32, #tpu.memory_space<hbm>> -> memref<10240x128xf32, #tpu.memory_space<hbm>>
      %dma_wait3A_115 = tpu.memref_slice %arg11[%dma_wait3A_104] : memref<2x!tpu.dma_semaphore, #tpu.memory_space<semaphore_mem>> -> memref<1x!tpu.dma_semaphore, #tpu.memory_space<semaphore_mem>>
      %dma_wait3A_116 = tpu.memref_squeeze %dma_wait3A_115 : memref<1x!tpu.dma_semaphore, #tpu.memory_space<semaphore_mem>> -> memref<!tpu.dma_semaphore, #tpu.memory_space<semaphore_mem>>
      tpu.wait_indirect_dma semaphore(%dma_wait3A_116 : memref<!tpu.dma_semaphore, #tpu.memory_space<semaphore_mem>>) src(%dma_wait3A_114 : memref<10240x128xf32, #tpu.memory_space<hbm>>) dst(%dma_wait3A_108 : memref<128x128xf32, #tpu.memory_space<vmem>>)
      %run_scoped3A_117 = arith.constant 1 : i32
      "tpu.region"() ({
        %run_scoped3A_125 = tpu.sem_alloc : memref<!tpu.dma_semaphore, #tpu.memory_space<semaphore_mem>>
        %dma_start3A_126 = arith.constant 0 : i32
        %dma_start3A_127 = arith.constant 0 : i32
        %dma_start3A_128 = tpu.memref_slice %arg10[%run_scoped3A_117, %dma_start3A_126, %dma_start3A_127] : memref<2x128x128xf32, #tpu.memory_space<vmem>> -> memref<1x128x128xf32, #tpu.memory_space<vmem>>
        %dma_start3A_129 = tpu.memref_squeeze %dma_start3A_128 : memref<1x128x128xf32, #tpu.memory_space<vmem>> -> memref<128x128xf32, #tpu.memory_space<vmem>>
        %dma_start3A_130 = arith.constant 0 : i32
        %dma_start3A_131 = tpu.memref_slice %arg9[%add3A_102, %dma_start3A_130] : memref<40x128xi32, #tpu.memory_space<vmem>> -> memref<1x128xi32, #tpu.memory_space<vmem>>
        %dma_start3A_132 = tpu.memref_squeeze %dma_start3A_131 : memref<1x128xi32, #tpu.memory_space<vmem>> -> memref<128xi32, #tpu.memory_space<vmem>>
        %dma_start3A_133 = arith.constant 0 : i32
        %dma_start3A_134 = arith.constant 0 : i32
        %dma_start3A_135 = tpu.memref_slice %arg7[%dma_start3A_133, %dma_start3A_134] : memref<10240x128xf32, #tpu.memory_space<vmem_shared>> -> memref<10240x128xf32, #tpu.memory_space<vmem_shared>>
        tpu.enqueue_indirect_dma source(%dma_start3A_129 : memref<128x128xf32, #tpu.memory_space<vmem>>) target(%dma_start3A_135 : memref<10240x128xf32, #tpu.memory_space<vmem_shared>>) offsets(%dma_start3A_132 : memref<128xi32, #tpu.memory_space<vmem>>) semaphore(%run_scoped3A_125 : memref<!tpu.dma_semaphore, #tpu.memory_space<semaphore_mem>>) {add = true}
        %dma_wait3A_136 = arith.constant 0 : i32
        %dma_wait3A_137 = arith.constant 0 : i32
        %dma_wait3A_138 = tpu.memref_slice %arg10[%run_scoped3A_117, %dma_wait3A_136, %dma_wait3A_137] : memref<2x128x128xf32, #tpu.memory_space<vmem>> -> memref<1x128x128xf32, #tpu.memory_space<vmem>>
        %dma_wait3A_139 = tpu.memref_squeeze %dma_wait3A_138 : memref<1x128x128xf32, #tpu.memory_space<vmem>> -> memref<128x128xf32, #tpu.memory_space<vmem>>
        %dma_wait3A_140 = arith.constant 0 : i32
        %dma_wait3A_141 = tpu.memref_slice %arg9[%add3A_102, %dma_wait3A_140] : memref<40x128xi32, #tpu.memory_space<vmem>> -> memref<1x128xi32, #tpu.memory_space<vmem>>
        %dma_wait3A_142 = tpu.memref_squeeze %dma_wait3A_141 : memref<1x128xi32, #tpu.memory_space<vmem>> -> memref<128xi32, #tpu.memory_space<vmem>>
        %dma_wait3A_143 = arith.constant 0 : i32
        %dma_wait3A_144 = arith.constant 0 : i32
        %dma_wait3A_145 = tpu.memref_slice %arg7[%dma_wait3A_143, %dma_wait3A_144] : memref<10240x128xf32, #tpu.memory_space<vmem_shared>> -> memref<10240x128xf32, #tpu.memory_space<vmem_shared>>
        tpu.wait_indirect_dma semaphore(%run_scoped3A_125 : memref<!tpu.dma_semaphore, #tpu.memory_space<semaphore_mem>>) src(%dma_wait3A_139 : memref<128x128xf32, #tpu.memory_space<vmem>>) dst(%dma_wait3A_145 : memref<10240x128xf32, #tpu.memory_space<vmem_shared>>)
        tpu.yield
      }) : () -> ()
      %add3A_118 = arith.constant 2 : i32
      %add3A_119 = arith.addi %add3A_102, %add3A_118 : i32
      %lt3A_120 = arith.constant 40 : i32
      %lt3A_121 = arith.cmpi slt, %add3A_119, %lt3A_120 : i32
      %convert_element_type3A_122 = arith.extui %lt3A_121 : i1 to i32
      %cond3A_123 = arith.constant 0 : i32
      %cond3A_124 = arith.cmpi ne, %convert_element_type3A_122, %cond3A_123 : i32
      scf.if %cond3A_124 {
        %add3A_125 = arith.constant 2 : i32
        %add3A_126 = arith.addi %add3A_102, %add3A_125 : i32
        %dma_start3A_127 = arith.constant 1 : i32
        %dma_start3A_128 = arith.constant 1 : i32
        %dma_start3A_129 = arith.constant 0 : i32
        %dma_start3A_130 = arith.constant 0 : i32
        %dma_start3A_131 = tpu.memref_slice %arg10[%dma_start3A_127, %dma_start3A_129, %dma_start3A_130] : memref<2x128x128xf32, #tpu.memory_space<vmem>> -> memref<1x128x128xf32, #tpu.memory_space<vmem>>
        %dma_start3A_132 = tpu.memref_squeeze %dma_start3A_131 : memref<1x128x128xf32, #tpu.memory_space<vmem>> -> memref<128x128xf32, #tpu.memory_space<vmem>>
        %dma_start3A_133 = arith.constant 0 : i32
        %dma_start3A_134 = tpu.memref_slice %arg8[%add3A_126, %dma_start3A_133] : memref<40x128xi32, #tpu.memory_space<vmem>> -> memref<1x128xi32, #tpu.memory_space<vmem>>
        %dma_start3A_135 = tpu.memref_squeeze %dma_start3A_134 : memref<1x128xi32, #tpu.memory_space<vmem>> -> memref<128xi32, #tpu.memory_space<vmem>>
        %dma_start3A_136 = arith.constant 0 : i32
        %dma_start3A_137 = arith.constant 0 : i32
        %dma_start3A_138 = tpu.memref_slice %arg2[%dma_start3A_136, %dma_start3A_137] : memref<10240x128xf32, #tpu.memory_space<hbm>> -> memref<10240x128xf32, #tpu.memory_space<hbm>>
        %dma_start3A_139 = tpu.memref_slice %arg11[%dma_start3A_128] : memref<2x!tpu.dma_semaphore, #tpu.memory_space<semaphore_mem>> -> memref<1x!tpu.dma_semaphore, #tpu.memory_space<semaphore_mem>>
        %dma_start3A_140 = tpu.memref_squeeze %dma_start3A_139 : memref<1x!tpu.dma_semaphore, #tpu.memory_space<semaphore_mem>> -> memref<!tpu.dma_semaphore, #tpu.memory_space<semaphore_mem>>
        tpu.enqueue_indirect_dma source(%dma_start3A_138 : memref<10240x128xf32, #tpu.memory_space<hbm>>) target(%dma_start3A_132 : memref<128x128xf32, #tpu.memory_space<vmem>>) offsets(%dma_start3A_135 : memref<128xi32, #tpu.memory_space<vmem>>) semaphore(%dma_start3A_140 : memref<!tpu.dma_semaphore, #tpu.memory_space<semaphore_mem>>)
      } else {
      }
    }
    %scan3A_36 = arith.constant 20 : i32
    "tpu.region"() ({
      %run_scoped3A = tpu.sem_alloc : memref<!tpu.dma_semaphore, #tpu.memory_space<semaphore_mem>>
      %dma_start3A_73 = arith.constant 40 : i32
      %dma_start3A_74 = arith.constant 0 : i32
      %dma_start3A_75 = tpu.memref_slice %arg3[%arg0, %arg1, %dma_start3A_73, %dma_start3A_74] : memref<2x16x80x128xi32, #tpu.memory_space<hbm>> -> memref<1x1x40x128xi32, #tpu.memory_space<hbm>>
      %dma_start3A_76 = tpu.memref_squeeze %dma_start3A_75 : memref<1x1x40x128xi32, #tpu.memory_space<hbm>> -> memref<40x128xi32, #tpu.memory_space<hbm>>
      %dma_start3A_77 = arith.constant 40 : i32
      %dma_start3A_78 = arith.constant 0 : i32
      %dma_start3A_79 = tpu.memref_slice %arg3[%arg0, %arg1, %dma_start3A_77, %dma_start3A_78] : memref<2x16x80x128xi32, #tpu.memory_space<hbm>> -> memref<1x1x40x128xi32, #tpu.memory_space<hbm>>
      %dma_start3A_80 = tpu.memref_squeeze %dma_start3A_79 : memref<1x1x40x128xi32, #tpu.memory_space<hbm>> -> memref<40x128xi32, #tpu.memory_space<hbm>>
      tpu.enqueue_dma source(%dma_start3A_80 : memref<40x128xi32, #tpu.memory_space<hbm>>) target(%arg8 : memref<40x128xi32, #tpu.memory_space<vmem>>) target_semaphore(%run_scoped3A : memref<!tpu.dma_semaphore, #tpu.memory_space<semaphore_mem>>)
      %dma_wait3A_81 = arith.constant 40 : i32
      %dma_wait3A_82 = arith.constant 0 : i32
      %dma_wait3A_83 = tpu.memref_slice %arg3[%arg0, %arg1, %dma_wait3A_81, %dma_wait3A_82] : memref<2x16x80x128xi32, #tpu.memory_space<hbm>> -> memref<1x1x40x128xi32, #tpu.memory_space<hbm>>
      %dma_wait3A_84 = tpu.memref_squeeze %dma_wait3A_83 : memref<1x1x40x128xi32, #tpu.memory_space<hbm>> -> memref<40x128xi32, #tpu.memory_space<hbm>>
      %dma_wait3A_85 = arith.constant 40 : i32
      %dma_wait3A_86 = arith.constant 0 : i32
      %dma_wait3A_87 = tpu.memref_slice %arg3[%arg0, %arg1, %dma_wait3A_85, %dma_wait3A_86] : memref<2x16x80x128xi32, #tpu.memory_space<hbm>> -> memref<1x1x40x128xi32, #tpu.memory_space<hbm>>
      %dma_wait3A_88 = tpu.memref_squeeze %dma_wait3A_87 : memref<1x1x40x128xi32, #tpu.memory_space<hbm>> -> memref<40x128xi32, #tpu.memory_space<hbm>>
      tpu.wait_dma2 semaphore(%run_scoped3A : memref<!tpu.dma_semaphore, #tpu.memory_space<semaphore_mem>>) src(%dma_wait3A_88 : memref<40x128xi32, #tpu.memory_space<hbm>>) dst(%arg8 : memref<40x128xi32, #tpu.memory_space<vmem>>)
      tpu.yield
    }) : () -> ()
    "tpu.region"() ({
      %run_scoped3A = tpu.sem_alloc : memref<!tpu.dma_semaphore, #tpu.memory_space<semaphore_mem>>
      %dma_start3A_73 = arith.constant 40 : i32
      %dma_start3A_74 = arith.constant 0 : i32
      %dma_start3A_75 = tpu.memref_slice %arg4[%arg0, %arg1, %dma_start3A_73, %dma_start3A_74] : memref<2x16x80x128xi32, #tpu.memory_space<hbm>> -> memref<1x1x40x128xi32, #tpu.memory_space<hbm>>
      %dma_start3A_76 = tpu.memref_squeeze %dma_start3A_75 : memref<1x1x40x128xi32, #tpu.memory_space<hbm>> -> memref<40x128xi32, #tpu.memory_space<hbm>>
      %dma_start3A_77 = arith.constant 40 : i32
      %dma_start3A_78 = arith.constant 0 : i32
      %dma_start3A_79 = tpu.memref_slice %arg4[%arg0, %arg1, %dma_start3A_77, %dma_start3A_78] : memref<2x16x80x128xi32, #tpu.memory_space<hbm>> -> memref<1x1x40x128xi32, #tpu.memory_space<hbm>>
      %dma_start3A_80 = tpu.memref_squeeze %dma_start3A_79 : memref<1x1x40x128xi32, #tpu.memory_space<hbm>> -> memref<40x128xi32, #tpu.memory_space<hbm>>
      tpu.enqueue_dma source(%dma_start3A_80 : memref<40x128xi32, #tpu.memory_space<hbm>>) target(%arg9 : memref<40x128xi32, #tpu.memory_space<vmem>>) target_semaphore(%run_scoped3A : memref<!tpu.dma_semaphore, #tpu.memory_space<semaphore_mem>>)
      %dma_wait3A_81 = arith.constant 40 : i32
      %dma_wait3A_82 = arith.constant 0 : i32
      %dma_wait3A_83 = tpu.memref_slice %arg4[%arg0, %arg1, %dma_wait3A_81, %dma_wait3A_82] : memref<2x16x80x128xi32, #tpu.memory_space<hbm>> -> memref<1x1x40x128xi32, #tpu.memory_space<hbm>>
      %dma_wait3A_84 = tpu.memref_squeeze %dma_wait3A_83 : memref<1x1x40x128xi32, #tpu.memory_space<hbm>> -> memref<40x128xi32, #tpu.memory_space<hbm>>
      %dma_wait3A_85 = arith.constant 40 : i32
      %dma_wait3A_86 = arith.constant 0 : i32
      %dma_wait3A_87 = tpu.memref_slice %arg4[%arg0, %arg1, %dma_wait3A_85, %dma_wait3A_86] : memref<2x16x80x128xi32, #tpu.memory_space<hbm>> -> memref<1x1x40x128xi32, #tpu.memory_space<hbm>>
      %dma_wait3A_88 = tpu.memref_squeeze %dma_wait3A_87 : memref<1x1x40x128xi32, #tpu.memory_space<hbm>> -> memref<40x128xi32, #tpu.memory_space<hbm>>
      tpu.wait_dma2 semaphore(%run_scoped3A : memref<!tpu.dma_semaphore, #tpu.memory_space<semaphore_mem>>) src(%dma_wait3A_88 : memref<40x128xi32, #tpu.memory_space<hbm>>) dst(%arg9 : memref<40x128xi32, #tpu.memory_space<vmem>>)
      tpu.yield
    }) : () -> ()
    %dma_start3A_37 = arith.constant 0 : i32
    %dma_start3A_38 = arith.constant 0 : i32
    %dma_start3A_39 = arith.constant 0 : i32
    %dma_start3A_40 = arith.constant 0 : i32
    %dma_start3A_41 = arith.constant 0 : i32
    %dma_start3A_42 = tpu.memref_slice %arg10[%dma_start3A_38, %dma_start3A_40, %dma_start3A_41] : memref<2x128x128xf32, #tpu.memory_space<vmem>> -> memref<1x128x128xf32, #tpu.memory_space<vmem>>
    %dma_start3A_43 = tpu.memref_squeeze %dma_start3A_42 : memref<1x128x128xf32, #tpu.memory_space<vmem>> -> memref<128x128xf32, #tpu.memory_space<vmem>>
    %dma_start3A_44 = arith.constant 0 : i32
    %dma_start3A_45 = tpu.memref_slice %arg8[%dma_start3A_37, %dma_start3A_44] : memref<40x128xi32, #tpu.memory_space<vmem>> -> memref<1x128xi32, #tpu.memory_space<vmem>>
    %dma_start3A_46 = tpu.memref_squeeze %dma_start3A_45 : memref<1x128xi32, #tpu.memory_space<vmem>> -> memref<128xi32, #tpu.memory_space<vmem>>
    %dma_start3A_47 = arith.constant 0 : i32
    %dma_start3A_48 = arith.constant 0 : i32
    %dma_start3A_49 = tpu.memref_slice %arg2[%dma_start3A_47, %dma_start3A_48] : memref<10240x128xf32, #tpu.memory_space<hbm>> -> memref<10240x128xf32, #tpu.memory_space<hbm>>
    %dma_start3A_50 = tpu.memref_slice %arg11[%dma_start3A_39] : memref<2x!tpu.dma_semaphore, #tpu.memory_space<semaphore_mem>> -> memref<1x!tpu.dma_semaphore, #tpu.memory_space<semaphore_mem>>
    %dma_start3A_51 = tpu.memref_squeeze %dma_start3A_50 : memref<1x!tpu.dma_semaphore, #tpu.memory_space<semaphore_mem>> -> memref<!tpu.dma_semaphore, #tpu.memory_space<semaphore_mem>>
    tpu.enqueue_indirect_dma source(%dma_start3A_49 : memref<10240x128xf32, #tpu.memory_space<hbm>>) target(%dma_start3A_43 : memref<128x128xf32, #tpu.memory_space<vmem>>) offsets(%dma_start3A_46 : memref<128xi32, #tpu.memory_space<vmem>>) semaphore(%dma_start3A_51 : memref<!tpu.dma_semaphore, #tpu.memory_space<semaphore_mem>>)
    %dma_start3A_52 = arith.constant 1 : i32
    %dma_start3A_53 = arith.constant 1 : i32
    %dma_start3A_54 = arith.constant 1 : i32
    %dma_start3A_55 = arith.constant 0 : i32
    %dma_start3A_56 = arith.constant 0 : i32
    %dma_start3A_57 = tpu.memref_slice %arg10[%dma_start3A_53, %dma_start3A_55, %dma_start3A_56] : memref<2x128x128xf32, #tpu.memory_space<vmem>> -> memref<1x128x128xf32, #tpu.memory_space<vmem>>
    %dma_start3A_58 = tpu.memref_squeeze %dma_start3A_57 : memref<1x128x128xf32, #tpu.memory_space<vmem>> -> memref<128x128xf32, #tpu.memory_space<vmem>>
    %dma_start3A_59 = arith.constant 0 : i32
    %dma_start3A_60 = tpu.memref_slice %arg8[%dma_start3A_52, %dma_start3A_59] : memref<40x128xi32, #tpu.memory_space<vmem>> -> memref<1x128xi32, #tpu.memory_space<vmem>>
    %dma_start3A_61 = tpu.memref_squeeze %dma_start3A_60 : memref<1x128xi32, #tpu.memory_space<vmem>> -> memref<128xi32, #tpu.memory_space<vmem>>
    %dma_start3A_62 = arith.constant 0 : i32
    %dma_start3A_63 = arith.constant 0 : i32
    %dma_start3A_64 = tpu.memref_slice %arg2[%dma_start3A_62, %dma_start3A_63] : memref<10240x128xf32, #tpu.memory_space<hbm>> -> memref<10240x128xf32, #tpu.memory_space<hbm>>
    %dma_start3A_65 = tpu.memref_slice %arg11[%dma_start3A_54] : memref<2x!tpu.dma_semaphore, #tpu.memory_space<semaphore_mem>> -> memref<1x!tpu.dma_semaphore, #tpu.memory_space<semaphore_mem>>
    %dma_start3A_66 = tpu.memref_squeeze %dma_start3A_65 : memref<1x!tpu.dma_semaphore, #tpu.memory_space<semaphore_mem>> -> memref<!tpu.dma_semaphore, #tpu.memory_space<semaphore_mem>>
    tpu.enqueue_indirect_dma source(%dma_start3A_64 : memref<10240x128xf32, #tpu.memory_space<hbm>>) target(%dma_start3A_58 : memref<128x128xf32, #tpu.memory_space<vmem>>) offsets(%dma_start3A_61 : memref<128xi32, #tpu.memory_space<vmem>>) semaphore(%dma_start3A_66 : memref<!tpu.dma_semaphore, #tpu.memory_space<semaphore_mem>>)
    %scan3A_67 = arith.constant 0 : i32
    %scan3A_68 = arith.constant 20 : i32
    %scan3A_69 = arith.addi %scan3A_67, %scan3A_68 : i32
    %scan3A_70 = arith.constant 1 : i32
    scf.for %scan3A_73 = %scan3A_67 to %scan3A_69 step %scan3A_70  : i32 {
      %mul3A_74 = arith.constant 1 : i32
      %mul3A_75 = arith.muli %scan3A_73, %mul3A_74 : i32
      %add3A = arith.constant 0 : i32
      %add3A_76 = arith.addi %add3A, %mul3A_75 : i32
      %mul3A_77 = arith.constant 2 : i32
      %mul3A_78 = arith.muli %add3A_76, %mul3A_77 : i32
      %add3A_79 = arith.constant 0 : i32
      %add3A_80 = arith.addi %mul3A_78, %add3A_79 : i32
      %dma_wait3A_81 = arith.constant 0 : i32
      %dma_wait3A_82 = arith.constant 0 : i32
      %dma_wait3A_83 = arith.constant 0 : i32
      %dma_wait3A_84 = arith.constant 0 : i32
      %dma_wait3A_85 = tpu.memref_slice %arg10[%dma_wait3A_81, %dma_wait3A_83, %dma_wait3A_84] : memref<2x128x128xf32, #tpu.memory_space<vmem>> -> memref<1x128x128xf32, #tpu.memory_space<vmem>>
      %dma_wait3A_86 = tpu.memref_squeeze %dma_wait3A_85 : memref<1x128x128xf32, #tpu.memory_space<vmem>> -> memref<128x128xf32, #tpu.memory_space<vmem>>
      %dma_wait3A_87 = arith.constant 0 : i32
      %dma_wait3A_88 = tpu.memref_slice %arg8[%add3A_80, %dma_wait3A_87] : memref<40x128xi32, #tpu.memory_space<vmem>> -> memref<1x128xi32, #tpu.memory_space<vmem>>
      %dma_wait3A_89 = tpu.memref_squeeze %dma_wait3A_88 : memref<1x128xi32, #tpu.memory_space<vmem>> -> memref<128xi32, #tpu.memory_space<vmem>>
      %dma_wait3A_90 = arith.constant 0 : i32
      %dma_wait3A_91 = arith.constant 0 : i32
      %dma_wait3A_92 = tpu.memref_slice %arg2[%dma_wait3A_90, %dma_wait3A_91] : memref<10240x128xf32, #tpu.memory_space<hbm>> -> memref<10240x128xf32, #tpu.memory_space<hbm>>
      %dma_wait3A_93 = tpu.memref_slice %arg11[%dma_wait3A_82] : memref<2x!tpu.dma_semaphore, #tpu.memory_space<semaphore_mem>> -> memref<1x!tpu.dma_semaphore, #tpu.memory_space<semaphore_mem>>
      %dma_wait3A_94 = tpu.memref_squeeze %dma_wait3A_93 : memref<1x!tpu.dma_semaphore, #tpu.memory_space<semaphore_mem>> -> memref<!tpu.dma_semaphore, #tpu.memory_space<semaphore_mem>>
      tpu.wait_indirect_dma semaphore(%dma_wait3A_94 : memref<!tpu.dma_semaphore, #tpu.memory_space<semaphore_mem>>) src(%dma_wait3A_92 : memref<10240x128xf32, #tpu.memory_space<hbm>>) dst(%dma_wait3A_86 : memref<128x128xf32, #tpu.memory_space<vmem>>)
      %run_scoped3A = arith.constant 0 : i32
      "tpu.region"() ({
        %run_scoped3A_125 = tpu.sem_alloc : memref<!tpu.dma_semaphore, #tpu.memory_space<semaphore_mem>>
        %dma_start3A_126 = arith.constant 0 : i32
        %dma_start3A_127 = arith.constant 0 : i32
        %dma_start3A_128 = tpu.memref_slice %arg10[%run_scoped3A, %dma_start3A_126, %dma_start3A_127] : memref<2x128x128xf32, #tpu.memory_space<vmem>> -> memref<1x128x128xf32, #tpu.memory_space<vmem>>
        %dma_start3A_129 = tpu.memref_squeeze %dma_start3A_128 : memref<1x128x128xf32, #tpu.memory_space<vmem>> -> memref<128x128xf32, #tpu.memory_space<vmem>>
        %dma_start3A_130 = arith.constant 0 : i32
        %dma_start3A_131 = tpu.memref_slice %arg9[%add3A_80, %dma_start3A_130] : memref<40x128xi32, #tpu.memory_space<vmem>> -> memref<1x128xi32, #tpu.memory_space<vmem>>
        %dma_start3A_132 = tpu.memref_squeeze %dma_start3A_131 : memref<1x128xi32, #tpu.memory_space<vmem>> -> memref<128xi32, #tpu.memory_space<vmem>>
        %dma_start3A_133 = arith.constant 0 : i32
        %dma_start3A_134 = arith.constant 0 : i32
        %dma_start3A_135 = tpu.memref_slice %arg7[%dma_start3A_133, %dma_start3A_134] : memref<10240x128xf32, #tpu.memory_space<vmem_shared>> -> memref<10240x128xf32, #tpu.memory_space<vmem_shared>>
        tpu.enqueue_indirect_dma source(%dma_start3A_129 : memref<128x128xf32, #tpu.memory_space<vmem>>) target(%dma_start3A_135 : memref<10240x128xf32, #tpu.memory_space<vmem_shared>>) offsets(%dma_start3A_132 : memref<128xi32, #tpu.memory_space<vmem>>) semaphore(%run_scoped3A_125 : memref<!tpu.dma_semaphore, #tpu.memory_space<semaphore_mem>>) {add = true}
        %dma_wait3A_136 = arith.constant 0 : i32
        %dma_wait3A_137 = arith.constant 0 : i32
        %dma_wait3A_138 = tpu.memref_slice %arg10[%run_scoped3A, %dma_wait3A_136, %dma_wait3A_137] : memref<2x128x128xf32, #tpu.memory_space<vmem>> -> memref<1x128x128xf32, #tpu.memory_space<vmem>>
        %dma_wait3A_139 = tpu.memref_squeeze %dma_wait3A_138 : memref<1x128x128xf32, #tpu.memory_space<vmem>> -> memref<128x128xf32, #tpu.memory_space<vmem>>
        %dma_wait3A_140 = arith.constant 0 : i32
        %dma_wait3A_141 = tpu.memref_slice %arg9[%add3A_80, %dma_wait3A_140] : memref<40x128xi32, #tpu.memory_space<vmem>> -> memref<1x128xi32, #tpu.memory_space<vmem>>
        %dma_wait3A_142 = tpu.memref_squeeze %dma_wait3A_141 : memref<1x128xi32, #tpu.memory_space<vmem>> -> memref<128xi32, #tpu.memory_space<vmem>>
        %dma_wait3A_143 = arith.constant 0 : i32
        %dma_wait3A_144 = arith.constant 0 : i32
        %dma_wait3A_145 = tpu.memref_slice %arg7[%dma_wait3A_143, %dma_wait3A_144] : memref<10240x128xf32, #tpu.memory_space<vmem_shared>> -> memref<10240x128xf32, #tpu.memory_space<vmem_shared>>
        tpu.wait_indirect_dma semaphore(%run_scoped3A_125 : memref<!tpu.dma_semaphore, #tpu.memory_space<semaphore_mem>>) src(%dma_wait3A_139 : memref<128x128xf32, #tpu.memory_space<vmem>>) dst(%dma_wait3A_145 : memref<10240x128xf32, #tpu.memory_space<vmem_shared>>)
        tpu.yield
      }) : () -> ()
      %add3A_95 = arith.constant 2 : i32
      %add3A_96 = arith.addi %add3A_80, %add3A_95 : i32
      %lt3A = arith.constant 40 : i32
      %lt3A_97 = arith.cmpi slt, %add3A_96, %lt3A : i32
      %convert_element_type3A = arith.extui %lt3A_97 : i1 to i32
      %cond3A = arith.constant 0 : i32
      %cond3A_98 = arith.cmpi ne, %convert_element_type3A, %cond3A : i32
      scf.if %cond3A_98 {
        %add3A_125 = arith.constant 2 : i32
        %add3A_126 = arith.addi %add3A_80, %add3A_125 : i32
        %dma_start3A_127 = arith.constant 0 : i32
        %dma_start3A_128 = arith.constant 0 : i32
        %dma_start3A_129 = arith.constant 0 : i32
        %dma_start3A_130 = arith.constant 0 : i32
        %dma_start3A_131 = tpu.memref_slice %arg10[%dma_start3A_127, %dma_start3A_129, %dma_start3A_130] : memref<2x128x128xf32, #tpu.memory_space<vmem>> -> memref<1x128x128xf32, #tpu.memory_space<vmem>>
        %dma_start3A_132 = tpu.memref_squeeze %dma_start3A_131 : memref<1x128x128xf32, #tpu.memory_space<vmem>> -> memref<128x128xf32, #tpu.memory_space<vmem>>
        %dma_start3A_133 = arith.constant 0 : i32
        %dma_start3A_134 = tpu.memref_slice %arg8[%add3A_126, %dma_start3A_133] : memref<40x128xi32, #tpu.memory_space<vmem>> -> memref<1x128xi32, #tpu.memory_space<vmem>>
        %dma_start3A_135 = tpu.memref_squeeze %dma_start3A_134 : memref<1x128xi32, #tpu.memory_space<vmem>> -> memref<128xi32, #tpu.memory_space<vmem>>
        %dma_start3A_136 = arith.constant 0 : i32
        %dma_start3A_137 = arith.constant 0 : i32
        %dma_start3A_138 = tpu.memref_slice %arg2[%dma_start3A_136, %dma_start3A_137] : memref<10240x128xf32, #tpu.memory_space<hbm>> -> memref<10240x128xf32, #tpu.memory_space<hbm>>
        %dma_start3A_139 = tpu.memref_slice %arg11[%dma_start3A_128] : memref<2x!tpu.dma_semaphore, #tpu.memory_space<semaphore_mem>> -> memref<1x!tpu.dma_semaphore, #tpu.memory_space<semaphore_mem>>
        %dma_start3A_140 = tpu.memref_squeeze %dma_start3A_139 : memref<1x!tpu.dma_semaphore, #tpu.memory_space<semaphore_mem>> -> memref<!tpu.dma_semaphore, #tpu.memory_space<semaphore_mem>>
        tpu.enqueue_indirect_dma source(%dma_start3A_138 : memref<10240x128xf32, #tpu.memory_space<hbm>>) target(%dma_start3A_132 : memref<128x128xf32, #tpu.memory_space<vmem>>) offsets(%dma_start3A_135 : memref<128xi32, #tpu.memory_space<vmem>>) semaphore(%dma_start3A_140 : memref<!tpu.dma_semaphore, #tpu.memory_space<semaphore_mem>>)
      } else {
      }
      %mul3A_99 = arith.constant 2 : i32
      %mul3A_100 = arith.muli %add3A_76, %mul3A_99 : i32
      %add3A_101 = arith.constant 1 : i32
      %add3A_102 = arith.addi %mul3A_100, %add3A_101 : i32
      %dma_wait3A_103 = arith.constant 1 : i32
      %dma_wait3A_104 = arith.constant 1 : i32
      %dma_wait3A_105 = arith.constant 0 : i32
      %dma_wait3A_106 = arith.constant 0 : i32
      %dma_wait3A_107 = tpu.memref_slice %arg10[%dma_wait3A_103, %dma_wait3A_105, %dma_wait3A_106] : memref<2x128x128xf32, #tpu.memory_space<vmem>> -> memref<1x128x128xf32, #tpu.memory_space<vmem>>
      %dma_wait3A_108 = tpu.memref_squeeze %dma_wait3A_107 : memref<1x128x128xf32, #tpu.memory_space<vmem>> -> memref<128x128xf32, #tpu.memory_space<vmem>>
      %dma_wait3A_109 = arith.constant 0 : i32
      %dma_wait3A_110 = tpu.memref_slice %arg8[%add3A_102, %dma_wait3A_109] : memref<40x128xi32, #tpu.memory_space<vmem>> -> memref<1x128xi32, #tpu.memory_space<vmem>>
      %dma_wait3A_111 = tpu.memref_squeeze %dma_wait3A_110 : memref<1x128xi32, #tpu.memory_space<vmem>> -> memref<128xi32, #tpu.memory_space<vmem>>
      %dma_wait3A_112 = arith.constant 0 : i32
      %dma_wait3A_113 = arith.constant 0 : i32
      %dma_wait3A_114 = tpu.memref_slice %arg2[%dma_wait3A_112, %dma_wait3A_113] : memref<10240x128xf32, #tpu.memory_space<hbm>> -> memref<10240x128xf32, #tpu.memory_space<hbm>>
      %dma_wait3A_115 = tpu.memref_slice %arg11[%dma_wait3A_104] : memref<2x!tpu.dma_semaphore, #tpu.memory_space<semaphore_mem>> -> memref<1x!tpu.dma_semaphore, #tpu.memory_space<semaphore_mem>>
      %dma_wait3A_116 = tpu.memref_squeeze %dma_wait3A_115 : memref<1x!tpu.dma_semaphore, #tpu.memory_space<semaphore_mem>> -> memref<!tpu.dma_semaphore, #tpu.memory_space<semaphore_mem>>
      tpu.wait_indirect_dma semaphore(%dma_wait3A_116 : memref<!tpu.dma_semaphore, #tpu.memory_space<semaphore_mem>>) src(%dma_wait3A_114 : memref<10240x128xf32, #tpu.memory_space<hbm>>) dst(%dma_wait3A_108 : memref<128x128xf32, #tpu.memory_space<vmem>>)
      %run_scoped3A_117 = arith.constant 1 : i32
      "tpu.region"() ({
        %run_scoped3A_125 = tpu.sem_alloc : memref<!tpu.dma_semaphore, #tpu.memory_space<semaphore_mem>>
        %dma_start3A_126 = arith.constant 0 : i32
        %dma_start3A_127 = arith.constant 0 : i32
        %dma_start3A_128 = tpu.memref_slice %arg10[%run_scoped3A_117, %dma_start3A_126, %dma_start3A_127] : memref<2x128x128xf32, #tpu.memory_space<vmem>> -> memref<1x128x128xf32, #tpu.memory_space<vmem>>
        %dma_start3A_129 = tpu.memref_squeeze %dma_start3A_128 : memref<1x128x128xf32, #tpu.memory_space<vmem>> -> memref<128x128xf32, #tpu.memory_space<vmem>>
        %dma_start3A_130 = arith.constant 0 : i32
        %dma_start3A_131 = tpu.memref_slice %arg9[%add3A_102, %dma_start3A_130] : memref<40x128xi32, #tpu.memory_space<vmem>> -> memref<1x128xi32, #tpu.memory_space<vmem>>
        %dma_start3A_132 = tpu.memref_squeeze %dma_start3A_131 : memref<1x128xi32, #tpu.memory_space<vmem>> -> memref<128xi32, #tpu.memory_space<vmem>>
        %dma_start3A_133 = arith.constant 0 : i32
        %dma_start3A_134 = arith.constant 0 : i32
        %dma_start3A_135 = tpu.memref_slice %arg7[%dma_start3A_133, %dma_start3A_134] : memref<10240x128xf32, #tpu.memory_space<vmem_shared>> -> memref<10240x128xf32, #tpu.memory_space<vmem_shared>>
        tpu.enqueue_indirect_dma source(%dma_start3A_129 : memref<128x128xf32, #tpu.memory_space<vmem>>) target(%dma_start3A_135 : memref<10240x128xf32, #tpu.memory_space<vmem_shared>>) offsets(%dma_start3A_132 : memref<128xi32, #tpu.memory_space<vmem>>) semaphore(%run_scoped3A_125 : memref<!tpu.dma_semaphore, #tpu.memory_space<semaphore_mem>>) {add = true}
        %dma_wait3A_136 = arith.constant 0 : i32
        %dma_wait3A_137 = arith.constant 0 : i32
        %dma_wait3A_138 = tpu.memref_slice %arg10[%run_scoped3A_117, %dma_wait3A_136, %dma_wait3A_137] : memref<2x128x128xf32, #tpu.memory_space<vmem>> -> memref<1x128x128xf32, #tpu.memory_space<vmem>>
        %dma_wait3A_139 = tpu.memref_squeeze %dma_wait3A_138 : memref<1x128x128xf32, #tpu.memory_space<vmem>> -> memref<128x128xf32, #tpu.memory_space<vmem>>
        %dma_wait3A_140 = arith.constant 0 : i32
        %dma_wait3A_141 = tpu.memref_slice %arg9[%add3A_102, %dma_wait3A_140] : memref<40x128xi32, #tpu.memory_space<vmem>> -> memref<1x128xi32, #tpu.memory_space<vmem>>
        %dma_wait3A_142 = tpu.memref_squeeze %dma_wait3A_141 : memref<1x128xi32, #tpu.memory_space<vmem>> -> memref<128xi32, #tpu.memory_space<vmem>>
        %dma_wait3A_143 = arith.constant 0 : i32
        %dma_wait3A_144 = arith.constant 0 : i32
        %dma_wait3A_145 = tpu.memref_slice %arg7[%dma_wait3A_143, %dma_wait3A_144] : memref<10240x128xf32, #tpu.memory_space<vmem_shared>> -> memref<10240x128xf32, #tpu.memory_space<vmem_shared>>
        tpu.wait_indirect_dma semaphore(%run_scoped3A_125 : memref<!tpu.dma_semaphore, #tpu.memory_space<semaphore_mem>>) src(%dma_wait3A_139 : memref<128x128xf32, #tpu.memory_space<vmem>>) dst(%dma_wait3A_145 : memref<10240x128xf32, #tpu.memory_space<vmem_shared>>)
        tpu.yield
      }) : () -> ()
      %add3A_118 = arith.constant 2 : i32
      %add3A_119 = arith.addi %add3A_102, %add3A_118 : i32
      %lt3A_120 = arith.constant 40 : i32
      %lt3A_121 = arith.cmpi slt, %add3A_119, %lt3A_120 : i32
      %convert_element_type3A_122 = arith.extui %lt3A_121 : i1 to i32
      %cond3A_123 = arith.constant 0 : i32
      %cond3A_124 = arith.cmpi ne, %convert_element_type3A_122, %cond3A_123 : i32
      scf.if %cond3A_124 {
        %add3A_125 = arith.constant 2 : i32
        %add3A_126 = arith.addi %add3A_102, %add3A_125 : i32
        %dma_start3A_127 = arith.constant 1 : i32
        %dma_start3A_128 = arith.constant 1 : i32
        %dma_start3A_129 = arith.constant 0 : i32
        %dma_start3A_130 = arith.constant 0 : i32
        %dma_start3A_131 = tpu.memref_slice %arg10[%dma_start3A_127, %dma_start3A_129, %dma_start3A_130] : memref<2x128x128xf32, #tpu.memory_space<vmem>> -> memref<1x128x128xf32, #tpu.memory_space<vmem>>
        %dma_start3A_132 = tpu.memref_squeeze %dma_start3A_131 : memref<1x128x128xf32, #tpu.memory_space<vmem>> -> memref<128x128xf32, #tpu.memory_space<vmem>>
        %dma_start3A_133 = arith.constant 0 : i32
        %dma_start3A_134 = tpu.memref_slice %arg8[%add3A_126, %dma_start3A_133] : memref<40x128xi32, #tpu.memory_space<vmem>> -> memref<1x128xi32, #tpu.memory_space<vmem>>
        %dma_start3A_135 = tpu.memref_squeeze %dma_start3A_134 : memref<1x128xi32, #tpu.memory_space<vmem>> -> memref<128xi32, #tpu.memory_space<vmem>>
        %dma_start3A_136 = arith.constant 0 : i32
        %dma_start3A_137 = arith.constant 0 : i32
        %dma_start3A_138 = tpu.memref_slice %arg2[%dma_start3A_136, %dma_start3A_137] : memref<10240x128xf32, #tpu.memory_space<hbm>> -> memref<10240x128xf32, #tpu.memory_space<hbm>>
        %dma_start3A_139 = tpu.memref_slice %arg11[%dma_start3A_128] : memref<2x!tpu.dma_semaphore, #tpu.memory_space<semaphore_mem>> -> memref<1x!tpu.dma_semaphore, #tpu.memory_space<semaphore_mem>>
        %dma_start3A_140 = tpu.memref_squeeze %dma_start3A_139 : memref<1x!tpu.dma_semaphore, #tpu.memory_space<semaphore_mem>> -> memref<!tpu.dma_semaphore, #tpu.memory_space<semaphore_mem>>
        tpu.enqueue_indirect_dma source(%dma_start3A_138 : memref<10240x128xf32, #tpu.memory_space<hbm>>) target(%dma_start3A_132 : memref<128x128xf32, #tpu.memory_space<vmem>>) offsets(%dma_start3A_135 : memref<128xi32, #tpu.memory_space<vmem>>) semaphore(%dma_start3A_140 : memref<!tpu.dma_semaphore, #tpu.memory_space<semaphore_mem>>)
      } else {
      }
    }
    %scan3A_71 = arith.constant 20 : i32
    %barrier3A_72 = arith.constant 0 : index
    tpu.barrier barrier_id(%barrier3A_72)
    "tpu.region"() ({
      %run_scoped3A = tpu.sem_alloc : memref<!tpu.dma_semaphore, #tpu.memory_space<semaphore_mem>>
      %dma_start3A_73 = arith.constant 0 : i32
      %dma_start3A_74 = tpu.memref_slice %arg6[%arg0, %mul3A_0, %dma_start3A_73] : memref<2x10240x128xf32, #tpu.memory_space<hbm>> -> memref<1x640x128xf32, #tpu.memory_space<hbm>>
      %dma_start3A_75 = tpu.memref_squeeze %dma_start3A_74 : memref<1x640x128xf32, #tpu.memory_space<hbm>> -> memref<640x128xf32, #tpu.memory_space<hbm>>
      %dma_start3A_76 = arith.constant 0 : i32
      %dma_start3A_77 = tpu.memref_slice %arg7[%mul3A_0, %dma_start3A_76] : memref<10240x128xf32, #tpu.memory_space<vmem_shared>> -> memref<640x128xf32, #tpu.memory_space<vmem_shared>>
      tpu.enqueue_dma source(%dma_start3A_77 : memref<640x128xf32, #tpu.memory_space<vmem_shared>>) target(%dma_start3A_75 : memref<640x128xf32, #tpu.memory_space<hbm>>) target_semaphore(%run_scoped3A : memref<!tpu.dma_semaphore, #tpu.memory_space<semaphore_mem>>)
      %dma_wait3A_78 = arith.constant 0 : i32
      %dma_wait3A_79 = tpu.memref_slice %arg6[%arg0, %mul3A_0, %dma_wait3A_78] : memref<2x10240x128xf32, #tpu.memory_space<hbm>> -> memref<1x640x128xf32, #tpu.memory_space<hbm>>
      %dma_wait3A_80 = tpu.memref_squeeze %dma_wait3A_79 : memref<1x640x128xf32, #tpu.memory_space<hbm>> -> memref<640x128xf32, #tpu.memory_space<hbm>>
      %dma_wait3A_81 = arith.constant 0 : i32
      %dma_wait3A_82 = tpu.memref_slice %arg7[%mul3A_0, %dma_wait3A_81] : memref<10240x128xf32, #tpu.memory_space<vmem_shared>> -> memref<640x128xf32, #tpu.memory_space<vmem_shared>>
      tpu.wait_dma2 semaphore(%run_scoped3A : memref<!tpu.dma_semaphore, #tpu.memory_space<semaphore_mem>>) src(%dma_wait3A_82 : memref<640x128xf32, #tpu.memory_space<vmem_shared>>) dst(%dma_wait3A_80 : memref<640x128xf32, #tpu.memory_space<hbm>>)
      tpu.yield
    }) : () -> ()
    return
  }
}

module attributes {stable_mosaic.version = 14 : i64} {
  func.func @_layer0_body(%arg0: i32, %arg1: memref<1024x128xf32, #tpu.memory_space<vmem>>, %arg2: memref<2x1024x16xf32, #tpu.memory_space<vmem>>, %arg3: memref<128x128xf32, #tpu.memory_space<vmem>>, %arg4: memref<1024x128xf32, #tpu.memory_space<vmem>>) attributes {dimension_semantics = [#tpu.dimension_semantics<arbitrary>], iteration_bounds = array<i64: 10>, scalar_prefetch = 0 : i64, scratch_operands = 0 : i64, tpu.core_type = #tpu.core_type<tc>, window_params = [{transform_indices = @transform_0, window_bounds = array<i64: 1024, 128>}, {transform_indices = @transform_1, window_bounds = array<i64: 2, 1024, 16>}, {pipeline_mode = #tpu.pipeline_mode<synchronous>, transform_indices = @transform_2, window_bounds = array<i64: 128, 128>}, {transform_indices = @transform_3, window_bounds = array<i64: 1024, 128>}]} {
    %get3A = arith.constant 0 : index
    %get3A_0 = arith.constant 0 : index
    %get3A_1 = arith.constant 0 : index
    %get3A_2 = vector.load %arg2[%get3A, %get3A_0, %get3A_1] : memref<2x1024x16xf32, #tpu.memory_space<vmem>>, vector<1x1024x1xf32>
    %get3A_3 = vector.shape_cast %get3A_2 : vector<1x1024x1xf32> to vector<1024x1xf32>
    %get3A_4 = arith.constant 1 : index
    %get3A_5 = arith.constant 0 : index
    %get3A_6 = arith.constant 0 : index
    %get3A_7 = vector.load %arg2[%get3A_4, %get3A_5, %get3A_6] : memref<2x1024x16xf32, #tpu.memory_space<vmem>>, vector<1x1024x1xf32>
    %get3A_8 = vector.shape_cast %get3A_7 : vector<1x1024x1xf32> to vector<1024x1xf32>
    %add3A = arith.addf %get3A_3, %get3A_8 : vector<1024x1xf32>
    %max3A = arith.constant 1.000000e+00 : f32
    %max3A_9 = vector.broadcast %max3A : f32 to vector<1024x1xf32>
    %max3A_10 = arith.maximumf %add3A, %max3A_9 : vector<1024x1xf32>
    %rsqrt3A = math.rsqrt %max3A_10 : vector<1024x1xf32>
    %get3A_11 = arith.constant 0 : index
    %get3A_12 = arith.constant 0 : index
    %get3A_13 = vector.load %arg1[%get3A_11, %get3A_12] : memref<1024x128xf32, #tpu.memory_space<vmem>>, vector<1024x128xf32>
    %get3A_14 = arith.constant 0 : index
    %get3A_15 = arith.constant 0 : index
    %get3A_16 = vector.load %arg3[%get3A_14, %get3A_15] : memref<128x128xf32, #tpu.memory_space<vmem>>, vector<128x128xf32>
    %dot_general3A = arith.constant dense<0.000000e+00> : vector<1024x128xf32>
    %dot_general3A_17 = tpu.matmul %get3A_13, %get3A_16, %dot_general3A {dimension_numbers = #tpu.dot_dimension_numbers<[1], [0], [0], [1], [0, 0, 1, 1], [], []>, transpose_lhs_hint = false} : vector<1024x128xf32>, vector<128x128xf32>, vector<1024x128xf32> -> vector<1024x128xf32>
    %mul3A = vector.broadcast %rsqrt3A : vector<1024x1xf32> to vector<1024x128xf32>
    %mul3A_18 = arith.mulf %mul3A, %dot_general3A_17 : vector<1024x128xf32>
    %swap3A = arith.constant 0 : index
    %swap3A_19 = arith.constant 0 : index
    %swap3A_20 = vector.load %arg4[%swap3A, %swap3A_19] : memref<1024x128xf32, #tpu.memory_space<vmem>>, vector<1024x128xf32>
    tpu.vector_store %arg4[%swap3A, %swap3A_19], %mul3A_18 {strides = array<i32>} : memref<1024x128xf32, #tpu.memory_space<vmem>>, vector<1024x128xf32>,
    return
  }
  func.func @transform_0(%arg0: i32) -> (i32, i32) {
    %c0_i32 = arith.constant 0 : i32
    %c0_i32_0 = arith.constant 0 : i32
    return %arg0, %c0_i32 : i32, i32
  }
  func.func @transform_1(%arg0: i32) -> (i32, i32, i32) {
    %c0_i32 = arith.constant 0 : i32
    %c0_i32_0 = arith.constant 0 : i32
    %c0_i32_1 = arith.constant 0 : i32
    return %c0_i32, %arg0, %c0_i32_0 : i32, i32, i32
  }
  func.func @transform_2(%arg0: i32) -> (i32, i32) {
    %c0_i32 = arith.constant 0 : i32
    %c0_i32_0 = arith.constant 0 : i32
    %c0_i32_1 = arith.constant 0 : i32
    return %c0_i32, %c0_i32_0 : i32, i32
  }
  func.func @transform_3(%arg0: i32) -> (i32, i32) {
    %c0_i32 = arith.constant 0 : i32
    %c0_i32_0 = arith.constant 0 : i32
    return %arg0, %c0_i32 : i32, i32
  }
}

module attributes {stable_mosaic.version = 14 : i64} {
  func.func @_mid_body(%arg0: i32, %arg1: memref<2x1024x128xf32, #tpu.memory_space<vmem>>, %arg2: memref<2x1024x16xf32, #tpu.memory_space<vmem>>, %arg3: memref<1x128xf32, #tpu.memory_space<vmem>>, %arg4: memref<128x128xf32, #tpu.memory_space<vmem>>, %arg5: memref<1024x128xf32, #tpu.memory_space<vmem>>) attributes {dimension_semantics = [#tpu.dimension_semantics<arbitrary>], iteration_bounds = array<i64: 10>, scalar_prefetch = 0 : i64, scratch_operands = 0 : i64, tpu.core_type = #tpu.core_type<tc>, window_params = [{transform_indices = @transform_0, window_bounds = array<i64: 2, 1024, 128>}, {transform_indices = @transform_1, window_bounds = array<i64: 2, 1024, 16>}, {pipeline_mode = #tpu.pipeline_mode<synchronous>, transform_indices = @transform_2, window_bounds = array<i64: 1, 128>}, {pipeline_mode = #tpu.pipeline_mode<synchronous>, transform_indices = @transform_3, window_bounds = array<i64: 128, 128>}, {transform_indices = @transform_4, window_bounds = array<i64: 1024, 128>}]} {
    %get3A = arith.constant 0 : index
    %get3A_0 = arith.constant 0 : index
    %get3A_1 = arith.constant 0 : index
    %get3A_2 = vector.load %arg2[%get3A, %get3A_0, %get3A_1] : memref<2x1024x16xf32, #tpu.memory_space<vmem>>, vector<1x1024x1xf32>
    %get3A_3 = vector.shape_cast %get3A_2 : vector<1x1024x1xf32> to vector<1024x1xf32>
    %get3A_4 = arith.constant 1 : index
    %get3A_5 = arith.constant 0 : index
    %get3A_6 = arith.constant 0 : index
    %get3A_7 = vector.load %arg2[%get3A_4, %get3A_5, %get3A_6] : memref<2x1024x16xf32, #tpu.memory_space<vmem>>, vector<1x1024x1xf32>
    %get3A_8 = vector.shape_cast %get3A_7 : vector<1x1024x1xf32> to vector<1024x1xf32>
    %add3A = arith.addf %get3A_3, %get3A_8 : vector<1024x1xf32>
    %max3A = arith.constant 1.000000e+00 : f32
    %max3A_9 = vector.broadcast %max3A : f32 to vector<1024x1xf32>
    %max3A_10 = arith.maximumf %add3A, %max3A_9 : vector<1024x1xf32>
    %rsqrt3A = math.rsqrt %max3A_10 : vector<1024x1xf32>
    %get3A_11 = arith.constant 0 : index
    %get3A_12 = arith.constant 0 : index
    %get3A_13 = arith.constant 0 : index
    %get3A_14 = vector.load %arg1[%get3A_11, %get3A_12, %get3A_13] : memref<2x1024x128xf32, #tpu.memory_space<vmem>>, vector<1x1024x128xf32>
    %get3A_15 = vector.shape_cast %get3A_14 : vector<1x1024x128xf32> to vector<1024x128xf32>
    %get3A_16 = arith.constant 1 : index
    %get3A_17 = arith.constant 0 : index
    %get3A_18 = arith.constant 0 : index
    %get3A_19 = vector.load %arg1[%get3A_16, %get3A_17, %get3A_18] : memref<2x1024x128xf32, #tpu.memory_space<vmem>>, vector<1x1024x128xf32>
    %get3A_20 = vector.shape_cast %get3A_19 : vector<1x1024x128xf32> to vector<1024x128xf32>
    %add3A_21 = arith.addf %get3A_15, %get3A_20 : vector<1024x128xf32>
    %mul3A = vector.broadcast %rsqrt3A : vector<1024x1xf32> to vector<1024x128xf32>
    %mul3A_22 = arith.mulf %mul3A, %add3A_21 : vector<1024x128xf32>
    %get3A_23 = arith.constant 0 : index
    %get3A_24 = arith.constant 0 : index
    %get3A_25 = vector.load %arg3[%get3A_23, %get3A_24] : memref<1x128xf32, #tpu.memory_space<vmem>>, vector<1x128xf32>
    %add3A_26 = vector.broadcast %get3A_25 : vector<1x128xf32> to vector<1024x128xf32>
    %add3A_27 = arith.addf %mul3A_22, %add3A_26 : vector<1024x128xf32>
    %max3A_28 = arith.constant 0.000000e+00 : f32
    %max3A_29 = vector.broadcast %max3A_28 : f32 to vector<1024x128xf32>
    %max3A_30 = arith.maximumf %add3A_27, %max3A_29 : vector<1024x128xf32>
    %get3A_31 = arith.constant 0 : index
    %get3A_32 = arith.constant 0 : index
    %get3A_33 = vector.load %arg4[%get3A_31, %get3A_32] : memref<128x128xf32, #tpu.memory_space<vmem>>, vector<128x128xf32>
    %dot_general3A = arith.constant dense<0.000000e+00> : vector<1024x128xf32>
    %dot_general3A_34 = tpu.matmul %max3A_30, %get3A_33, %dot_general3A {dimension_numbers = #tpu.dot_dimension_numbers<[1], [0], [0], [1], [0, 0, 1, 1], [], []>, transpose_lhs_hint = false} : vector<1024x128xf32>, vector<128x128xf32>, vector<1024x128xf32> -> vector<1024x128xf32>
    %mul3A_35 = vector.broadcast %rsqrt3A : vector<1024x1xf32> to vector<1024x128xf32>
    %mul3A_36 = arith.mulf %mul3A_35, %dot_general3A_34 : vector<1024x128xf32>
    %swap3A = arith.constant 0 : index
    %swap3A_37 = arith.constant 0 : index
    %swap3A_38 = vector.load %arg5[%swap3A, %swap3A_37] : memref<1024x128xf32, #tpu.memory_space<vmem>>, vector<1024x128xf32>
    tpu.vector_store %arg5[%swap3A, %swap3A_37], %mul3A_36 {strides = array<i32>} : memref<1024x128xf32, #tpu.memory_space<vmem>>, vector<1024x128xf32>,
    return
  }
  func.func @transform_0(%arg0: i32) -> (i32, i32, i32) {
    %c0_i32 = arith.constant 0 : i32
    %c0_i32_0 = arith.constant 0 : i32
    %c0_i32_1 = arith.constant 0 : i32
    return %c0_i32, %arg0, %c0_i32_0 : i32, i32, i32
  }
  func.func @transform_1(%arg0: i32) -> (i32, i32, i32) {
    %c0_i32 = arith.constant 0 : i32
    %c0_i32_0 = arith.constant 0 : i32
    %c0_i32_1 = arith.constant 0 : i32
    return %c0_i32, %arg0, %c0_i32_0 : i32, i32, i32
  }
  func.func @transform_2(%arg0: i32) -> (i32, i32) {
    %c0_i32 = arith.constant 0 : i32
    %c0_i32_0 = arith.constant 0 : i32
    %c0_i32_1 = arith.constant 0 : i32
    return %c0_i32, %c0_i32_0 : i32, i32
  }
  func.func @transform_3(%arg0: i32) -> (i32, i32) {
    %c0_i32 = arith.constant 0 : i32
    %c0_i32_0 = arith.constant 0 : i32
    %c0_i32_1 = arith.constant 0 : i32
    return %c0_i32, %c0_i32_0 : i32, i32
  }
  func.func @transform_4(%arg0: i32) -> (i32, i32) {
    %c0_i32 = arith.constant 0 : i32
    %c0_i32_0 = arith.constant 0 : i32
    return %arg0, %c0_i32 : i32, i32
  }
}

module attributes {stable_mosaic.version = 14 : i64} {
  func.func @_final_body(%arg0: i32, %arg1: memref<2x1024x128xf32, #tpu.memory_space<vmem>>, %arg2: memref<2x1024x16xf32, #tpu.memory_space<vmem>>, %arg3: memref<1x128xf32, #tpu.memory_space<vmem>>, %arg4: memref<1024x128xf32, #tpu.memory_space<vmem>>) attributes {dimension_semantics = [#tpu.dimension_semantics<arbitrary>], iteration_bounds = array<i64: 10>, scalar_prefetch = 0 : i64, scratch_operands = 0 : i64, tpu.core_type = #tpu.core_type<tc>, window_params = [{transform_indices = @transform_0, window_bounds = array<i64: 2, 1024, 128>}, {transform_indices = @transform_1, window_bounds = array<i64: 2, 1024, 16>}, {pipeline_mode = #tpu.pipeline_mode<synchronous>, transform_indices = @transform_2, window_bounds = array<i64: 1, 128>}, {transform_indices = @transform_3, window_bounds = array<i64: 1024, 128>}]} {
    %get3A = arith.constant 0 : index
    %get3A_0 = arith.constant 0 : index
    %get3A_1 = arith.constant 0 : index
    %get3A_2 = vector.load %arg2[%get3A, %get3A_0, %get3A_1] : memref<2x1024x16xf32, #tpu.memory_space<vmem>>, vector<1x1024x1xf32>
    %get3A_3 = vector.shape_cast %get3A_2 : vector<1x1024x1xf32> to vector<1024x1xf32>
    %get3A_4 = arith.constant 1 : index
    %get3A_5 = arith.constant 0 : index
    %get3A_6 = arith.constant 0 : index
    %get3A_7 = vector.load %arg2[%get3A_4, %get3A_5, %get3A_6] : memref<2x1024x16xf32, #tpu.memory_space<vmem>>, vector<1x1024x1xf32>
    %get3A_8 = vector.shape_cast %get3A_7 : vector<1x1024x1xf32> to vector<1024x1xf32>
    %add3A = arith.addf %get3A_3, %get3A_8 : vector<1024x1xf32>
    %max3A = arith.constant 1.000000e+00 : f32
    %max3A_9 = vector.broadcast %max3A : f32 to vector<1024x1xf32>
    %max3A_10 = arith.maximumf %add3A, %max3A_9 : vector<1024x1xf32>
    %rsqrt3A = math.rsqrt %max3A_10 : vector<1024x1xf32>
    %get3A_11 = arith.constant 0 : index
    %get3A_12 = arith.constant 0 : index
    %get3A_13 = arith.constant 0 : index
    %get3A_14 = vector.load %arg1[%get3A_11, %get3A_12, %get3A_13] : memref<2x1024x128xf32, #tpu.memory_space<vmem>>, vector<1x1024x128xf32>
    %get3A_15 = vector.shape_cast %get3A_14 : vector<1x1024x128xf32> to vector<1024x128xf32>
    %get3A_16 = arith.constant 1 : index
    %get3A_17 = arith.constant 0 : index
    %get3A_18 = arith.constant 0 : index
    %get3A_19 = vector.load %arg1[%get3A_16, %get3A_17, %get3A_18] : memref<2x1024x128xf32, #tpu.memory_space<vmem>>, vector<1x1024x128xf32>
    %get3A_20 = vector.shape_cast %get3A_19 : vector<1x1024x128xf32> to vector<1024x128xf32>
    %add3A_21 = arith.addf %get3A_15, %get3A_20 : vector<1024x128xf32>
    %mul3A = vector.broadcast %rsqrt3A : vector<1024x1xf32> to vector<1024x128xf32>
    %mul3A_22 = arith.mulf %mul3A, %add3A_21 : vector<1024x128xf32>
    %get3A_23 = arith.constant 0 : index
    %get3A_24 = arith.constant 0 : index
    %get3A_25 = vector.load %arg3[%get3A_23, %get3A_24] : memref<1x128xf32, #tpu.memory_space<vmem>>, vector<1x128xf32>
    %add3A_26 = vector.broadcast %get3A_25 : vector<1x128xf32> to vector<1024x128xf32>
    %add3A_27 = arith.addf %mul3A_22, %add3A_26 : vector<1024x128xf32>
    %swap3A = arith.constant 0 : index
    %swap3A_28 = arith.constant 0 : index
    %swap3A_29 = vector.load %arg4[%swap3A, %swap3A_28] : memref<1024x128xf32, #tpu.memory_space<vmem>>, vector<1024x128xf32>
    tpu.vector_store %arg4[%swap3A, %swap3A_28], %add3A_27 {strides = array<i32>} : memref<1024x128xf32, #tpu.memory_space<vmem>>, vector<1024x128xf32>,
    return
  }
  func.func @transform_0(%arg0: i32) -> (i32, i32, i32) {
    %c0_i32 = arith.constant 0 : i32
    %c0_i32_0 = arith.constant 0 : i32
    %c0_i32_1 = arith.constant 0 : i32
    return %c0_i32, %arg0, %c0_i32_0 : i32, i32, i32
  }
  func.func @transform_1(%arg0: i32) -> (i32, i32, i32) {
    %c0_i32 = arith.constant 0 : i32
    %c0_i32_0 = arith.constant 0 : i32
    %c0_i32_1 = arith.constant 0 : i32
    return %c0_i32, %arg0, %c0_i32_0 : i32, i32, i32
  }
  func.func @transform_2(%arg0: i32) -> (i32, i32) {
    %c0_i32 = arith.constant 0 : i32
    %c0_i32_0 = arith.constant 0 : i32
    %c0_i32_1 = arith.constant 0 : i32
    return %c0_i32, %c0_i32_0 : i32, i32
  }
  func.func @transform_3(%arg0: i32) -> (i32, i32) {
    %c0_i32 = arith.constant 0 : i32
    %c0_i32_0 = arith.constant 0 : i32
    return %arg0, %c0_i32 : i32, i32
  }
}

</mosaic_0001>

<sc_bundles>
// kernel: kernel.10.cloned.1.call-start
scs
__scs_entry_jumppad:
0x0: {  	(pc) =	sbr.rel $0x88, $3  }
0x1: {  	(tag) =	ssettag $0x0;
	lr =	simm.s32 $0x1  }
0x2: {  	[smem:$0x3F99] =	sst lr;
	_ =	strace $0xD0000000  }
0x3: {  	_ = 	snop  }
0x4: {  	_ = 	snop  }
0x5: {  	_ = 	snop  }
0x6: {  	_ = 	snop  }
0x7: {  	_ = 	snop  }
__scs_overlays_trampoline_lowered:
0x8: {  	[smem:$0x3FA8] =	sst s0  }
0x9: {  	[smem:$0x3FA9] =	sst s1  }
0xa: {  	[smem:$0x3FAA] =	sst s2  }
0xb: {  	[smem:$0x3FAB] =	sst s3  }
0xc: {  	[smem:$0x3FAC] =	sst s4  }
0xd: {  	[smem:$0x3FAD] =	sst s5  }
0xe: {  	[smem:$0x3FAE] =	sst s6  }
0xf: {  	[smem:$0x3FAF] =	sst s7  }
0x10: {  	[smem:$0x3FB0] =	sst s8  }
0x11: {  	[smem:$0x3FB1] =	sst s9;
	s0 =	simm.s32 @!p0 $0x0  }
0x12: {  	s1 =	sld [smem:$0x3F97];
	s0 =	simm.s32 @p0 $0x1  }
0x13: {  	[smem:$0x3FB2] =	sst s0;
	s0 =	simm.s32 @!p1 $0x0  }
0x14: {  	s2 =	sld [smem:$0x3F96];
	s0 =	simm.s32 @p1 $0x1  }
0x15: {  	[smem:$0x3FB3] =	sst s0;
	s0 =	simm.s32 @!p2 $0x0  }
0x16: {  	s3 =	sld [smem:$0x3FDB];
	s0 =	simm.s32 @p2 $0x1  }
0x17: {  	s4 =	simm.s32 $0x1BF5;
	[smem:$0x3FB5] =	sst s0  }
0x18: {  	s0 =	sld [smem:$0x3F98];
	_ =	swait.ge [sflag:s4], $0x0  }
0x19: {  	s7 =	sld [smem:$0x3F99]  }
0x1a: {  	s8 =	sadd.s32 $0xFFFFE003, lr  }
0x1b: {  	s9 =	sadd.s32 $0xFFFFFEF7, lr;
	s5 =	simm.s32 $0xFFFFFFFF;
	p2 =	slt.u32 s8, $0xFFFFF086  }
0x1c: {  	p1 =	slt.u32 s9, $0xF7A;
	s5 =	simm.s32 @!p2 $0x0  }
0x1d: {  	s5 =	simm.s32 @p1 $0x1;
	p0 =	seq.s32 s7, s2  }
0x1e: {  	s7 =	smul.u32 @!p0 $0xF7A, s2;
	p2 =	seq.s32 @!p0 s5, $0x0  }
0x1f: {  	s9 =	smul.u32 $0xF7A, s1;
	s8 =	simm.s32 @!p0 $0x1BF5;
	p2 =	por !p2, p0  }
0x20: {  	[sflag:s8] =	ssyncset.s32 @!p0 $0xFFFFF086;
	s6 =	sadd.s32 @!p0 s3, s7;
	s7 =	simm.s32 @!p0 $0x108  }
0x21: {  	s3 =	sadd.s32 s3, s9;
	s6 =	sadd.s32 @!p0 $0x88, s6;
	s7 =	simm.s32 @p2 $0x1082  }
0x22: {  	[simem:s7], [sflag:s8] =	dma.local @!p0 [hbm:s6], $0xF7A  }
0x23: {  	s9 =	sor.u32 $0xD0000000, s2;
	s6 =	simm.s32 $0x108;
	_ =	swait.ge @!p0 [sflag:s8], $0x0  }
0x24: {  	s3 =	sadd.s32 $0x88, s3;
	s6 =	simm.s32 @!p1 $0x1082;
	[sflag:s4] =	ssyncset.s32 $0xFFFFF086  }
0x25: {  	[simem:s6], [sflag:s4] =	dma.local [hbm:s3], $0xF7A  }
0x26: {  	[smem:$0x3F99] =	sst s1;
	(tag) =	ssettag s2;
	_ =	strace s9  }
0x27: {  	s1 =	sld [smem:$0x3FA9]  }
0x28: {  	s2 =	sld [smem:$0x3FAA]  }
0x29: {  	s4 =	sld [smem:$0x3FAC]  }
0x2a: {  	p0 =	seq.s32 s5, $0x0;
	s5 =	sld [smem:$0x3FAD]  }
0x2b: {  	s6 =	sld [smem:$0x3FAE]  }
0x2c: {  	s7 =	sld [smem:$0x3FAF]  }
0x2d: {  	s3 =	simm.s32 $0x108;
	s8 =	sld [smem:$0x3FB0]  }
0x2e: {  	s3 =	simm.s32 @!p0 $0x1082;
	s9 =	sld [smem:$0x3FB1]  }
0x2f: {  	lr =	sadd.s32 s0, s3;
	s0 =	sld [smem:$0x3FA8]  }
0x30: {  	s3 =	sld [smem:$0x3FAB]  }
0x31: {  	[smem:$0x3FB4] =	sst s10  }
0x32: {  	s10 =	sld [smem:$0x3FB2];
	_ =	sdelay $0x3  }
0x33: {  	p0 =	seq.s32 s10, $0x1;
	s10 =	sld [smem:$0x3FB4];
	_ =	sdelay $0x3  }
0x34: {  	[smem:$0x3FB4] =	sst s10  }
0x35: {  	s10 =	sld [smem:$0x3FB3];
	_ =	sdelay $0x3  }
0x36: {  	p1 =	seq.s32 s10, $0x1;
	s10 =	sld [smem:$0x3FB4];
	_ =	sdelay $0x3  }
0x37: {  	[smem:$0x3FB4] =	sst s10  }
0x38: {  	s10 =	sld [smem:$0x3FB5]  }
0x39: {  	_ = 	snop;
	(pc) =	sbr.ind lr, $3  }
0x3a: {  	_ = 	snop  }
0x3b: {  	_ = 	snop  }
0x3c: {  	p2 =	seq.s32 s10, $0x1;
	s10 =	sld [smem:$0x3FB4]  }
0x3d: {  	_ =	shalt  }
0x3e: {  	_ =	shalt  }
0x3f: {  	_ =	shalt  }
0x40: {  	_ =	shalt  }
0x41: {  	_ =	shalt  }
0x42: {  	_ =	shalt  }
0x43: {  	_ =	shalt  }
0x44: {  	_ =	shalt  }
0x45: {  	_ =	shalt  }
0x46: {  	_ =	shalt  }
0x47: {  	_ =	shalt  }
0x48: {  	_ =	shalt  }
0x49: {  	_ =	shalt  }
0x4a: {  	_ =	shalt  }
0x4b: {  	_ =	shalt  }
0x4c: {  	_ =	shalt  }
0x4d: {  	_ =	shalt  }
0x4e: {  	_ =	shalt  }
0x4f: {  	_ =	shalt  }
0x50: {  	_ =	shalt  }
0x51: {  	_ =	shalt  }
0x52: {  	_ =	shalt  }
0x53: {  	_ =	shalt  }
0x54: {  	_ =	shalt  }
0x55: {  	_ =	shalt  }
0x56: {  	_ =	shalt  }
0x57: {  	_ =	shalt  }
0x58: {  	_ =	shalt  }
0x59: {  	_ =	shalt  }
0x5a: {  	_ =	shalt  }
0x5b: {  	_ =	shalt  }
0x5c: {  	_ =	shalt  }
0x5d: {  	_ =	shalt  }
0x5e: {  	_ =	shalt  }
0x5f: {  	_ =	shalt  }
0x60: {  	_ =	shalt  }
0x61: {  	_ =	shalt  }
0x62: {  	_ =	shalt  }
0x63: {  	_ =	shalt  }
0x64: {  	_ =	shalt  }
0x65: {  	_ =	shalt  }
0x66: {  	_ =	shalt  }
0x67: {  	_ =	shalt  }
0x68: {  	_ =	shalt  }
0x69: {  	_ =	shalt  }
0x6a: {  	_ =	shalt  }
0x6b: {  	_ =	shalt  }
0x6c: {  	_ =	shalt  }
0x6d: {  	_ =	shalt  }
0x6e: {  	_ =	shalt  }
0x6f: {  	_ =	shalt  }
0x70: {  	_ =	shalt  }
0x71: {  	_ =	shalt  }
0x72: {  	_ =	shalt  }
0x73: {  	_ =	shalt  }
0x74: {  	_ =	shalt  }
0x75: {  	_ =	shalt  }
0x76: {  	_ =	shalt  }
0x77: {  	_ =	shalt  }
0x78: {  	_ =	shalt  }
0x79: {  	_ =	shalt  }
0x7a: {  	_ =	shalt  }
0x7b: {  	_ =	shalt  }
0x7c: {  	_ =	shalt  }
0x7d: {  	_ =	shalt  }
0x7e: {  	_ =	shalt  }
0x7f: {  	_ =	shalt  }
0x80: {  	_ =	shalt  }
0x81: {  	_ =	shalt  }
0x82: {  	_ =	shalt  }
0x83: {  	_ =	shalt  }
0x84: {  	_ =	shalt  }
0x85: {  	_ =	shalt  }
0x86: {  	_ =	shalt  }
0x87: {  	_ =	shalt  }
.Lfunc_end0:
.L_simem_size_0:
called_computation_lowered:
.L_overlay_start_0:
0x88: {  	s2 =	sld [smem:$0x3FD9]  }
0x89: {  	s3 =	sld [smem:$0x3FFE];
	_ =	sdelay $0x1  }
0x8a: {  	s1 =	srdreg.scid  }
0x8b: {  	s0 =	sand.u32 $0x1, s1  }
0x8c: {  	s16 =	sshll.u32 s0, $0xA;
	s2 =	sadd.s32 s3, s2  }
0x8d: {  	s2 =	sadd.s32 s2, s16  }
0x8e: {  	[smem:$0x3FC0] =	sst s2  }
0x8f: {  	_ = 	snop  }
0x90: {  	(tm) =	ssettm $0x1  }
0x91: {  	s17 =	sld [smem:$0x3FFB];
	_ =	sdelay $0x3  }
0x92: {  	_ =	strace s17  }
0x93: {  	s2 =	sld [smem:$0x3FFC];
	_ =	sdelay $0x3  }
0x94: {  	_ =	strace s2  }
0x95: {  	s2 =	sld [smem:$0x3FFD];
	_ =	sdelay $0x3  }
0x96: {  	_ =	strace s2  }
0x97: {  	_ =	strace $0x8FFFFFFF  }
0x98: {  	s18 =	sld [smem:$0x3FDB];
	_ =	sdelay $0x1  }
0x99: {  	s19 =	simm.s32 $_scs_section_size  }
0x9a: {  	s4 =	simm.s32 $_size__tile_overlayer_lowered;
	s5 =	simm.s32 $_tile_overlayer_lowered  }
0x9b: {  	s22 =	simm.s32 $0x1BFF;
	s21 =	sshll.u32 s5, $0x1;
	s2 =	sadd.s32 s19, s18  }
0x9c: {  	s6 =	simm.s32 $0x0;
	s20 =	sshll.u32 s4, $0x1;
	s4 =	sadd.s32 s21, s2  }
0x9d: {  	[timem:s6], [sflag:s22] =	dma.local [hbm:s4], s20  }
0x9e: {  	_ =	swait.ge [sflag:s22], s20  }
0x9f: {  	s3 =	ssub.s32 $0x0, s20;
	[sflag:s22] =	ssyncset.done $0x0  }
0xa0: {  	[sflag:s22] =	ssyncadd.s32 s3;
	_ =	sdelay $0x1  }
0xa1: {  	s23 =	simm.s32 $0x1B8B  }
0xa2: {  	_ =	swait.ge [sflag:s23], $0x1  }
0xa3: {  	[sflag:s23] =	ssyncset.done $0x0  }
0xa4: {  	s25 =	simm.s32 $0x1B8E;
	s24 =	sld [smem:$0x3FFE];
	[sflag:s23] =	ssyncadd.s32 $0xFFFFFFFF  }
0xa5: {  	s26 =	simm.s32 $execute0_lowered;
	[smem:$0x3FD2] =	sst s25  }
0xa6: {  	s4 =	sshll.u32 s26, $0x1;
	_ =	strace $0x80000046;
	[dreg:$0x1] =	wrdreg $0xFFFFFFFF  }
0xa7: {  	s28 =	simm.s32 $_size_execute0_lowered;
	s2 =	sadd.s32 s2, s4;
	[dreg:$0x0] =	wrdreg $0x0  }
0xa8: {  	s4 =	sshll.u32 s28, $0x1;
	[dreg:$0x2] =	wrdreg s2  }
0xa9: {  	[dreg:$0x3] =	wrdreg s4  }
0xaa: {  	[dreg:$0x4] =	wrdreg $0xC0  }
0xab: {  	_ =	task [dreg:s6], $0x5FFFF  }
0xac: {  	[dreg:$0x1] =	wrdreg $0xFFFFFFFF  }
0xad: {  	[dreg:$0x0] =	wrdreg $0x60  }
0xae: {  	[dreg:$0x2] =	wrdreg s24  }
0xaf: {  	[dreg:$0x3] =	wrdreg $0x0  }
0xb0: {  	[dreg:$0x4] =	wrdreg $0x9  }
0xb1: {  	_ =	task.clear_ibuf [dreg:s6], $0x5FFFF;
	_ =	strace $0x90000046  }
0xb2: {  	s29 =	simm.s32 $0x9;
	_ =	strace $0x80000048  }
0xb3: {  	_ =	swait.ge [sflag:s29], $0x1  }
0xb4: {  	[sflag:s29] =	ssyncadd.s32 $0xFFFFFFFF  }
0xb5: {  	_ =	strace $0x90000048  }
0xb6: {  	_ =	sfence  }
0xb7: {  	s30 =	sld [smem:$0x0];
	_ =	sdelay $0x2  }
0xb8: {  	s31 =	sshll.u32 s1, $0xD;
	s1 =	sshrl.u32 s1, $0x2  }
0xb9: {  	s3 =	sand.u32 $0x4000, s31;
	s1 =	sadd.s32 s1, s30  }
0xba: {  	s0 =	sor.u32 s3, s0;
	s1 =	sshll.u32 s1, $0x11  }
0xbb: {  	s0 =	sor.u32 s1, s0  }
0xbc: {  	s0 =	sadd.s32 $0x8F2B, s0  }
0xbd: {  	[sflag:s0] =	ssyncadd.remote.s32 $0x1  }
0xbe: {  	_ =	sfence.sel $0xFFFF  }
0xbf: {  	[dreg:$0x0] =	wrdreg $0xFFFFFFFF;
	(pc) =	sbr.abs _section_cstart, $3  }
0xc0: {  	[dreg:$0x1] =	wrdreg $0xFFFFFFFF  }
0xc1: {  	_ =	task.clear_ibuf [dreg:s6], $0x2FFFF;
	_ =	strace $0x9FFFFFFF  }
0xc2: {  	(tm) =	ssettm $0x7FFFFFFF  }
0xc3: {  	_ =	shalt  }
tec
execute0_lowered:
.L_overlay_start_1:
0x0: {  	(tag) =	ssettag $0x1  }
0x1: {  	s6 =	rddreg [dreg:$0x0];
	s0 =	srdreg.scid  }
0x2: {  	s2 =	rddreg [dreg:$0x1];
	s1 =	stileid.u32  }
0x3: {  	s3 =	simm.s32 $0x0;
	s13 =	simm.s32 $0x5000;
	s14 =	simm.s32 $0x80  }
0x4: {  	s15 =	simm.s32 $0x0;
	s4 =	sand.u32 $0x1, s0;
	s0 =	rddreg [dreg:$0x2]  }
0x5: {  	s7 =	smul.u32 $0x2800, s1;
	[smem:$0x7FF] =	sst s3;
	s11 =	sshll.u32 s1, $0x6  }
0x6: {  	s5 =	smul.u32 $0x28000, s4;
	_ =	strace $0x80000047;
	s8 =	ssub.s32 $0x2, s4  }
0x7: {  	s4 =	sadd.s32 $0xCE00, s6;
	s11 =	sor.u32 $0x1C01, s11;
	s10 =	sshrl.u32 s8, $0x1  }
0x8: {  	s12 =	sadd.s32 s7, s2;
	s5 =	sadd.s32 s7, s5;
	s8 =	ssub.s32 s8, s10  }
0x9: {  	s10 =	simm.s32 $0x1;
	s12 =	sshrl.u32 s12, $0x3;
	s9 =	sshrl.u32 s5, $0x3  }
0xa: {  	s5 =	sadd.s32 $0xCC00, s6;
	s8 =	smax.u32 s8, $0x1;
	s9 =	sadd.s32 s9, s6  }
0xb: {  	s6 =	sadd.s32 $0x2C00, s9;
	s7 =	sadd.s32 $0xD400, s9;
	s9 =	simm.s32 $0x2800  }
.LBB2_1:
0xc: {  	[tilespmem:s9], [sflag:$0x1] =	stream.linear.gather [hbm4b:s6+s3], $0x2800, $0x38;
	[tilespmem:$0x5800] =	vst v63  }
0xd: {  	_ =	swait.ge [sflag:s10], $0x2800  }
0xe: {  	[sflag:s10] =	ssyncset.done $0x0  }
0xf: {  	[sflag:s10] =	ssyncadd.s32 $0xFFFFD800  }
0x10: {  	[spmem:s12], [sflag:s11] =	dma.local [hbm:s4], $0x500  }
0x11: {  	_ =	swait.ge [sflag:s10], $0x500  }
0x12: {  	[sflag:s10] =	ssyncset.done $0x0  }
0x13: {  	[sflag:s10] =	ssyncadd.s32 $0xFFFFFB00  }
0x14: {  	[tilespmem:s13], [sflag:$0x1] =	stream.linear.gather [hbm4b:s5+s3], $0x800, $0x38;
	[tilespmem:$0x5800] =	vst v63  }
0x15: {  	_ =	swait.ge [sflag:s10], $0x800  }
0x16: {  	[sflag:s10] =	ssyncset.done $0x0  }
0x17: {  	[sflag:s10] =	ssyncadd.s32 $0xFFFFF800  }
0x18: {  	s16 =	simm.s32 $0x2800;
	[bflag:$0x0] =	sbarrier.arrive $0xFFFF  }
0x19: {  	[spmem:s2] =	stream.indirect.scatter.add.f32 [tilespmem:s13], [sflag:$0x1], $0x10, s16, s14, $0xb8;
	[tilespmem:$0x5800] =	vst v63  }
0x1a: {  	s16 =	simm.s32 $0x200;
	_ =	swait.ge [sflag:s10], $0x800  }
.LBB2_2:
0x1b: {  	s17 =	sshra.s32 s16, $0x2;
	[sflag:s10] =	ssyncset.done $0x0;
	p0 =	sne.s32 s16, $0x9E00  }
.Ltmp0:
0x1c: {  	s17 =	sadd.s32 $0x2800, s17;
	[sflag:s10] =	ssyncadd.s32 $0xFFFFF800;
	(pc) =	sbr.rel @p0 .LBB2_2-.Ltmp0, $3  }
0x1d: {  	[spmem:s2] =	stream.indirect.scatter.add.f32 [tilespmem:s13], [sflag:$0x1], $0x10, s17, s14, $0xb8;
	[tilespmem:$0x5800] =	vst v63  }
0x1e: {  	s16 =	sadd.s32 $0x200, s16;
	_ =	sdelay $0x1  }
0x1f: {  	_ =	swait.ge [sflag:s10], $0x800  }
0x20: {  	[sflag:s10] =	ssyncset.done $0x0;
	s15 =	sadd.s32 $0x1, s15  }
0x21: {  	[sflag:s10] =	ssyncadd.s32 $0xFFFFF800;
	p0 =	sne.s32 s15, s8  }
.Ltmp1:
0x22: {  	[bflag:$0x0] =	sbarrier.arrive $0xFFFF;
	(pc) =	sbr.rel @p0 .LBB2_1-.Ltmp1, $4  }
0x23: {  	[hbm:s7], [sflag:s11] =	dma.local [spmem:s12], $0x500  }
0x24: {  	_ =	swait.ge [sflag:s10], $0x500  }
0x25: {  	[sflag:s10] =	ssyncset.done $0x0  }
0x26: {  	[sflag:s10] =	ssyncadd.s32 $0xFFFFFB00  }
0x27: {  	_ =	sfence.sel $0x180000  }
0x28: {  	[bflag:$0x0] =	sbarrier.arrive $0xFFFF  }
0x29: {  	p0 =	sne.s32 s1, $0x0;
	_ =	strace $0x90000047  }
0x2a: {  	s0 =	sadd.s32 @!p0 $0x100000, s0;
	[bflag:$0x2] =	sbarrier.arrive $0xFFFF  }
0x2b: {  	[sflag:s0] =	ssyncadd.tile.s32 @!p0 $0x1;
	_ =	shalt  }
.Lfunc_end2:
_tile_overlayer_lowered:
.L_overlay_start_2:
0x2c: {  	(tag) =	ssettag $0x2  }
0x2d: {  	s0 =	rddreg [dreg:$0x0];
	s2 =	stileid.u32  }
0x2e: {  	s1 =	rddreg [dreg:$0x1];
	p0 =	sne.s32 s2, $0x0  }
0x2f: {  	s3 =	rddreg [dreg:$0x2];
	[bflag:$0x3] =	sbarrier.arrive $0xFFFF;
	s2 =	simm.s32 @!p0 $0x1C01  }
0x30: {  	[timem:s3], [sflag:s2] =	dma.local @!p0 [hbm:s0], s1  }
0x31: {  	s0 =	simm.s32 @!p0 $0x1  }
0x32: {  	_ =	swait.ge @!p0 [sflag:s0], s1  }
0x33: {  	s1 =	ssub.s32 @!p0 $0x0, s1;
	[sflag:s0] =	ssyncset.done @!p0 $0x0  }
0x34: {  	[sflag:s0] =	ssyncadd.s32 @!p0 s1  }
0x35: {  	[bflag:$0x3] =	sbarrier.arrive $0xFFFF  }
0x36: {  	_ =	shalt  }

// kernel: kernel.13.cloned.1.call-start
scs
__scs_entry_jumppad:
0x0: {  	(pc) =	sbr.rel $0x88, $3  }
0x1: {  	(tag) =	ssettag $0x0;
	lr =	simm.s32 $0x1  }
0x2: {  	[smem:$0x3F99] =	sst lr;
	_ =	strace $0xD0000000  }
0x3: {  	_ = 	snop  }
0x4: {  	_ = 	snop  }
0x5: {  	_ = 	snop  }
0x6: {  	_ = 	snop  }
0x7: {  	_ = 	snop  }
__scs_overlays_trampoline_lowered:
0x8: {  	[smem:$0x3FA8] =	sst s0  }
0x9: {  	[smem:$0x3FA9] =	sst s1  }
0xa: {  	[smem:$0x3FAA] =	sst s2  }
0xb: {  	[smem:$0x3FAB] =	sst s3  }
0xc: {  	[smem:$0x3FAC] =	sst s4  }
0xd: {  	[smem:$0x3FAD] =	sst s5  }
0xe: {  	[smem:$0x3FAE] =	sst s6  }
0xf: {  	[smem:$0x3FAF] =	sst s7  }
0x10: {  	[smem:$0x3FB0] =	sst s8  }
0x11: {  	[smem:$0x3FB1] =	sst s9;
	s0 =	simm.s32 @!p0 $0x0  }
0x12: {  	s1 =	sld [smem:$0x3F97];
	s0 =	simm.s32 @p0 $0x1  }
0x13: {  	[smem:$0x3FB2] =	sst s0;
	s0 =	simm.s32 @!p1 $0x0  }
0x14: {  	s2 =	sld [smem:$0x3F96];
	s0 =	simm.s32 @p1 $0x1  }
0x15: {  	[smem:$0x3FB3] =	sst s0;
	s0 =	simm.s32 @!p2 $0x0  }
0x16: {  	s3 =	sld [smem:$0x3FDB];
	s0 =	simm.s32 @p2 $0x1  }
0x17: {  	s4 =	simm.s32 $0x1BF5;
	[smem:$0x3FB5] =	sst s0  }
0x18: {  	s0 =	sld [smem:$0x3F98];
	_ =	swait.ge [sflag:s4], $0x0  }
0x19: {  	s7 =	sld [smem:$0x3F99]  }
0x1a: {  	s8 =	sadd.s32 $0xFFFFE003, lr  }
0x1b: {  	s9 =	sadd.s32 $0xFFFFFEF7, lr;
	s5 =	simm.s32 $0xFFFFFFFF;
	p2 =	slt.u32 s8, $0xFFFFF086  }
0x1c: {  	p1 =	slt.u32 s9, $0xF7A;
	s5 =	simm.s32 @!p2 $0x0  }
0x1d: {  	s5 =	simm.s32 @p1 $0x1;
	p0 =	seq.s32 s7, s2  }
0x1e: {  	s7 =	smul.u32 @!p0 $0xF7A, s2;
	p2 =	seq.s32 @!p0 s5, $0x0  }
0x1f: {  	s9 =	smul.u32 $0xF7A, s1;
	s8 =	simm.s32 @!p0 $0x1BF5;
	p2 =	por !p2, p0  }
0x20: {  	[sflag:s8] =	ssyncset.s32 @!p0 $0xFFFFF086;
	s6 =	sadd.s32 @!p0 s3, s7;
	s7 =	simm.s32 @!p0 $0x108  }
0x21: {  	s3 =	sadd.s32 s3, s9;
	s6 =	sadd.s32 @!p0 $0x88, s6;
	s7 =	simm.s32 @p2 $0x1082  }
0x22: {  	[simem:s7], [sflag:s8] =	dma.local @!p0 [hbm:s6], $0xF7A  }
0x23: {  	s9 =	sor.u32 $0xD0000000, s2;
	s6 =	simm.s32 $0x108;
	_ =	swait.ge @!p0 [sflag:s8], $0x0  }
0x24: {  	s3 =	sadd.s32 $0x88, s3;
	s6 =	simm.s32 @!p1 $0x1082;
	[sflag:s4] =	ssyncset.s32 $0xFFFFF086  }
0x25: {  	[simem:s6], [sflag:s4] =	dma.local [hbm:s3], $0xF7A  }
0x26: {  	[smem:$0x3F99] =	sst s1;
	(tag) =	ssettag s2;
	_ =	strace s9  }
0x27: {  	s1 =	sld [smem:$0x3FA9]  }
0x28: {  	s2 =	sld [smem:$0x3FAA]  }
0x29: {  	s4 =	sld [smem:$0x3FAC]  }
0x2a: {  	p0 =	seq.s32 s5, $0x0;
	s5 =	sld [smem:$0x3FAD]  }
0x2b: {  	s6 =	sld [smem:$0x3FAE]  }
0x2c: {  	s7 =	sld [smem:$0x3FAF]  }
0x2d: {  	s3 =	simm.s32 $0x108;
	s8 =	sld [smem:$0x3FB0]  }
0x2e: {  	s3 =	simm.s32 @!p0 $0x1082;
	s9 =	sld [smem:$0x3FB1]  }
0x2f: {  	lr =	sadd.s32 s0, s3;
	s0 =	sld [smem:$0x3FA8]  }
0x30: {  	s3 =	sld [smem:$0x3FAB]  }
0x31: {  	[smem:$0x3FB4] =	sst s10  }
0x32: {  	s10 =	sld [smem:$0x3FB2];
	_ =	sdelay $0x3  }
0x33: {  	p0 =	seq.s32 s10, $0x1;
	s10 =	sld [smem:$0x3FB4];
	_ =	sdelay $0x3  }
0x34: {  	[smem:$0x3FB4] =	sst s10  }
0x35: {  	s10 =	sld [smem:$0x3FB3];
	_ =	sdelay $0x3  }
0x36: {  	p1 =	seq.s32 s10, $0x1;
	s10 =	sld [smem:$0x3FB4];
	_ =	sdelay $0x3  }
0x37: {  	[smem:$0x3FB4] =	sst s10  }
0x38: {  	s10 =	sld [smem:$0x3FB5]  }
0x39: {  	_ = 	snop;
	(pc) =	sbr.ind lr, $3  }
0x3a: {  	_ = 	snop  }
0x3b: {  	_ = 	snop  }
0x3c: {  	p2 =	seq.s32 s10, $0x1;
	s10 =	sld [smem:$0x3FB4]  }
0x3d: {  	_ =	shalt  }
0x3e: {  	_ =	shalt  }
0x3f: {  	_ =	shalt  }
0x40: {  	_ =	shalt  }
0x41: {  	_ =	shalt  }
0x42: {  	_ =	shalt  }
0x43: {  	_ =	shalt  }
0x44: {  	_ =	shalt  }
0x45: {  	_ =	shalt  }
0x46: {  	_ =	shalt  }
0x47: {  	_ =	shalt  }
0x48: {  	_ =	shalt  }
0x49: {  	_ =	shalt  }
0x4a: {  	_ =	shalt  }
0x4b: {  	_ =	shalt  }
0x4c: {  	_ =	shalt  }
0x4d: {  	_ =	shalt  }
0x4e: {  	_ =	shalt  }
0x4f: {  	_ =	shalt  }
0x50: {  	_ =	shalt  }
0x51: {  	_ =	shalt  }
0x52: {  	_ =	shalt  }
0x53: {  	_ =	shalt  }
0x54: {  	_ =	shalt  }
0x55: {  	_ =	shalt  }
0x56: {  	_ =	shalt  }
0x57: {  	_ =	shalt  }
0x58: {  	_ =	shalt  }
0x59: {  	_ =	shalt  }
0x5a: {  	_ =	shalt  }
0x5b: {  	_ =	shalt  }
0x5c: {  	_ =	shalt  }
0x5d: {  	_ =	shalt  }
0x5e: {  	_ =	shalt  }
0x5f: {  	_ =	shalt  }
0x60: {  	_ =	shalt  }
0x61: {  	_ =	shalt  }
0x62: {  	_ =	shalt  }
0x63: {  	_ =	shalt  }
0x64: {  	_ =	shalt  }
0x65: {  	_ =	shalt  }
0x66: {  	_ =	shalt  }
0x67: {  	_ =	shalt  }
0x68: {  	_ =	shalt  }
0x69: {  	_ =	shalt  }
0x6a: {  	_ =	shalt  }
0x6b: {  	_ =	shalt  }
0x6c: {  	_ =	shalt  }
0x6d: {  	_ =	shalt  }
0x6e: {  	_ =	shalt  }
0x6f: {  	_ =	shalt  }
0x70: {  	_ =	shalt  }
0x71: {  	_ =	shalt  }
0x72: {  	_ =	shalt  }
0x73: {  	_ =	shalt  }
0x74: {  	_ =	shalt  }
0x75: {  	_ =	shalt  }
0x76: {  	_ =	shalt  }
0x77: {  	_ =	shalt  }
0x78: {  	_ =	shalt  }
0x79: {  	_ =	shalt  }
0x7a: {  	_ =	shalt  }
0x7b: {  	_ =	shalt  }
0x7c: {  	_ =	shalt  }
0x7d: {  	_ =	shalt  }
0x7e: {  	_ =	shalt  }
0x7f: {  	_ =	shalt  }
0x80: {  	_ =	shalt  }
0x81: {  	_ =	shalt  }
0x82: {  	_ =	shalt  }
0x83: {  	_ =	shalt  }
0x84: {  	_ =	shalt  }
0x85: {  	_ =	shalt  }
0x86: {  	_ =	shalt  }
0x87: {  	_ =	shalt  }
.Lfunc_end0:
.L_simem_size_0:
called_computation.1_lowered:
.L_overlay_start_0:
0x88: {  	s2 =	sld [smem:$0x3FD9]  }
0x89: {  	s3 =	sld [smem:$0x3FFE];
	_ =	sdelay $0x1  }
0x8a: {  	s1 =	srdreg.scid  }
0x8b: {  	s0 =	sand.u32 $0x1, s1  }
0x8c: {  	s17 =	sshll.u32 s0, $0xA;
	s2 =	sadd.s32 s3, s2  }
0x8d: {  	s2 =	sadd.s32 s2, s17  }
0x8e: {  	[smem:$0x3FC0] =	sst s2  }
0x8f: {  	_ = 	snop  }
0x90: {  	s2 =	sld [smem:$0x3FD0];
	(tm) =	ssettm $0x1  }
0x91: {  	s18 =	sld [smem:$0x3FFB];
	_ =	sdelay $0x3  }
0x92: {  	_ =	strace s18  }
0x93: {  	s3 =	sld [smem:$0x3FFC];
	_ =	sdelay $0x3  }
0x94: {  	_ =	strace s3  }
0x95: {  	s3 =	sld [smem:$0x3FFD];
	_ =	sdelay $0x3  }
0x96: {  	_ =	strace s3  }
0x97: {  	_ =	strace $0x8FFFFFFF  }
0x98: {  	s19 =	sld [smem:$0x3FDB];
	_ =	sdelay $0x1  }
0x99: {  	s4 =	simm.s32 $_scs_section_size  }
0x9a: {  	s5 =	simm.s32 $_size__tile_overlayer_lowered;
	s6 =	simm.s32 $_tile_overlayer_lowered  }
0x9b: {  	s22 =	simm.s32 $0x1BFF;
	s21 =	sshll.u32 s6, $0x1;
	s3 =	sadd.s32 s4, s19  }
0x9c: {  	s7 =	simm.s32 $0x0;
	s20 =	sshll.u32 s5, $0x1;
	s5 =	sadd.s32 s21, s3  }
0x9d: {  	[timem:s7], [sflag:s22] =	dma.local [hbm:s5], s20  }
0x9e: {  	_ =	swait.ge [sflag:s22], s20  }
0x9f: {  	s4 =	ssub.s32 $0x0, s20;
	[sflag:s22] =	ssyncset.done $0x0  }
0xa0: {  	[sflag:s22] =	ssyncadd.s32 s4;
	_ =	sdelay $0x1  }
0xa1: {  	s23 =	simm.s32 $0x1B8B  }
0xa2: {  	_ =	swait.ge [sflag:s23], $0x1  }
0xa3: {  	[sflag:s23] =	ssyncset.done $0x0  }
0xa4: {  	s25 =	simm.s32 $0x1B8E;
	s24 =	sld [smem:$0x3FFE];
	[sflag:s23] =	ssyncadd.s32 $0xFFFFFFFF  }
0xa5: {  	s26 =	simm.s32 $execute0_lowered;
	[smem:$0x3FD2] =	sst s25  }
0xa6: {  	s5 =	sshll.u32 s26, $0x1;
	_ =	strace $0x80000049;
	[dreg:$0x1] =	wrdreg $0xFFFFFFFF  }
0xa7: {  	s28 =	simm.s32 $_size_execute0_lowered;
	s3 =	sadd.s32 s3, s5;
	[dreg:$0x0] =	wrdreg $0x0  }
0xa8: {  	s5 =	sshll.u32 s28, $0x1;
	[dreg:$0x2] =	wrdreg s3  }
0xa9: {  	[dreg:$0x3] =	wrdreg s5  }
0xaa: {  	[dreg:$0x4] =	wrdreg $0xC0  }
0xab: {  	_ =	task [dreg:s7], $0x5FFFF  }
0xac: {  	[dreg:$0x1] =	wrdreg $0xFFFFFFFF  }
0xad: {  	[dreg:$0x0] =	wrdreg $0x60  }
0xae: {  	[dreg:$0x2] =	wrdreg s24  }
0xaf: {  	[dreg:$0x3] =	wrdreg s2  }
0xb0: {  	[dreg:$0x4] =	wrdreg $0x0  }
0xb1: {  	[dreg:$0x5] =	wrdreg $0x9  }
0xb2: {  	_ =	task.clear_ibuf [dreg:s7], $0x6FFFF;
	_ =	strace $0x90000049  }
0xb3: {  	s29 =	simm.s32 $0x9;
	_ =	strace $0x8000004B  }
0xb4: {  	_ =	swait.ge [sflag:s29], $0x1  }
0xb5: {  	[sflag:s29] =	ssyncadd.s32 $0xFFFFFFFF  }
0xb6: {  	_ =	strace $0x9000004B  }
0xb7: {  	_ =	sfence  }
0xb8: {  	s30 =	sld [smem:$0x0];
	_ =	sdelay $0x2  }
0xb9: {  	s31 =	sshll.u32 s1, $0xD;
	s1 =	sshrl.u32 s1, $0x2  }
0xba: {  	s3 =	sand.u32 $0x4000, s31;
	s1 =	sadd.s32 s1, s30  }
0xbb: {  	s0 =	sor.u32 s3, s0;
	s1 =	sshll.u32 s1, $0x11  }
0xbc: {  	s0 =	sor.u32 s1, s0  }
0xbd: {  	s0 =	sadd.s32 $0x8F2B, s0  }
0xbe: {  	[sflag:s0] =	ssyncadd.remote.s32 $0x1  }
0xbf: {  	_ =	sfence.sel $0xFFFF  }
0xc0: {  	[dreg:$0x0] =	wrdreg $0xFFFFFFFF;
	(pc) =	sbr.abs _section_cstart, $3  }
0xc1: {  	[dreg:$0x1] =	wrdreg $0xFFFFFFFF  }
0xc2: {  	_ =	task.clear_ibuf [dreg:s7], $0x2FFFF;
	_ =	strace $0x9FFFFFFF  }
0xc3: {  	(tm) =	ssettm $0x7FFFFFFF  }
tec
execute0_lowered:
.L_overlay_start_1:
0x0: {  	(tag) =	ssettag $0x1  }
0x1: {  	s6 =	rddreg [dreg:$0x0]  }
0x2: {  	s10 =	rddreg [dreg:$0x1]  }
0x3: {  	s1 =	rddreg [dreg:$0x2]  }
0x4: {  	s0 =	rddreg [dreg:$0x3];
	s3 =	simm.s32 $0x0;
	s2 =	srdreg.scid  }
0x5: {  	s16 =	simm.s32 $0x4;
	s17 =	simm.s32 $0x15400;
	s18 =	simm.s32 $0x80  }
0x6: {  	s19 =	simm.s32 $0x16800;
	s20 =	simm.s32 $0x14080;
	s21 =	simm.s32 $0x1A800  }
0x7: {  	s22 =	simm.s32 $0x3;
	s23 =	simm.s32 $0x1;
	s5 =	sand.u32 $0x1, s2  }
0x8: {  	s24 =	simm.s32 $0x2;
	s2 =	stileid.u32;
	s7 =	smul.u32 $0x140000, s5  }
0x9: {  	s25 =	simm.s32 $0x16700;
	s28 =	simm.s32 $0x0;
	s8 =	smul.u32 $0x14000, s2  }
0xa: {  	[smem:$0x7FF] =	sst s3;
	s4 =	sadd.s32 $0x5CC00, s6;
	s9 =	smul.u32 $0x50000, s2  }
0xb: {  	s11 =	sadd.s32 $0x2C00, s6;
	s26 =	ssub.s32 $0x2, s5;
	s12 =	smul.u32 $0x28000, s5  }
0xc: {  	_ =	strace $0x8000004A;
	s14 =	smul.u32 $0x2800, s2;
	s13 =	sshrl.u32 s26, $0x1  }
0xd: {  	s5 =	sadd.s32 $0x84C00, s6;
	s7 =	sadd.s32 s8, s7;
	s13 =	ssub.s32 s26, s13  }
0xe: {  	s29 =	sshrl.u32 s9, $0x2;
	s30 =	sadd.s32 s14, s12;
	s26 =	simm.s32 $0x16780  }
0xf: {  	s7 =	sshrl.u32 s7, $0x3;
	s31 =	sadd.s32 s29, s1;
	s12 =	sshrl.u32 s30, $0x3  }
0x10: {  	s13 =	smax.u32 s13, $0x1;
	s15 =	sadd.s32 s7, s6;
	s6 =	sshll.u32 s2, $0x6  }
0x11: {  	s8 =	sadd.s32 s10, s12;
	s9 =	sadd.s32 s11, s12;
	s12 =	sadd.s32 $0x280, s12  }
0x12: {  	s14 =	sshrl.u32 s31, $0x3;
	s7 =	sor.u32 $0x1C03, s6;
	s10 =	sadd.s32 s10, s12  }
0x13: {  	s11 =	sadd.s32 s11, s12;
	s12 =	sadd.s32 $0x87400, s15;
	s15 =	simm.s32 $0x14000  }
.LBB2_1:
0x14: {  	[spmem:s14], [sflag:s7] =	dma.local [hbm:s5], $0x2800  }
0x15: {  	[tilespmem:s15], [sflag:$0x4] =	stream.linear.gather [hbm4b:s8+s3], $0x1400, $0x38;
	[tilespmem:$0x1E800] =	vst v63  }
0x16: {  	_ =	swait.ge [sflag:s16], $0x1400  }
0x17: {  	[sflag:s16] =	ssyncset.done $0x0  }
0x18: {  	[sflag:s16] =	ssyncadd.s32 $0xFFFFEC00  }
0x19: {  	[tilespmem:s17], [sflag:$0x4] =	stream.linear.gather [hbm4b:s9+s3], $0x1400, $0x38;
	[tilespmem:$0x1E800] =	vst v63  }
0x1a: {  	_ =	swait.ge [sflag:s16], $0x1400  }
0x1b: {  	[sflag:s16] =	ssyncset.done $0x0  }
0x1c: {  	[sflag:s16] =	ssyncadd.s32 $0xFFFFEC00  }
0x1d: {  	[tilespmem:s19], [sflag:$0x1] =	stream.indirect.gather [hbm4b:s4+s18], $0x80, s15, s18, $0xb8;
	[tilespmem:$0x1E800] =	vst v63  }
0x1e: {  	_ = 	snop  }
0x1f: {  	[tilespmem:s21], [sflag:$0x2] =	stream.indirect.gather [hbm4b:s4+s18], $0x80, s20, s18, $0xb8;
	[tilespmem:$0x1E800] =	vst v63  }
0x20: {  	_ =	swait.ge [sflag:s22], $0x2800  }
0x21: {  	[sflag:s22] =	ssyncset.done $0x0  }
0x22: {  	[sflag:s22] =	ssyncadd.s32 $0xFFFFD800  }
0x23: {  	[bflag:$0x0] =	sbarrier.arrive $0xFFFF  }
0x24: {  	_ =	swait.ge [sflag:s23], $0x4000  }
0x25: {  	[sflag:s23] =	ssyncset.done $0x0  }
0x26: {  	s29 =	simm.s32 $0x15400;
	[sflag:s23] =	ssyncadd.s32 $0xFFFFC000  }
0x27: {  	[spmem:s1] =	stream.indirect.scatter.add.f32 [tilespmem:s19], [sflag:$0x4], $0x80, s29, s18, $0xb8;
	[tilespmem:$0x1E800] =	vst v63  }
0x28: {  	_ =	swait.ge [sflag:s16], $0x4000  }
0x29: {  	[sflag:s16] =	ssyncset.done $0x0  }
0x2a: {  	s29 =	simm.s32 $0x14100;
	[sflag:s16] =	ssyncadd.s32 $0xFFFFC000  }
0x2b: {  	[tilespmem:s19], [sflag:$0x1] =	stream.indirect.gather [hbm4b:s4+s18], $0x80, s29, s18, $0xb8;
	[tilespmem:$0x1E800] =	vst v63  }
0x2c: {  	_ =	swait.ge [sflag:s24], $0x4000  }
0x2d: {  	[sflag:s24] =	ssyncset.done $0x0  }
0x2e: {  	s29 =	simm.s32 $0x15480;
	[sflag:s24] =	ssyncadd.s32 $0xFFFFC000  }
0x2f: {  	[spmem:s1] =	stream.indirect.scatter.add.f32 [tilespmem:s21], [sflag:$0x4], $0x80, s29, s18, $0xb8;
	[tilespmem:$0x1E800] =	vst v63  }
0x30: {  	_ =	swait.ge [sflag:s16], $0x4000  }
0x31: {  	[sflag:s16] =	ssyncset.done $0x0  }
0x32: {  	s30 =	simm.s32 $0x14180;
	s29 =	simm.s32 $0x400;
	[sflag:s16] =	ssyncadd.s32 $0xFFFFC000  }
.LBB2_2:
0x33: {  	[tilespmem:s21], [sflag:$0x2] =	stream.indirect.gather [hbm4b:s4+s18], $0x80, s30, s18, $0xb8;
	[tilespmem:$0x1E800] =	vst v63  }
0x34: {  	s30 =	smov.u32 s29  }
0x35: {  	p0 =	sne.s32 s29, $0x4800;
	s29 =	sadd.s32 $0x400, s29;
	_ =	swait.ge [sflag:s23], $0x4000  }
0x36: {  	s30 =	sshra.s32 s30, $0x2;
	[sflag:s23] =	ssyncset.done $0x0  }
0x37: {  	s31 =	sadd.s32 $0x15400, s30;
	[sflag:s23] =	ssyncadd.s32 $0xFFFFC000  }
0x38: {  	[spmem:s1] =	stream.indirect.scatter.add.f32 [tilespmem:s19], [sflag:$0x4], $0x80, s31, s18, $0xb8;
	[tilespmem:$0x1E800] =	vst v63  }
0x39: {  	_ =	swait.ge [sflag:s16], $0x4000  }
0x3a: {  	[sflag:s16] =	ssyncset.done $0x0  }
0x3b: {  	s31 =	sadd.s32 $0x14100, s30;
	[sflag:s16] =	ssyncadd.s32 $0xFFFFC000  }
0x3c: {  	[tilespmem:s19], [sflag:$0x1] =	stream.indirect.gather [hbm4b:s4+s18], $0x80, s31, s18, $0xb8;
	[tilespmem:$0x1E800] =	vst v63  }
0x3d: {  	_ =	swait.ge [sflag:s24], $0x4000  }
0x3e: {  	[sflag:s24] =	ssyncset.done $0x0  }
.Ltmp0:
0x3f: {  	s31 =	sadd.s32 $0x15480, s30;
	[sflag:s24] =	ssyncadd.s32 $0xFFFFC000;
	(pc) =	sbr.rel @p0 .LBB2_2-.Ltmp0, $4  }
0x40: {  	[spmem:s1] =	stream.indirect.scatter.add.f32 [tilespmem:s21], [sflag:$0x4], $0x80, s31, s18, $0xb8;
	[tilespmem:$0x1E800] =	vst v63  }
0x41: {  	_ =	swait.ge [sflag:s16], $0x4000  }
0x42: {  	[sflag:s16] =	ssyncset.done $0x0  }
0x43: {  	s30 =	sadd.s32 $0x14180, s30;
	[sflag:s16] =	ssyncadd.s32 $0xFFFFC000  }
0x44: {  	[tilespmem:s21], [sflag:$0x2] =	stream.indirect.gather [hbm4b:s4+s18], $0x80, s30, s18, $0xb8;
	[tilespmem:$0x1E800] =	vst v63  }
0x45: {  	_ =	swait.ge [sflag:s23], $0x4000  }
0x46: {  	[sflag:s23] =	ssyncset.done $0x0  }
0x47: {  	[sflag:s23] =	ssyncadd.s32 $0xFFFFC000  }
0x48: {  	[spmem:s1] =	stream.indirect.scatter.add.f32 [tilespmem:s19], [sflag:$0x4], $0x80, s25, s18, $0xb8;
	[tilespmem:$0x1E800] =	vst v63  }
0x49: {  	_ =	swait.ge [sflag:s16], $0x4000  }
0x4a: {  	[sflag:s16] =	ssyncset.done $0x0  }
0x4b: {  	[sflag:s16] =	ssyncadd.s32 $0xFFFFC000  }
0x4c: {  	_ =	swait.ge [sflag:s24], $0x4000  }
0x4d: {  	[sflag:s24] =	ssyncset.done $0x0  }
0x4e: {  	[sflag:s24] =	ssyncadd.s32 $0xFFFFC000  }
0x4f: {  	[spmem:s1] =	stream.indirect.scatter.add.f32 [tilespmem:s21], [sflag:$0x4], $0x80, s26, s18, $0xb8;
	[tilespmem:$0x1E800] =	vst v63  }
0x50: {  	_ =	swait.ge [sflag:s16], $0x4000  }
0x51: {  	[sflag:s16] =	ssyncset.done $0x0  }
0x52: {  	s29 =	simm.s32 $0x0;
	[sflag:s16] =	ssyncadd.s32 $0xFFFFC000  }
0x53: {  	[tilespmem:s15], [sflag:$0x4] =	stream.linear.gather [hbm4b:s10+s29], $0x1400, $0x38;
	[tilespmem:$0x1E800] =	vst v63  }
0x54: {  	_ =	swait.ge [sflag:s16], $0x1400  }
0x55: {  	[sflag:s16] =	ssyncset.done $0x0  }
0x56: {  	[sflag:s16] =	ssyncadd.s32 $0xFFFFEC00  }
0x57: {  	[tilespmem:s17], [sflag:$0x4] =	stream.linear.gather [hbm4b:s11+s29], $0x1400, $0x38;
	[tilespmem:$0x1E800] =	vst v63  }
0x58: {  	_ =	swait.ge [sflag:s16], $0x1400  }
0x59: {  	[sflag:s16] =	ssyncset.done $0x0  }
0x5a: {  	[sflag:s16] =	ssyncadd.s32 $0xFFFFEC00  }
0x5b: {  	[tilespmem:s19], [sflag:$0x1] =	stream.indirect.gather [hbm4b:s4+s18], $0x80, s15, s18, $0xb8;
	[tilespmem:$0x1E800] =	vst v63  }
0x5c: {  	_ = 	snop  }
0x5d: {  	[tilespmem:s21], [sflag:$0x2] =	stream.indirect.gather [hbm4b:s4+s18], $0x80, s20, s18, $0xb8;
	[tilespmem:$0x1E800] =	vst v63  }
0x5e: {  	_ =	swait.ge [sflag:s23], $0x4000  }
0x5f: {  	[sflag:s23] =	ssyncset.done $0x0  }
0x60: {  	s29 =	simm.s32 $0x15400;
	[sflag:s23] =	ssyncadd.s32 $0xFFFFC000  }
0x61: {  	[spmem:s1] =	stream.indirect.scatter.add.f32 [tilespmem:s19], [sflag:$0x4], $0x80, s29, s18, $0xb8;
	[tilespmem:$0x1E800] =	vst v63  }
0x62: {  	_ =	swait.ge [sflag:s16], $0x4000  }
0x63: {  	[sflag:s16] =	ssyncset.done $0x0  }
0x64: {  	s29 =	simm.s32 $0x14100;
	[sflag:s16] =	ssyncadd.s32 $0xFFFFC000  }
0x65: {  	[tilespmem:s19], [sflag:$0x1] =	stream.indirect.gather [hbm4b:s4+s18], $0x80, s29, s18, $0xb8;
	[tilespmem:$0x1E800] =	vst v63  }
0x66: {  	_ =	swait.ge [sflag:s24], $0x4000  }
0x67: {  	[sflag:s24] =	ssyncset.done $0x0  }
0x68: {  	s29 =	simm.s32 $0x15480;
	[sflag:s24] =	ssyncadd.s32 $0xFFFFC000  }
0x69: {  	[spmem:s1] =	stream.indirect.scatter.add.f32 [tilespmem:s21], [sflag:$0x4], $0x80, s29, s18, $0xb8;
	[tilespmem:$0x1E800] =	vst v63  }
0x6a: {  	_ =	swait.ge [sflag:s16], $0x4000  }
0x6b: {  	[sflag:s16] =	ssyncset.done $0x0  }
0x6c: {  	s30 =	simm.s32 $0x14180;
	s29 =	simm.s32 $0x400;
	[sflag:s16] =	ssyncadd.s32 $0xFFFFC000  }
.LBB2_4:
0x6d: {  	[tilespmem:s21], [sflag:$0x2] =	stream.indirect.gather [hbm4b:s4+s18], $0x80, s30, s18, $0xb8;
	[tilespmem:$0x1E800] =	vst v63  }
0x6e: {  	s30 =	smov.u32 s29  }
0x6f: {  	p0 =	sne.s32 s29, $0x4800;
	s29 =	sadd.s32 $0x400, s29;
	_ =	swait.ge [sflag:s23], $0x4000  }
0x70: {  	s30 =	sshra.s32 s30, $0x2;
	[sflag:s23] =	ssyncset.done $0x0  }
0x71: {  	s31 =	sadd.s32 $0x15400, s30;
	[sflag:s23] =	ssyncadd.s32 $0xFFFFC000  }
0x72: {  	[spmem:s1] =	stream.indirect.scatter.add.f32 [tilespmem:s19], [sflag:$0x4], $0x80, s31, s18, $0xb8;
	[tilespmem:$0x1E800] =	vst v63  }
0x73: {  	_ =	swait.ge [sflag:s16], $0x4000  }
0x74: {  	[sflag:s16] =	ssyncset.done $0x0  }
0x75: {  	s31 =	sadd.s32 $0x14100, s30;
	[sflag:s16] =	ssyncadd.s32 $0xFFFFC000  }
0x76: {  	[tilespmem:s19], [sflag:$0x1] =	stream.indirect.gather [hbm4b:s4+s18], $0x80, s31, s18, $0xb8;
	[tilespmem:$0x1E800] =	vst v63  }
0x77: {  	_ =	swait.ge [sflag:s24], $0x4000  }
0x78: {  	[sflag:s24] =	ssyncset.done $0x0  }
.Ltmp1:
0x79: {  	s31 =	sadd.s32 $0x15480, s30;
	[sflag:s24] =	ssyncadd.s32 $0xFFFFC000;
	(pc) =	sbr.rel @p0 .LBB2_4-.Ltmp1, $4  }
0x7a: {  	[spmem:s1] =	stream.indirect.scatter.add.f32 [tilespmem:s21], [sflag:$0x4], $0x80, s31, s18, $0xb8;
	[tilespmem:$0x1E800] =	vst v63  }
0x7b: {  	_ =	swait.ge [sflag:s16], $0x4000  }
0x7c: {  	[sflag:s16] =	ssyncset.done $0x0  }
0x7d: {  	s30 =	sadd.s32 $0x14180, s30;
	[sflag:s16] =	ssyncadd.s32 $0xFFFFC000  }
0x7e: {  	[tilespmem:s21], [sflag:$0x2] =	stream.indirect.gather [hbm4b:s4+s18], $0x80, s30, s18, $0xb8;
	[tilespmem:$0x1E800] =	vst v63  }
0x7f: {  	_ =	swait.ge [sflag:s23], $0x4000  }
0x80: {  	[sflag:s23] =	ssyncset.done $0x0  }
0x81: {  	[sflag:s23] =	ssyncadd.s32 $0xFFFFC000  }
0x82: {  	[spmem:s1] =	stream.indirect.scatter.add.f32 [tilespmem:s19], [sflag:$0x4], $0x80, s25, s18, $0xb8;
	[tilespmem:$0x1E800] =	vst v63  }
0x83: {  	_ =	swait.ge [sflag:s16], $0x4000  }
0x84: {  	[sflag:s16] =	ssyncset.done $0x0  }
0x85: {  	[sflag:s16] =	ssyncadd.s32 $0xFFFFC000  }
0x86: {  	_ =	swait.ge [sflag:s24], $0x4000  }
0x87: {  	[sflag:s24] =	ssyncset.done $0x0  }
0x88: {  	[sflag:s24] =	ssyncadd.s32 $0xFFFFC000  }
0x89: {  	[spmem:s1] =	stream.indirect.scatter.add.f32 [tilespmem:s21], [sflag:$0x4], $0x80, s26, s18, $0xb8;
	[tilespmem:$0x1E800] =	vst v63  }
0x8a: {  	_ =	swait.ge [sflag:s16], $0x4000  }
0x8b: {  	s28 =	sadd.s32 $0x1, s28;
	[sflag:s16] =	ssyncset.done $0x0  }
0x8c: {  	p0 =	sne.s32 s28, s13;
	[sflag:s16] =	ssyncadd.s32 $0xFFFFC000  }
.Ltmp2:
0x8d: {  	s29 =	sor.u32 $0x1C04, s6;
	[bflag:$0x0] =	sbarrier.arrive $0xFFFF;
	(pc) =	sbr.rel @p0 .LBB2_1-.Ltmp2, $4  }
0x8e: {  	[hbm:s12], [sflag:s29] =	dma.local [spmem:s14], $0x2800  }
0x8f: {  	_ =	swait.ge [sflag:s16], $0x2800  }
0x90: {  	[sflag:s16] =	ssyncset.done $0x0  }
0x91: {  	[sflag:s16] =	ssyncadd.s32 $0xFFFFD800  }
0x92: {  	_ =	sfence.sel $0x180000  }
0x93: {  	[bflag:$0x0] =	sbarrier.arrive $0xFFFF  }
0x94: {  	p0 =	sne.s32 s2, $0x0;
	_ =	strace $0x9000004A  }
0x95: {  	s0 =	sadd.s32 @!p0 $0x100000, s0;
	[bflag:$0x2] =	sbarrier.arrive $0xFFFF  }
0x96: {  	[sflag:s0] =	ssyncadd.tile.s32 @!p0 $0x1;
	_ =	shalt  }
.Lfunc_end2:
_tile_overlayer_lowered:
.L_overlay_start_2:
0x97: {  	(tag) =	ssettag $0x2  }
0x98: {  	s0 =	rddreg [dreg:$0x0];
	s2 =	stileid.u32  }
0x99: {  	s1 =	rddreg [dreg:$0x1];
	p0 =	sne.s32 s2, $0x0  }
0x9a: {  	s3 =	rddreg [dreg:$0x2];
	[bflag:$0x3] =	sbarrier.arrive $0xFFFF;
	s2 =	simm.s32 @!p0 $0x1C04  }
0x9b: {  	[timem:s3], [sflag:s2] =	dma.local @!p0 [hbm:s0], s1  }
0x9c: {  	s0 =	simm.s32 @!p0 $0x4  }
0x9d: {  	_ =	swait.ge @!p0 [sflag:s0], s1  }
0x9e: {  	s1 =	ssub.s32 @!p0 $0x0, s1;
	[sflag:s0] =	ssyncset.done @!p0 $0x0  }
0x9f: {  	[sflag:s0] =	ssyncadd.s32 @!p0 s1  }
0xa0: {  	[bflag:$0x3] =	sbarrier.arrive $0xFFFF  }
0xa1: {  	_ =	shalt  }

// kernel: kernel.16.cloned.1.call-start
scs
__scs_entry_jumppad:
0x0: {  	(pc) =	sbr.rel $0x88, $3  }
0x1: {  	(tag) =	ssettag $0x0;
	lr =	simm.s32 $0x1  }
0x2: {  	[smem:$0x3F99] =	sst lr;
	_ =	strace $0xD0000000  }
0x3: {  	_ = 	snop  }
0x4: {  	_ = 	snop  }
0x5: {  	_ = 	snop  }
0x6: {  	_ = 	snop  }
0x7: {  	_ = 	snop  }
__scs_overlays_trampoline_lowered:
0x8: {  	[smem:$0x3FA8] =	sst s0  }
0x9: {  	[smem:$0x3FA9] =	sst s1  }
0xa: {  	[smem:$0x3FAA] =	sst s2  }
0xb: {  	[smem:$0x3FAB] =	sst s3  }
0xc: {  	[smem:$0x3FAC] =	sst s4  }
0xd: {  	[smem:$0x3FAD] =	sst s5  }
0xe: {  	[smem:$0x3FAE] =	sst s6  }
0xf: {  	[smem:$0x3FAF] =	sst s7  }
0x10: {  	[smem:$0x3FB0] =	sst s8  }
0x11: {  	[smem:$0x3FB1] =	sst s9;
	s0 =	simm.s32 @!p0 $0x0  }
0x12: {  	s1 =	sld [smem:$0x3F97];
	s0 =	simm.s32 @p0 $0x1  }
0x13: {  	[smem:$0x3FB2] =	sst s0;
	s0 =	simm.s32 @!p1 $0x0  }
0x14: {  	s2 =	sld [smem:$0x3F96];
	s0 =	simm.s32 @p1 $0x1  }
0x15: {  	[smem:$0x3FB3] =	sst s0;
	s0 =	simm.s32 @!p2 $0x0  }
0x16: {  	s3 =	sld [smem:$0x3FDB];
	s0 =	simm.s32 @p2 $0x1  }
0x17: {  	s4 =	simm.s32 $0x1BF5;
	[smem:$0x3FB5] =	sst s0  }
0x18: {  	s0 =	sld [smem:$0x3F98];
	_ =	swait.ge [sflag:s4], $0x0  }
0x19: {  	s7 =	sld [smem:$0x3F99]  }
0x1a: {  	s8 =	sadd.s32 $0xFFFFE003, lr  }
0x1b: {  	s9 =	sadd.s32 $0xFFFFFEF7, lr;
	s5 =	simm.s32 $0xFFFFFFFF;
	p2 =	slt.u32 s8, $0xFFFFF086  }
0x1c: {  	p1 =	slt.u32 s9, $0xF7A;
	s5 =	simm.s32 @!p2 $0x0  }
0x1d: {  	s5 =	simm.s32 @p1 $0x1;
	p0 =	seq.s32 s7, s2  }
0x1e: {  	s7 =	smul.u32 @!p0 $0xF7A, s2;
	p2 =	seq.s32 @!p0 s5, $0x0  }
0x1f: {  	s9 =	smul.u32 $0xF7A, s1;
	s8 =	simm.s32 @!p0 $0x1BF5;
	p2 =	por !p2, p0  }
0x20: {  	[sflag:s8] =	ssyncset.s32 @!p0 $0xFFFFF086;
	s6 =	sadd.s32 @!p0 s3, s7;
	s7 =	simm.s32 @!p0 $0x108  }
0x21: {  	s3 =	sadd.s32 s3, s9;
	s6 =	sadd.s32 @!p0 $0x88, s6;
	s7 =	simm.s32 @p2 $0x1082  }
0x22: {  	[simem:s7], [sflag:s8] =	dma.local @!p0 [hbm:s6], $0xF7A  }
0x23: {  	s9 =	sor.u32 $0xD0000000, s2;
	s6 =	simm.s32 $0x108;
	_ =	swait.ge @!p0 [sflag:s8], $0x0  }
0x24: {  	s3 =	sadd.s32 $0x88, s3;
	s6 =	simm.s32 @!p1 $0x1082;
	[sflag:s4] =	ssyncset.s32 $0xFFFFF086  }
0x25: {  	[simem:s6], [sflag:s4] =	dma.local [hbm:s3], $0xF7A  }
0x26: {  	[smem:$0x3F99] =	sst s1;
	(tag) =	ssettag s2;
	_ =	strace s9  }
0x27: {  	s1 =	sld [smem:$0x3FA9]  }
0x28: {  	s2 =	sld [smem:$0x3FAA]  }
0x29: {  	s4 =	sld [smem:$0x3FAC]  }
0x2a: {  	p0 =	seq.s32 s5, $0x0;
	s5 =	sld [smem:$0x3FAD]  }
0x2b: {  	s6 =	sld [smem:$0x3FAE]  }
0x2c: {  	s7 =	sld [smem:$0x3FAF]  }
0x2d: {  	s3 =	simm.s32 $0x108;
	s8 =	sld [smem:$0x3FB0]  }
0x2e: {  	s3 =	simm.s32 @!p0 $0x1082;
	s9 =	sld [smem:$0x3FB1]  }
0x2f: {  	lr =	sadd.s32 s0, s3;
	s0 =	sld [smem:$0x3FA8]  }
0x30: {  	s3 =	sld [smem:$0x3FAB]  }
0x31: {  	[smem:$0x3FB4] =	sst s10  }
0x32: {  	s10 =	sld [smem:$0x3FB2];
	_ =	sdelay $0x3  }
0x33: {  	p0 =	seq.s32 s10, $0x1;
	s10 =	sld [smem:$0x3FB4];
	_ =	sdelay $0x3  }
0x34: {  	[smem:$0x3FB4] =	sst s10  }
0x35: {  	s10 =	sld [smem:$0x3FB3];
	_ =	sdelay $0x3  }
0x36: {  	p1 =	seq.s32 s10, $0x1;
	s10 =	sld [smem:$0x3FB4];
	_ =	sdelay $0x3  }
0x37: {  	[smem:$0x3FB4] =	sst s10  }
0x38: {  	s10 =	sld [smem:$0x3FB5]  }
0x39: {  	_ = 	snop;
	(pc) =	sbr.ind lr, $3  }
0x3a: {  	_ = 	snop  }
0x3b: {  	_ = 	snop  }
0x3c: {  	p2 =	seq.s32 s10, $0x1;
	s10 =	sld [smem:$0x3FB4]  }
0x3d: {  	_ =	shalt  }
0x3e: {  	_ =	shalt  }
0x3f: {  	_ =	shalt  }
0x40: {  	_ =	shalt  }
0x41: {  	_ =	shalt  }
0x42: {  	_ =	shalt  }
0x43: {  	_ =	shalt  }
0x44: {  	_ =	shalt  }
0x45: {  	_ =	shalt  }
0x46: {  	_ =	shalt  }
0x47: {  	_ =	shalt  }
0x48: {  	_ =	shalt  }
0x49: {  	_ =	shalt  }
0x4a: {  	_ =	shalt  }
0x4b: {  	_ =	shalt  }
0x4c: {  	_ =	shalt  }
0x4d: {  	_ =	shalt  }
0x4e: {  	_ =	shalt  }
0x4f: {  	_ =	shalt  }
0x50: {  	_ =	shalt  }
0x51: {  	_ =	shalt  }
0x52: {  	_ =	shalt  }
0x53: {  	_ =	shalt  }
0x54: {  	_ =	shalt  }
0x55: {  	_ =	shalt  }
0x56: {  	_ =	shalt  }
0x57: {  	_ =	shalt  }
0x58: {  	_ =	shalt  }
0x59: {  	_ =	shalt  }
0x5a: {  	_ =	shalt  }
0x5b: {  	_ =	shalt  }
0x5c: {  	_ =	shalt  }
0x5d: {  	_ =	shalt  }
0x5e: {  	_ =	shalt  }
0x5f: {  	_ =	shalt  }
0x60: {  	_ =	shalt  }
0x61: {  	_ =	shalt  }
0x62: {  	_ =	shalt  }
0x63: {  	_ =	shalt  }
0x64: {  	_ =	shalt  }
0x65: {  	_ =	shalt  }
0x66: {  	_ =	shalt  }
0x67: {  	_ =	shalt  }
0x68: {  	_ =	shalt  }
0x69: {  	_ =	shalt  }
0x6a: {  	_ =	shalt  }
0x6b: {  	_ =	shalt  }
0x6c: {  	_ =	shalt  }
0x6d: {  	_ =	shalt  }
0x6e: {  	_ =	shalt  }
0x6f: {  	_ =	shalt  }
0x70: {  	_ =	shalt  }
0x71: {  	_ =	shalt  }
0x72: {  	_ =	shalt  }
0x73: {  	_ =	shalt  }
0x74: {  	_ =	shalt  }
0x75: {  	_ =	shalt  }
0x76: {  	_ =	shalt  }
0x77: {  	_ =	shalt  }
0x78: {  	_ =	shalt  }
0x79: {  	_ =	shalt  }
0x7a: {  	_ =	shalt  }
0x7b: {  	_ =	shalt  }
0x7c: {  	_ =	shalt  }
0x7d: {  	_ =	shalt  }
0x7e: {  	_ =	shalt  }
0x7f: {  	_ =	shalt  }
0x80: {  	_ =	shalt  }
0x81: {  	_ =	shalt  }
0x82: {  	_ =	shalt  }
0x83: {  	_ =	shalt  }
0x84: {  	_ =	shalt  }
0x85: {  	_ =	shalt  }
0x86: {  	_ =	shalt  }
0x87: {  	_ =	shalt  }
.Lfunc_end0:
.L_simem_size_0:
called_computation.2_lowered:
.L_overlay_start_0:
0x88: {  	s2 =	sld [smem:$0x3FD9]  }
0x89: {  	s3 =	sld [smem:$0x3FFE];
	_ =	sdelay $0x1  }
0x8a: {  	s1 =	srdreg.scid  }
0x8b: {  	s0 =	sand.u32 $0x1, s1  }
0x8c: {  	s17 =	sshll.u32 s0, $0xA;
	s2 =	sadd.s32 s3, s2  }
0x8d: {  	s2 =	sadd.s32 s2, s17  }
0x8e: {  	[smem:$0x3FC0] =	sst s2  }
0x8f: {  	_ = 	snop  }
0x90: {  	s2 =	sld [smem:$0x3FD0];
	(tm) =	ssettm $0x1  }
0x91: {  	s18 =	sld [smem:$0x3FFB];
	_ =	sdelay $0x3  }
0x92: {  	_ =	strace s18  }
0x93: {  	s3 =	sld [smem:$0x3FFC];
	_ =	sdelay $0x3  }
0x94: {  	_ =	strace s3  }
0x95: {  	s3 =	sld [smem:$0x3FFD];
	_ =	sdelay $0x3  }
0x96: {  	_ =	strace s3  }
0x97: {  	_ =	strace $0x8FFFFFFF  }
0x98: {  	s19 =	sld [smem:$0x3FDB];
	_ =	sdelay $0x1  }
0x99: {  	s4 =	simm.s32 $_scs_section_size  }
0x9a: {  	s5 =	simm.s32 $_size__tile_overlayer_lowered;
	s6 =	simm.s32 $_tile_overlayer_lowered  }
0x9b: {  	s22 =	simm.s32 $0x1BFF;
	s21 =	sshll.u32 s6, $0x1;
	s3 =	sadd.s32 s4, s19  }
0x9c: {  	s7 =	simm.s32 $0x0;
	s20 =	sshll.u32 s5, $0x1;
	s5 =	sadd.s32 s21, s3  }
0x9d: {  	[timem:s7], [sflag:s22] =	dma.local [hbm:s5], s20  }
0x9e: {  	_ =	swait.ge [sflag:s22], s20  }
0x9f: {  	s4 =	ssub.s32 $0x0, s20;
	[sflag:s22] =	ssyncset.done $0x0  }
0xa0: {  	[sflag:s22] =	ssyncadd.s32 s4;
	_ =	sdelay $0x1  }
0xa1: {  	s23 =	simm.s32 $0x1B8B  }
0xa2: {  	_ =	swait.ge [sflag:s23], $0x1  }
0xa3: {  	[sflag:s23] =	ssyncset.done $0x0  }
0xa4: {  	s25 =	simm.s32 $0x1B8E;
	s24 =	sld [smem:$0x3FFE];
	[sflag:s23] =	ssyncadd.s32 $0xFFFFFFFF  }
0xa5: {  	s26 =	simm.s32 $execute0_lowered;
	[smem:$0x3FD2] =	sst s25  }
0xa6: {  	s5 =	sshll.u32 s26, $0x1;
	_ =	strace $0x8000004C;
	[dreg:$0x1] =	wrdreg $0xFFFFFFFF  }
0xa7: {  	s28 =	simm.s32 $_size_execute0_lowered;
	s3 =	sadd.s32 s3, s5;
	[dreg:$0x0] =	wrdreg $0x0  }
0xa8: {  	s5 =	sshll.u32 s28, $0x1;
	[dreg:$0x2] =	wrdreg s3  }
0xa9: {  	[dreg:$0x3] =	wrdreg s5  }
0xaa: {  	[dreg:$0x4] =	wrdreg $0xC0  }
0xab: {  	_ =	task [dreg:s7], $0x5FFFF  }
0xac: {  	[dreg:$0x1] =	wrdreg $0xFFFFFFFF  }
0xad: {  	[dreg:$0x0] =	wrdreg $0x60  }
0xae: {  	[dreg:$0x2] =	wrdreg s24  }
0xaf: {  	[dreg:$0x3] =	wrdreg s2  }
0xb0: {  	[dreg:$0x4] =	wrdreg $0x0  }
0xb1: {  	[dreg:$0x5] =	wrdreg $0x9  }
0xb2: {  	_ =	task.clear_ibuf [dreg:s7], $0x6FFFF;
	_ =	strace $0x9000004C  }
0xb3: {  	s29 =	simm.s32 $0x9;
	_ =	strace $0x8000004E  }
0xb4: {  	_ =	swait.ge [sflag:s29], $0x1  }
0xb5: {  	[sflag:s29] =	ssyncadd.s32 $0xFFFFFFFF  }
0xb6: {  	_ =	strace $0x9000004E  }
0xb7: {  	_ =	sfence  }
0xb8: {  	s30 =	sld [smem:$0x0];
	_ =	sdelay $0x2  }
0xb9: {  	s31 =	sshll.u32 s1, $0xD;
	s1 =	sshrl.u32 s1, $0x2  }
0xba: {  	s3 =	sand.u32 $0x4000, s31;
	s1 =	sadd.s32 s1, s30  }
0xbb: {  	s0 =	sor.u32 s3, s0;
	s1 =	sshll.u32 s1, $0x11  }
0xbc: {  	s0 =	sor.u32 s1, s0  }
0xbd: {  	s0 =	sadd.s32 $0x8F2B, s0  }
0xbe: {  	[sflag:s0] =	ssyncadd.remote.s32 $0x1  }
0xbf: {  	_ =	sfence.sel $0xFFFF  }
0xc0: {  	[dreg:$0x0] =	wrdreg $0xFFFFFFFF;
	(pc) =	sbr.abs _section_cstart, $3  }
0xc1: {  	[dreg:$0x1] =	wrdreg $0xFFFFFFFF  }
0xc2: {  	_ =	task.clear_ibuf [dreg:s7], $0x2FFFF;
	_ =	strace $0x9FFFFFFF  }
0xc3: {  	(tm) =	ssettm $0x7FFFFFFF  }
tec
execute0_lowered:
.L_overlay_start_1:
0x0: {  	(tag) =	ssettag $0x1  }
0x1: {  	s6 =	rddreg [dreg:$0x0]  }
0x2: {  	s10 =	rddreg [dreg:$0x1]  }
0x3: {  	s1 =	rddreg [dreg:$0x2]  }
0x4: {  	s0 =	rddreg [dreg:$0x3];
	s3 =	simm.s32 $0x0;
	s2 =	srdreg.scid  }
0x5: {  	s16 =	simm.s32 $0x4;
	s17 =	simm.s32 $0x15400;
	s18 =	simm.s32 $0x80  }
0x6: {  	s19 =	simm.s32 $0x16800;
	s20 =	simm.s32 $0x14080;
	s21 =	simm.s32 $0x1A800  }
0x7: {  	s22 =	simm.s32 $0x3;
	s23 =	simm.s32 $0x1;
	s5 =	sand.u32 $0x1, s2  }
0x8: {  	s24 =	simm.s32 $0x2;
	s2 =	stileid.u32;
	s7 =	smul.u32 $0x140000, s5  }
0x9: {  	s25 =	simm.s32 $0x16700;
	s28 =	simm.s32 $0x0;
	s8 =	smul.u32 $0x14000, s2  }
0xa: {  	[smem:$0x7FF] =	sst s3;
	s4 =	sadd.s32 $0x5CC00, s6;
	s9 =	smul.u32 $0x50000, s2  }
0xb: {  	s11 =	sadd.s32 $0x2C00, s6;
	s26 =	ssub.s32 $0x2, s5;
	s12 =	smul.u32 $0x28000, s5  }
0xc: {  	_ =	strace $0x8000004D;
	s14 =	smul.u32 $0x2800, s2;
	s13 =	sshrl.u32 s26, $0x1  }
0xd: {  	s5 =	sadd.s32 $0x84C00, s6;
	s7 =	sadd.s32 s8, s7;
	s13 =	ssub.s32 s26, s13  }
0xe: {  	s29 =	sshrl.u32 s9, $0x2;
	s30 =	sadd.s32 s14, s12;
	s26 =	simm.s32 $0x16780  }
0xf: {  	s7 =	sshrl.u32 s7, $0x3;
	s31 =	sadd.s32 s29, s1;
	s12 =	sshrl.u32 s30, $0x3  }
0x10: {  	s13 =	smax.u32 s13, $0x1;
	s15 =	sadd.s32 s7, s6;
	s6 =	sshll.u32 s2, $0x6  }
0x11: {  	s8 =	sadd.s32 s10, s12;
	s9 =	sadd.s32 s11, s12;
	s12 =	sadd.s32 $0x280, s12  }
0x12: {  	s14 =	sshrl.u32 s31, $0x3;
	s7 =	sor.u32 $0x1C03, s6;
	s10 =	sadd.s32 s10, s12  }
0x13: {  	s11 =	sadd.s32 s11, s12;
	s12 =	sadd.s32 $0x87400, s15;
	s15 =	simm.s32 $0x14000  }
.LBB2_1:
0x14: {  	[spmem:s14], [sflag:s7] =	dma.local [hbm:s5], $0x2800  }
0x15: {  	[tilespmem:s15], [sflag:$0x4] =	stream.linear.gather [hbm4b:s8+s3], $0x1400, $0x38;
	[tilespmem:$0x1E800] =	vst v63  }
0x16: {  	_ =	swait.ge [sflag:s16], $0x1400  }
0x17: {  	[sflag:s16] =	ssyncset.done $0x0  }
0x18: {  	[sflag:s16] =	ssyncadd.s32 $0xFFFFEC00  }
0x19: {  	[tilespmem:s17], [sflag:$0x4] =	stream.linear.gather [hbm4b:s9+s3], $0x1400, $0x38;
	[tilespmem:$0x1E800] =	vst v63  }
0x1a: {  	_ =	swait.ge [sflag:s16], $0x1400  }
0x1b: {  	[sflag:s16] =	ssyncset.done $0x0  }
0x1c: {  	[sflag:s16] =	ssyncadd.s32 $0xFFFFEC00  }
0x1d: {  	[tilespmem:s19], [sflag:$0x1] =	stream.indirect.gather [hbm4b:s4+s18], $0x80, s15, s18, $0xb8;
	[tilespmem:$0x1E800] =	vst v63  }
0x1e: {  	_ = 	snop  }
0x1f: {  	[tilespmem:s21], [sflag:$0x2] =	stream.indirect.gather [hbm4b:s4+s18], $0x80, s20, s18, $0xb8;
	[tilespmem:$0x1E800] =	vst v63  }
0x20: {  	_ =	swait.ge [sflag:s22], $0x2800  }
0x21: {  	[sflag:s22] =	ssyncset.done $0x0  }
0x22: {  	[sflag:s22] =	ssyncadd.s32 $0xFFFFD800  }
0x23: {  	[bflag:$0x0] =	sbarrier.arrive $0xFFFF  }
0x24: {  	_ =	swait.ge [sflag:s23], $0x4000  }
0x25: {  	[sflag:s23] =	ssyncset.done $0x0  }
0x26: {  	s29 =	simm.s32 $0x15400;
	[sflag:s23] =	ssyncadd.s32 $0xFFFFC000  }
0x27: {  	[spmem:s1] =	stream.indirect.scatter.add.f32 [tilespmem:s19], [sflag:$0x4], $0x80, s29, s18, $0xb8;
	[tilespmem:$0x1E800] =	vst v63  }
0x28: {  	_ =	swait.ge [sflag:s16], $0x4000  }
0x29: {  	[sflag:s16] =	ssyncset.done $0x0  }
0x2a: {  	s29 =	simm.s32 $0x14100;
	[sflag:s16] =	ssyncadd.s32 $0xFFFFC000  }
0x2b: {  	[tilespmem:s19], [sflag:$0x1] =	stream.indirect.gather [hbm4b:s4+s18], $0x80, s29, s18, $0xb8;
	[tilespmem:$0x1E800] =	vst v63  }
0x2c: {  	_ =	swait.ge [sflag:s24], $0x4000  }
0x2d: {  	[sflag:s24] =	ssyncset.done $0x0  }
0x2e: {  	s29 =	simm.s32 $0x15480;
	[sflag:s24] =	ssyncadd.s32 $0xFFFFC000  }
0x2f: {  	[spmem:s1] =	stream.indirect.scatter.add.f32 [tilespmem:s21], [sflag:$0x4], $0x80, s29, s18, $0xb8;
	[tilespmem:$0x1E800] =	vst v63  }
0x30: {  	_ =	swait.ge [sflag:s16], $0x4000  }
0x31: {  	[sflag:s16] =	ssyncset.done $0x0  }
0x32: {  	s30 =	simm.s32 $0x14180;
	s29 =	simm.s32 $0x400;
	[sflag:s16] =	ssyncadd.s32 $0xFFFFC000  }
.LBB2_2:
0x33: {  	[tilespmem:s21], [sflag:$0x2] =	stream.indirect.gather [hbm4b:s4+s18], $0x80, s30, s18, $0xb8;
	[tilespmem:$0x1E800] =	vst v63  }
0x34: {  	s30 =	smov.u32 s29  }
0x35: {  	p0 =	sne.s32 s29, $0x4800;
	s29 =	sadd.s32 $0x400, s29;
	_ =	swait.ge [sflag:s23], $0x4000  }
0x36: {  	s30 =	sshra.s32 s30, $0x2;
	[sflag:s23] =	ssyncset.done $0x0  }
0x37: {  	s31 =	sadd.s32 $0x15400, s30;
	[sflag:s23] =	ssyncadd.s32 $0xFFFFC000  }
0x38: {  	[spmem:s1] =	stream.indirect.scatter.add.f32 [tilespmem:s19], [sflag:$0x4], $0x80, s31, s18, $0xb8;
	[tilespmem:$0x1E800] =	vst v63  }
0x39: {  	_ =	swait.ge [sflag:s16], $0x4000  }
0x3a: {  	[sflag:s16] =	ssyncset.done $0x0  }
0x3b: {  	s31 =	sadd.s32 $0x14100, s30;
	[sflag:s16] =	ssyncadd.s32 $0xFFFFC000  }
0x3c: {  	[tilespmem:s19], [sflag:$0x1] =	stream.indirect.gather [hbm4b:s4+s18], $0x80, s31, s18, $0xb8;
	[tilespmem:$0x1E800] =	vst v63  }
0x3d: {  	_ =	swait.ge [sflag:s24], $0x4000  }
0x3e: {  	[sflag:s24] =	ssyncset.done $0x0  }
.Ltmp0:
0x3f: {  	s31 =	sadd.s32 $0x15480, s30;
	[sflag:s24] =	ssyncadd.s32 $0xFFFFC000;
	(pc) =	sbr.rel @p0 .LBB2_2-.Ltmp0, $4  }
0x40: {  	[spmem:s1] =	stream.indirect.scatter.add.f32 [tilespmem:s21], [sflag:$0x4], $0x80, s31, s18, $0xb8;
	[tilespmem:$0x1E800] =	vst v63  }
0x41: {  	_ =	swait.ge [sflag:s16], $0x4000  }
0x42: {  	[sflag:s16] =	ssyncset.done $0x0  }
0x43: {  	s30 =	sadd.s32 $0x14180, s30;
	[sflag:s16] =	ssyncadd.s32 $0xFFFFC000  }
0x44: {  	[tilespmem:s21], [sflag:$0x2] =	stream.indirect.gather [hbm4b:s4+s18], $0x80, s30, s18, $0xb8;
	[tilespmem:$0x1E800] =	vst v63  }
0x45: {  	_ =	swait.ge [sflag:s23], $0x4000  }
0x46: {  	[sflag:s23] =	ssyncset.done $0x0  }
0x47: {  	[sflag:s23] =	ssyncadd.s32 $0xFFFFC000  }
0x48: {  	[spmem:s1] =	stream.indirect.scatter.add.f32 [tilespmem:s19], [sflag:$0x4], $0x80, s25, s18, $0xb8;
	[tilespmem:$0x1E800] =	vst v63  }
0x49: {  	_ =	swait.ge [sflag:s16], $0x4000  }
0x4a: {  	[sflag:s16] =	ssyncset.done $0x0  }
0x4b: {  	[sflag:s16] =	ssyncadd.s32 $0xFFFFC000  }
0x4c: {  	_ =	swait.ge [sflag:s24], $0x4000  }
0x4d: {  	[sflag:s24] =	ssyncset.done $0x0  }
0x4e: {  	[sflag:s24] =	ssyncadd.s32 $0xFFFFC000  }
0x4f: {  	[spmem:s1] =	stream.indirect.scatter.add.f32 [tilespmem:s21], [sflag:$0x4], $0x80, s26, s18, $0xb8;
	[tilespmem:$0x1E800] =	vst v63  }
0x50: {  	_ =	swait.ge [sflag:s16], $0x4000  }
0x51: {  	[sflag:s16] =	ssyncset.done $0x0  }
0x52: {  	s29 =	simm.s32 $0x0;
	[sflag:s16] =	ssyncadd.s32 $0xFFFFC000  }
0x53: {  	[tilespmem:s15], [sflag:$0x4] =	stream.linear.gather [hbm4b:s10+s29], $0x1400, $0x38;
	[tilespmem:$0x1E800] =	vst v63  }
0x54: {  	_ =	swait.ge [sflag:s16], $0x1400  }
0x55: {  	[sflag:s16] =	ssyncset.done $0x0  }
0x56: {  	[sflag:s16] =	ssyncadd.s32 $0xFFFFEC00  }
0x57: {  	[tilespmem:s17], [sflag:$0x4] =	stream.linear.gather [hbm4b:s11+s29], $0x1400, $0x38;
	[tilespmem:$0x1E800] =	vst v63  }
0x58: {  	_ =	swait.ge [sflag:s16], $0x1400  }
0x59: {  	[sflag:s16] =	ssyncset.done $0x0  }
0x5a: {  	[sflag:s16] =	ssyncadd.s32 $0xFFFFEC00  }
0x5b: {  	[tilespmem:s19], [sflag:$0x1] =	stream.indirect.gather [hbm4b:s4+s18], $0x80, s15, s18, $0xb8;
	[tilespmem:$0x1E800] =	vst v63  }
0x5c: {  	_ = 	snop  }
0x5d: {  	[tilespmem:s21], [sflag:$0x2] =	stream.indirect.gather [hbm4b:s4+s18], $0x80, s20, s18, $0xb8;
	[tilespmem:$0x1E800] =	vst v63  }
0x5e: {  	_ =	swait.ge [sflag:s23], $0x4000  }
0x5f: {  	[sflag:s23] =	ssyncset.done $0x0  }
0x60: {  	s29 =	simm.s32 $0x15400;
	[sflag:s23] =	ssyncadd.s32 $0xFFFFC000  }
0x61: {  	[spmem:s1] =	stream.indirect.scatter.add.f32 [tilespmem:s19], [sflag:$0x4], $0x80, s29, s18, $0xb8;
	[tilespmem:$0x1E800] =	vst v63  }
0x62: {  	_ =	swait.ge [sflag:s16], $0x4000  }
0x63: {  	[sflag:s16] =	ssyncset.done $0x0  }
0x64: {  	s29 =	simm.s32 $0x14100;
	[sflag:s16] =	ssyncadd.s32 $0xFFFFC000  }
0x65: {  	[tilespmem:s19], [sflag:$0x1] =	stream.indirect.gather [hbm4b:s4+s18], $0x80, s29, s18, $0xb8;
	[tilespmem:$0x1E800] =	vst v63  }
0x66: {  	_ =	swait.ge [sflag:s24], $0x4000  }
0x67: {  	[sflag:s24] =	ssyncset.done $0x0  }
0x68: {  	s29 =	simm.s32 $0x15480;
	[sflag:s24] =	ssyncadd.s32 $0xFFFFC000  }
0x69: {  	[spmem:s1] =	stream.indirect.scatter.add.f32 [tilespmem:s21], [sflag:$0x4], $0x80, s29, s18, $0xb8;
	[tilespmem:$0x1E800] =	vst v63  }
0x6a: {  	_ =	swait.ge [sflag:s16], $0x4000  }
0x6b: {  	[sflag:s16] =	ssyncset.done $0x0  }
0x6c: {  	s30 =	simm.s32 $0x14180;
	s29 =	simm.s32 $0x400;
	[sflag:s16] =	ssyncadd.s32 $0xFFFFC000  }
.LBB2_4:
0x6d: {  	[tilespmem:s21], [sflag:$0x2] =	stream.indirect.gather [hbm4b:s4+s18], $0x80, s30, s18, $0xb8;
	[tilespmem:$0x1E800] =	vst v63  }
0x6e: {  	s30 =	smov.u32 s29  }
0x6f: {  	p0 =	sne.s32 s29, $0x4800;
	s29 =	sadd.s32 $0x400, s29;
	_ =	swait.ge [sflag:s23], $0x4000  }
0x70: {  	s30 =	sshra.s32 s30, $0x2;
	[sflag:s23] =	ssyncset.done $0x0  }
0x71: {  	s31 =	sadd.s32 $0x15400, s30;
	[sflag:s23] =	ssyncadd.s32 $0xFFFFC000  }
0x72: {  	[spmem:s1] =	stream.indirect.scatter.add.f32 [tilespmem:s19], [sflag:$0x4], $0x80, s31, s18, $0xb8;
	[tilespmem:$0x1E800] =	vst v63  }
0x73: {  	_ =	swait.ge [sflag:s16], $0x4000  }
0x74: {  	[sflag:s16] =	ssyncset.done $0x0  }
0x75: {  	s31 =	sadd.s32 $0x14100, s30;
	[sflag:s16] =	ssyncadd.s32 $0xFFFFC000  }
0x76: {  	[tilespmem:s19], [sflag:$0x1] =	stream.indirect.gather [hbm4b:s4+s18], $0x80, s31, s18, $0xb8;
	[tilespmem:$0x1E800] =	vst v63  }
0x77: {  	_ =	swait.ge [sflag:s24], $0x4000  }
0x78: {  	[sflag:s24] =	ssyncset.done $0x0  }
.Ltmp1:
0x79: {  	s31 =	sadd.s32 $0x15480, s30;
	[sflag:s24] =	ssyncadd.s32 $0xFFFFC000;
	(pc) =	sbr.rel @p0 .LBB2_4-.Ltmp1, $4  }
0x7a: {  	[spmem:s1] =	stream.indirect.scatter.add.f32 [tilespmem:s21], [sflag:$0x4], $0x80, s31, s18, $0xb8;
	[tilespmem:$0x1E800] =	vst v63  }
0x7b: {  	_ =	swait.ge [sflag:s16], $0x4000  }
0x7c: {  	[sflag:s16] =	ssyncset.done $0x0  }
0x7d: {  	s30 =	sadd.s32 $0x14180, s30;
	[sflag:s16] =	ssyncadd.s32 $0xFFFFC000  }
0x7e: {  	[tilespmem:s21], [sflag:$0x2] =	stream.indirect.gather [hbm4b:s4+s18], $0x80, s30, s18, $0xb8;
	[tilespmem:$0x1E800] =	vst v63  }
0x7f: {  	_ =	swait.ge [sflag:s23], $0x4000  }
0x80: {  	[sflag:s23] =	ssyncset.done $0x0  }
0x81: {  	[sflag:s23] =	ssyncadd.s32 $0xFFFFC000  }
0x82: {  	[spmem:s1] =	stream.indirect.scatter.add.f32 [tilespmem:s19], [sflag:$0x4], $0x80, s25, s18, $0xb8;
	[tilespmem:$0x1E800] =	vst v63  }
0x83: {  	_ =	swait.ge [sflag:s16], $0x4000  }
0x84: {  	[sflag:s16] =	ssyncset.done $0x0  }
0x85: {  	[sflag:s16] =	ssyncadd.s32 $0xFFFFC000  }
0x86: {  	_ =	swait.ge [sflag:s24], $0x4000  }
0x87: {  	[sflag:s24] =	ssyncset.done $0x0  }
0x88: {  	[sflag:s24] =	ssyncadd.s32 $0xFFFFC000  }
0x89: {  	[spmem:s1] =	stream.indirect.scatter.add.f32 [tilespmem:s21], [sflag:$0x4], $0x80, s26, s18, $0xb8;
	[tilespmem:$0x1E800] =	vst v63  }
0x8a: {  	_ =	swait.ge [sflag:s16], $0x4000  }
0x8b: {  	s28 =	sadd.s32 $0x1, s28;
	[sflag:s16] =	ssyncset.done $0x0  }
0x8c: {  	p0 =	sne.s32 s28, s13;
	[sflag:s16] =	ssyncadd.s32 $0xFFFFC000  }
.Ltmp2:
0x8d: {  	s29 =	sor.u32 $0x1C04, s6;
	[bflag:$0x0] =	sbarrier.arrive $0xFFFF;
	(pc) =	sbr.rel @p0 .LBB2_1-.Ltmp2, $4  }
0x8e: {  	[hbm:s12], [sflag:s29] =	dma.local [spmem:s14], $0x2800  }
0x8f: {  	_ =	swait.ge [sflag:s16], $0x2800  }
0x90: {  	[sflag:s16] =	ssyncset.done $0x0  }
0x91: {  	[sflag:s16] =	ssyncadd.s32 $0xFFFFD800  }
0x92: {  	_ =	sfence.sel $0x180000  }
0x93: {  	[bflag:$0x0] =	sbarrier.arrive $0xFFFF  }
0x94: {  	p0 =	sne.s32 s2, $0x0;
	_ =	strace $0x9000004D  }
0x95: {  	s0 =	sadd.s32 @!p0 $0x100000, s0;
	[bflag:$0x2] =	sbarrier.arrive $0xFFFF  }
0x96: {  	[sflag:s0] =	ssyncadd.tile.s32 @!p0 $0x1;
	_ =	shalt  }
.Lfunc_end2:
_tile_overlayer_lowered:
.L_overlay_start_2:
0x97: {  	(tag) =	ssettag $0x2  }
0x98: {  	s0 =	rddreg [dreg:$0x0];
	s2 =	stileid.u32  }
0x99: {  	s1 =	rddreg [dreg:$0x1];
	p0 =	sne.s32 s2, $0x0  }
0x9a: {  	s3 =	rddreg [dreg:$0x2];
	[bflag:$0x3] =	sbarrier.arrive $0xFFFF;
	s2 =	simm.s32 @!p0 $0x1C04  }
0x9b: {  	[timem:s3], [sflag:s2] =	dma.local @!p0 [hbm:s0], s1  }
0x9c: {  	s0 =	simm.s32 @!p0 $0x4  }
0x9d: {  	_ =	swait.ge @!p0 [sflag:s0], s1  }
0x9e: {  	s1 =	ssub.s32 @!p0 $0x0, s1;
	[sflag:s0] =	ssyncset.done @!p0 $0x0  }
0x9f: {  	[sflag:s0] =	ssyncadd.s32 @!p0 s1  }
0xa0: {  	[bflag:$0x3] =	sbarrier.arrive $0xFFFF  }
0xa1: {  	_ =	shalt  }

// kernel: kernel.19.cloned.1.call-start
scs
__scs_entry_jumppad:
0x0: {  	(pc) =	sbr.rel $0x88, $3  }
0x1: {  	(tag) =	ssettag $0x0;
	lr =	simm.s32 $0x1  }
0x2: {  	[smem:$0x3F99] =	sst lr;
	_ =	strace $0xD0000000  }
0x3: {  	_ = 	snop  }
0x4: {  	_ = 	snop  }
0x5: {  	_ = 	snop  }
0x6: {  	_ = 	snop  }
0x7: {  	_ = 	snop  }
__scs_overlays_trampoline_lowered:
0x8: {  	[smem:$0x3FA8] =	sst s0  }
0x9: {  	[smem:$0x3FA9] =	sst s1  }
0xa: {  	[smem:$0x3FAA] =	sst s2  }
0xb: {  	[smem:$0x3FAB] =	sst s3  }
0xc: {  	[smem:$0x3FAC] =	sst s4  }
0xd: {  	[smem:$0x3FAD] =	sst s5  }
0xe: {  	[smem:$0x3FAE] =	sst s6  }
0xf: {  	[smem:$0x3FAF] =	sst s7  }
0x10: {  	[smem:$0x3FB0] =	sst s8  }
0x11: {  	[smem:$0x3FB1] =	sst s9;
	s0 =	simm.s32 @!p0 $0x0  }
0x12: {  	s1 =	sld [smem:$0x3F97];
	s0 =	simm.s32 @p0 $0x1  }
0x13: {  	[smem:$0x3FB2] =	sst s0;
	s0 =	simm.s32 @!p1 $0x0  }
0x14: {  	s2 =	sld [smem:$0x3F96];
	s0 =	simm.s32 @p1 $0x1  }
0x15: {  	[smem:$0x3FB3] =	sst s0;
	s0 =	simm.s32 @!p2 $0x0  }
0x16: {  	s3 =	sld [smem:$0x3FDB];
	s0 =	simm.s32 @p2 $0x1  }
0x17: {  	s4 =	simm.s32 $0x1BF5;
	[smem:$0x3FB5] =	sst s0  }
0x18: {  	s0 =	sld [smem:$0x3F98];
	_ =	swait.ge [sflag:s4], $0x0  }
0x19: {  	s7 =	sld [smem:$0x3F99]  }
0x1a: {  	s8 =	sadd.s32 $0xFFFFE003, lr  }
0x1b: {  	s9 =	sadd.s32 $0xFFFFFEF7, lr;
	s5 =	simm.s32 $0xFFFFFFFF;
	p2 =	slt.u32 s8, $0xFFFFF086  }
0x1c: {  	p1 =	slt.u32 s9, $0xF7A;
	s5 =	simm.s32 @!p2 $0x0  }
0x1d: {  	s5 =	simm.s32 @p1 $0x1;
	p0 =	seq.s32 s7, s2  }
0x1e: {  	s7 =	smul.u32 @!p0 $0xF7A, s2;
	p2 =	seq.s32 @!p0 s5, $0x0  }
0x1f: {  	s9 =	smul.u32 $0xF7A, s1;
	s8 =	simm.s32 @!p0 $0x1BF5;
	p2 =	por !p2, p0  }
0x20: {  	[sflag:s8] =	ssyncset.s32 @!p0 $0xFFFFF086;
	s6 =	sadd.s32 @!p0 s3, s7;
	s7 =	simm.s32 @!p0 $0x108  }
0x21: {  	s3 =	sadd.s32 s3, s9;
	s6 =	sadd.s32 @!p0 $0x88, s6;
	s7 =	simm.s32 @p2 $0x1082  }
0x22: {  	[simem:s7], [sflag:s8] =	dma.local @!p0 [hbm:s6], $0xF7A  }
0x23: {  	s9 =	sor.u32 $0xD0000000, s2;
	s6 =	simm.s32 $0x108;
	_ =	swait.ge @!p0 [sflag:s8], $0x0  }
0x24: {  	s3 =	sadd.s32 $0x88, s3;
	s6 =	simm.s32 @!p1 $0x1082;
	[sflag:s4] =	ssyncset.s32 $0xFFFFF086  }
0x25: {  	[simem:s6], [sflag:s4] =	dma.local [hbm:s3], $0xF7A  }
0x26: {  	[smem:$0x3F99] =	sst s1;
	(tag) =	ssettag s2;
	_ =	strace s9  }
0x27: {  	s1 =	sld [smem:$0x3FA9]  }
0x28: {  	s2 =	sld [smem:$0x3FAA]  }
0x29: {  	s4 =	sld [smem:$0x3FAC]  }
0x2a: {  	p0 =	seq.s32 s5, $0x0;
	s5 =	sld [smem:$0x3FAD]  }
0x2b: {  	s6 =	sld [smem:$0x3FAE]  }
0x2c: {  	s7 =	sld [smem:$0x3FAF]  }
0x2d: {  	s3 =	simm.s32 $0x108;
	s8 =	sld [smem:$0x3FB0]  }
0x2e: {  	s3 =	simm.s32 @!p0 $0x1082;
	s9 =	sld [smem:$0x3FB1]  }
0x2f: {  	lr =	sadd.s32 s0, s3;
	s0 =	sld [smem:$0x3FA8]  }
0x30: {  	s3 =	sld [smem:$0x3FAB]  }
0x31: {  	[smem:$0x3FB4] =	sst s10  }
0x32: {  	s10 =	sld [smem:$0x3FB2];
	_ =	sdelay $0x3  }
0x33: {  	p0 =	seq.s32 s10, $0x1;
	s10 =	sld [smem:$0x3FB4];
	_ =	sdelay $0x3  }
0x34: {  	[smem:$0x3FB4] =	sst s10  }
0x35: {  	s10 =	sld [smem:$0x3FB3];
	_ =	sdelay $0x3  }
0x36: {  	p1 =	seq.s32 s10, $0x1;
	s10 =	sld [smem:$0x3FB4];
	_ =	sdelay $0x3  }
0x37: {  	[smem:$0x3FB4] =	sst s10  }
0x38: {  	s10 =	sld [smem:$0x3FB5]  }
0x39: {  	_ = 	snop;
	(pc) =	sbr.ind lr, $3  }
0x3a: {  	_ = 	snop  }
0x3b: {  	_ = 	snop  }
0x3c: {  	p2 =	seq.s32 s10, $0x1;
	s10 =	sld [smem:$0x3FB4]  }
0x3d: {  	_ =	shalt  }
0x3e: {  	_ =	shalt  }
0x3f: {  	_ =	shalt  }
0x40: {  	_ =	shalt  }
0x41: {  	_ =	shalt  }
0x42: {  	_ =	shalt  }
0x43: {  	_ =	shalt  }
0x44: {  	_ =	shalt  }
0x45: {  	_ =	shalt  }
0x46: {  	_ =	shalt  }
0x47: {  	_ =	shalt  }
0x48: {  	_ =	shalt  }
0x49: {  	_ =	shalt  }
0x4a: {  	_ =	shalt  }
0x4b: {  	_ =	shalt  }
0x4c: {  	_ =	shalt  }
0x4d: {  	_ =	shalt  }
0x4e: {  	_ =	shalt  }
0x4f: {  	_ =	shalt  }
0x50: {  	_ =	shalt  }
0x51: {  	_ =	shalt  }
0x52: {  	_ =	shalt  }
0x53: {  	_ =	shalt  }
0x54: {  	_ =	shalt  }
0x55: {  	_ =	shalt  }
0x56: {  	_ =	shalt  }
0x57: {  	_ =	shalt  }
0x58: {  	_ =	shalt  }
0x59: {  	_ =	shalt  }
0x5a: {  	_ =	shalt  }
0x5b: {  	_ =	shalt  }
0x5c: {  	_ =	shalt  }
0x5d: {  	_ =	shalt  }
0x5e: {  	_ =	shalt  }
0x5f: {  	_ =	shalt  }
0x60: {  	_ =	shalt  }
0x61: {  	_ =	shalt  }
0x62: {  	_ =	shalt  }
0x63: {  	_ =	shalt  }
0x64: {  	_ =	shalt  }
0x65: {  	_ =	shalt  }
0x66: {  	_ =	shalt  }
0x67: {  	_ =	shalt  }
0x68: {  	_ =	shalt  }
0x69: {  	_ =	shalt  }
0x6a: {  	_ =	shalt  }
0x6b: {  	_ =	shalt  }
0x6c: {  	_ =	shalt  }
0x6d: {  	_ =	shalt  }
0x6e: {  	_ =	shalt  }
0x6f: {  	_ =	shalt  }
0x70: {  	_ =	shalt  }
0x71: {  	_ =	shalt  }
0x72: {  	_ =	shalt  }
0x73: {  	_ =	shalt  }
0x74: {  	_ =	shalt  }
0x75: {  	_ =	shalt  }
0x76: {  	_ =	shalt  }
0x77: {  	_ =	shalt  }
0x78: {  	_ =	shalt  }
0x79: {  	_ =	shalt  }
0x7a: {  	_ =	shalt  }
0x7b: {  	_ =	shalt  }
0x7c: {  	_ =	shalt  }
0x7d: {  	_ =	shalt  }
0x7e: {  	_ =	shalt  }
0x7f: {  	_ =	shalt  }
0x80: {  	_ =	shalt  }
0x81: {  	_ =	shalt  }
0x82: {  	_ =	shalt  }
0x83: {  	_ =	shalt  }
0x84: {  	_ =	shalt  }
0x85: {  	_ =	shalt  }
0x86: {  	_ =	shalt  }
0x87: {  	_ =	shalt  }
.Lfunc_end0:
.L_simem_size_0:
called_computation.3_lowered:
.L_overlay_start_0:
0x88: {  	s2 =	sld [smem:$0x3FD9]  }
0x89: {  	s3 =	sld [smem:$0x3FFE];
	_ =	sdelay $0x1  }
0x8a: {  	s1 =	srdreg.scid  }
0x8b: {  	s0 =	sand.u32 $0x1, s1  }
0x8c: {  	s17 =	sshll.u32 s0, $0xA;
	s2 =	sadd.s32 s3, s2  }
0x8d: {  	s2 =	sadd.s32 s2, s17  }
0x8e: {  	[smem:$0x3FC0] =	sst s2  }
0x8f: {  	_ = 	snop  }
0x90: {  	s2 =	sld [smem:$0x3FD0];
	(tm) =	ssettm $0x1  }
0x91: {  	s18 =	sld [smem:$0x3FFB];
	_ =	sdelay $0x3  }
0x92: {  	_ =	strace s18  }
0x93: {  	s3 =	sld [smem:$0x3FFC];
	_ =	sdelay $0x3  }
0x94: {  	_ =	strace s3  }
0x95: {  	s3 =	sld [smem:$0x3FFD];
	_ =	sdelay $0x3  }
0x96: {  	_ =	strace s3  }
0x97: {  	_ =	strace $0x8FFFFFFF  }
0x98: {  	s19 =	sld [smem:$0x3FDB];
	_ =	sdelay $0x1  }
0x99: {  	s4 =	simm.s32 $_scs_section_size  }
0x9a: {  	s5 =	simm.s32 $_size__tile_overlayer_lowered;
	s6 =	simm.s32 $_tile_overlayer_lowered  }
0x9b: {  	s22 =	simm.s32 $0x1BFF;
	s21 =	sshll.u32 s6, $0x1;
	s3 =	sadd.s32 s4, s19  }
0x9c: {  	s7 =	simm.s32 $0x0;
	s20 =	sshll.u32 s5, $0x1;
	s5 =	sadd.s32 s21, s3  }
0x9d: {  	[timem:s7], [sflag:s22] =	dma.local [hbm:s5], s20  }
0x9e: {  	_ =	swait.ge [sflag:s22], s20  }
0x9f: {  	s4 =	ssub.s32 $0x0, s20;
	[sflag:s22] =	ssyncset.done $0x0  }
0xa0: {  	[sflag:s22] =	ssyncadd.s32 s4;
	_ =	sdelay $0x1  }
0xa1: {  	s23 =	simm.s32 $0x1B8B  }
0xa2: {  	_ =	swait.ge [sflag:s23], $0x1  }
0xa3: {  	[sflag:s23] =	ssyncset.done $0x0  }
0xa4: {  	s25 =	simm.s32 $0x1B8E;
	s24 =	sld [smem:$0x3FFE];
	[sflag:s23] =	ssyncadd.s32 $0xFFFFFFFF  }
0xa5: {  	s26 =	simm.s32 $execute0_lowered;
	[smem:$0x3FD2] =	sst s25  }
0xa6: {  	s5 =	sshll.u32 s26, $0x1;
	_ =	strace $0x8000004F;
	[dreg:$0x1] =	wrdreg $0xFFFFFFFF  }
0xa7: {  	s28 =	simm.s32 $_size_execute0_lowered;
	s3 =	sadd.s32 s3, s5;
	[dreg:$0x0] =	wrdreg $0x0  }
0xa8: {  	s5 =	sshll.u32 s28, $0x1;
	[dreg:$0x2] =	wrdreg s3  }
0xa9: {  	[dreg:$0x3] =	wrdreg s5  }
0xaa: {  	[dreg:$0x4] =	wrdreg $0xC0  }
0xab: {  	_ =	task [dreg:s7], $0x5FFFF  }
0xac: {  	[dreg:$0x1] =	wrdreg $0xFFFFFFFF  }
0xad: {  	[dreg:$0x0] =	wrdreg $0x60  }
0xae: {  	[dreg:$0x2] =	wrdreg s24  }
0xaf: {  	[dreg:$0x3] =	wrdreg s2  }
0xb0: {  	[dreg:$0x4] =	wrdreg $0x0  }
0xb1: {  	[dreg:$0x5] =	wrdreg $0x9  }
0xb2: {  	_ =	task.clear_ibuf [dreg:s7], $0x6FFFF;
	_ =	strace $0x9000004F  }
0xb3: {  	s29 =	simm.s32 $0x9;
	_ =	strace $0x80000051  }
0xb4: {  	_ =	swait.ge [sflag:s29], $0x1  }
0xb5: {  	[sflag:s29] =	ssyncadd.s32 $0xFFFFFFFF  }
0xb6: {  	_ =	strace $0x90000051  }
0xb7: {  	_ =	sfence  }
0xb8: {  	s30 =	sld [smem:$0x0];
	_ =	sdelay $0x2  }
0xb9: {  	s31 =	sshll.u32 s1, $0xD;
	s1 =	sshrl.u32 s1, $0x2  }
0xba: {  	s3 =	sand.u32 $0x4000, s31;
	s1 =	sadd.s32 s1, s30  }
0xbb: {  	s0 =	sor.u32 s3, s0;
	s1 =	sshll.u32 s1, $0x11  }
0xbc: {  	s0 =	sor.u32 s1, s0  }
0xbd: {  	s0 =	sadd.s32 $0x8F2B, s0  }
0xbe: {  	[sflag:s0] =	ssyncadd.remote.s32 $0x1  }
0xbf: {  	_ =	sfence.sel $0xFFFF  }
0xc0: {  	[dreg:$0x0] =	wrdreg $0xFFFFFFFF;
	(pc) =	sbr.abs _section_cstart, $3  }
0xc1: {  	[dreg:$0x1] =	wrdreg $0xFFFFFFFF  }
0xc2: {  	_ =	task.clear_ibuf [dreg:s7], $0x2FFFF;
	_ =	strace $0x9FFFFFFF  }
0xc3: {  	(tm) =	ssettm $0x7FFFFFFF  }
tec
execute0_lowered:
.L_overlay_start_1:
0x0: {  	(tag) =	ssettag $0x1  }
0x1: {  	s6 =	rddreg [dreg:$0x0]  }
0x2: {  	s10 =	rddreg [dreg:$0x1]  }
0x3: {  	s1 =	rddreg [dreg:$0x2]  }
0x4: {  	s0 =	rddreg [dreg:$0x3];
	s3 =	simm.s32 $0x0;
	s2 =	srdreg.scid  }
0x5: {  	s16 =	simm.s32 $0x4;
	s17 =	simm.s32 $0x15400;
	s18 =	simm.s32 $0x80  }
0x6: {  	s19 =	simm.s32 $0x16800;
	s20 =	simm.s32 $0x14080;
	s21 =	simm.s32 $0x1A800  }
0x7: {  	s22 =	simm.s32 $0x3;
	s23 =	simm.s32 $0x1;
	s5 =	sand.u32 $0x1, s2  }
0x8: {  	s24 =	simm.s32 $0x2;
	s2 =	stileid.u32;
	s7 =	smul.u32 $0x140000, s5  }
0x9: {  	s25 =	simm.s32 $0x16700;
	s28 =	simm.s32 $0x0;
	s8 =	smul.u32 $0x14000, s2  }
0xa: {  	[smem:$0x7FF] =	sst s3;
	s4 =	sadd.s32 $0x5CC00, s6;
	s9 =	smul.u32 $0x50000, s2  }
0xb: {  	s11 =	sadd.s32 $0x2C00, s6;
	s26 =	ssub.s32 $0x2, s5;
	s12 =	smul.u32 $0x28000, s5  }
0xc: {  	_ =	strace $0x80000050;
	s14 =	smul.u32 $0x2800, s2;
	s13 =	sshrl.u32 s26, $0x1  }
0xd: {  	s5 =	sadd.s32 $0x84C00, s6;
	s7 =	sadd.s32 s8, s7;
	s13 =	ssub.s32 s26, s13  }
0xe: {  	s29 =	sshrl.u32 s9, $0x2;
	s30 =	sadd.s32 s14, s12;
	s26 =	simm.s32 $0x16780  }
0xf: {  	s7 =	sshrl.u32 s7, $0x3;
	s31 =	sadd.s32 s29, s1;
	s12 =	sshrl.u32 s30, $0x3  }
0x10: {  	s13 =	smax.u32 s13, $0x1;
	s15 =	sadd.s32 s7, s6;
	s6 =	sshll.u32 s2, $0x6  }
0x11: {  	s8 =	sadd.s32 s10, s12;
	s9 =	sadd.s32 s11, s12;
	s12 =	sadd.s32 $0x280, s12  }
0x12: {  	s14 =	sshrl.u32 s31, $0x3;
	s7 =	sor.u32 $0x1C03, s6;
	s10 =	sadd.s32 s10, s12  }
0x13: {  	s11 =	sadd.s32 s11, s12;
	s12 =	sadd.s32 $0x87400, s15;
	s15 =	simm.s32 $0x14000  }
.LBB2_1:
0x14: {  	[spmem:s14], [sflag:s7] =	dma.local [hbm:s5], $0x2800  }
0x15: {  	[tilespmem:s15], [sflag:$0x4] =	stream.linear.gather [hbm4b:s8+s3], $0x1400, $0x38;
	[tilespmem:$0x1E800] =	vst v63  }
0x16: {  	_ =	swait.ge [sflag:s16], $0x1400  }
0x17: {  	[sflag:s16] =	ssyncset.done $0x0  }
0x18: {  	[sflag:s16] =	ssyncadd.s32 $0xFFFFEC00  }
0x19: {  	[tilespmem:s17], [sflag:$0x4] =	stream.linear.gather [hbm4b:s9+s3], $0x1400, $0x38;
	[tilespmem:$0x1E800] =	vst v63  }
0x1a: {  	_ =	swait.ge [sflag:s16], $0x1400  }
0x1b: {  	[sflag:s16] =	ssyncset.done $0x0  }
0x1c: {  	[sflag:s16] =	ssyncadd.s32 $0xFFFFEC00  }
0x1d: {  	[tilespmem:s19], [sflag:$0x1] =	stream.indirect.gather [hbm4b:s4+s18], $0x80, s15, s18, $0xb8;
	[tilespmem:$0x1E800] =	vst v63  }
0x1e: {  	_ = 	snop  }
0x1f: {  	[tilespmem:s21], [sflag:$0x2] =	stream.indirect.gather [hbm4b:s4+s18], $0x80, s20, s18, $0xb8;
	[tilespmem:$0x1E800] =	vst v63  }
0x20: {  	_ =	swait.ge [sflag:s22], $0x2800  }
0x21: {  	[sflag:s22] =	ssyncset.done $0x0  }
0x22: {  	[sflag:s22] =	ssyncadd.s32 $0xFFFFD800  }
0x23: {  	[bflag:$0x0] =	sbarrier.arrive $0xFFFF  }
0x24: {  	_ =	swait.ge [sflag:s23], $0x4000  }
0x25: {  	[sflag:s23] =	ssyncset.done $0x0  }
0x26: {  	s29 =	simm.s32 $0x15400;
	[sflag:s23] =	ssyncadd.s32 $0xFFFFC000  }
0x27: {  	[spmem:s1] =	stream.indirect.scatter.add.f32 [tilespmem:s19], [sflag:$0x4], $0x80, s29, s18, $0xb8;
	[tilespmem:$0x1E800] =	vst v63  }
0x28: {  	_ =	swait.ge [sflag:s16], $0x4000  }
0x29: {  	[sflag:s16] =	ssyncset.done $0x0  }
0x2a: {  	s29 =	simm.s32 $0x14100;
	[sflag:s16] =	ssyncadd.s32 $0xFFFFC000  }
0x2b: {  	[tilespmem:s19], [sflag:$0x1] =	stream.indirect.gather [hbm4b:s4+s18], $0x80, s29, s18, $0xb8;
	[tilespmem:$0x1E800] =	vst v63  }
0x2c: {  	_ =	swait.ge [sflag:s24], $0x4000  }
0x2d: {  	[sflag:s24] =	ssyncset.done $0x0  }
0x2e: {  	s29 =	simm.s32 $0x15480;
	[sflag:s24] =	ssyncadd.s32 $0xFFFFC000  }
0x2f: {  	[spmem:s1] =	stream.indirect.scatter.add.f32 [tilespmem:s21], [sflag:$0x4], $0x80, s29, s18, $0xb8;
	[tilespmem:$0x1E800] =	vst v63  }
0x30: {  	_ =	swait.ge [sflag:s16], $0x4000  }
0x31: {  	[sflag:s16] =	ssyncset.done $0x0  }
0x32: {  	s30 =	simm.s32 $0x14180;
	s29 =	simm.s32 $0x400;
	[sflag:s16] =	ssyncadd.s32 $0xFFFFC000  }
.LBB2_2:
0x33: {  	[tilespmem:s21], [sflag:$0x2] =	stream.indirect.gather [hbm4b:s4+s18], $0x80, s30, s18, $0xb8;
	[tilespmem:$0x1E800] =	vst v63  }
0x34: {  	s30 =	smov.u32 s29  }
0x35: {  	p0 =	sne.s32 s29, $0x4800;
	s29 =	sadd.s32 $0x400, s29;
	_ =	swait.ge [sflag:s23], $0x4000  }
0x36: {  	s30 =	sshra.s32 s30, $0x2;
	[sflag:s23] =	ssyncset.done $0x0  }
0x37: {  	s31 =	sadd.s32 $0x15400, s30;
	[sflag:s23] =	ssyncadd.s32 $0xFFFFC000  }
0x38: {  	[spmem:s1] =	stream.indirect.scatter.add.f32 [tilespmem:s19], [sflag:$0x4], $0x80, s31, s18, $0xb8;
	[tilespmem:$0x1E800] =	vst v63  }
0x39: {  	_ =	swait.ge [sflag:s16], $0x4000  }
0x3a: {  	[sflag:s16] =	ssyncset.done $0x0  }
0x3b: {  	s31 =	sadd.s32 $0x14100, s30;
	[sflag:s16] =	ssyncadd.s32 $0xFFFFC000  }
0x3c: {  	[tilespmem:s19], [sflag:$0x1] =	stream.indirect.gather [hbm4b:s4+s18], $0x80, s31, s18, $0xb8;
	[tilespmem:$0x1E800] =	vst v63  }
0x3d: {  	_ =	swait.ge [sflag:s24], $0x4000  }
0x3e: {  	[sflag:s24] =	ssyncset.done $0x0  }
.Ltmp0:
0x3f: {  	s31 =	sadd.s32 $0x15480, s30;
	[sflag:s24] =	ssyncadd.s32 $0xFFFFC000;
	(pc) =	sbr.rel @p0 .LBB2_2-.Ltmp0, $4  }
0x40: {  	[spmem:s1] =	stream.indirect.scatter.add.f32 [tilespmem:s21], [sflag:$0x4], $0x80, s31, s18, $0xb8;
	[tilespmem:$0x1E800] =	vst v63  }
0x41: {  	_ =	swait.ge [sflag:s16], $0x4000  }
0x42: {  	[sflag:s16] =	ssyncset.done $0x0  }
0x43: {  	s30 =	sadd.s32 $0x14180, s30;
	[sflag:s16] =	ssyncadd.s32 $0xFFFFC000  }
0x44: {  	[tilespmem:s21], [sflag:$0x2] =	stream.indirect.gather [hbm4b:s4+s18], $0x80, s30, s18, $0xb8;
	[tilespmem:$0x1E800] =	vst v63  }
0x45: {  	_ =	swait.ge [sflag:s23], $0x4000  }
0x46: {  	[sflag:s23] =	ssyncset.done $0x0  }
0x47: {  	[sflag:s23] =	ssyncadd.s32 $0xFFFFC000  }
0x48: {  	[spmem:s1] =	stream.indirect.scatter.add.f32 [tilespmem:s19], [sflag:$0x4], $0x80, s25, s18, $0xb8;
	[tilespmem:$0x1E800] =	vst v63  }
0x49: {  	_ =	swait.ge [sflag:s16], $0x4000  }
0x4a: {  	[sflag:s16] =	ssyncset.done $0x0  }
0x4b: {  	[sflag:s16] =	ssyncadd.s32 $0xFFFFC000  }
0x4c: {  	_ =	swait.ge [sflag:s24], $0x4000  }
0x4d: {  	[sflag:s24] =	ssyncset.done $0x0  }
0x4e: {  	[sflag:s24] =	ssyncadd.s32 $0xFFFFC000  }
0x4f: {  	[spmem:s1] =	stream.indirect.scatter.add.f32 [tilespmem:s21], [sflag:$0x4], $0x80, s26, s18, $0xb8;
	[tilespmem:$0x1E800] =	vst v63  }
0x50: {  	_ =	swait.ge [sflag:s16], $0x4000  }
0x51: {  	[sflag:s16] =	ssyncset.done $0x0  }
0x52: {  	s29 =	simm.s32 $0x0;
	[sflag:s16] =	ssyncadd.s32 $0xFFFFC000  }
0x53: {  	[tilespmem:s15], [sflag:$0x4] =	stream.linear.gather [hbm4b:s10+s29], $0x1400, $0x38;
	[tilespmem:$0x1E800] =	vst v63  }
0x54: {  	_ =	swait.ge [sflag:s16], $0x1400  }
0x55: {  	[sflag:s16] =	ssyncset.done $0x0  }
0x56: {  	[sflag:s16] =	ssyncadd.s32 $0xFFFFEC00  }
0x57: {  	[tilespmem:s17], [sflag:$0x4] =	stream.linear.gather [hbm4b:s11+s29], $0x1400, $0x38;
	[tilespmem:$0x1E800] =	vst v63  }
0x58: {  	_ =	swait.ge [sflag:s16], $0x1400  }
0x59: {  	[sflag:s16] =	ssyncset.done $0x0  }
0x5a: {  	[sflag:s16] =	ssyncadd.s32 $0xFFFFEC00  }
0x5b: {  	[tilespmem:s19], [sflag:$0x1] =	stream.indirect.gather [hbm4b:s4+s18], $0x80, s15, s18, $0xb8;
	[tilespmem:$0x1E800] =	vst v63  }
0x5c: {  	_ = 	snop  }
0x5d: {  	[tilespmem:s21], [sflag:$0x2] =	stream.indirect.gather [hbm4b:s4+s18], $0x80, s20, s18, $0xb8;
	[tilespmem:$0x1E800] =	vst v63  }
0x5e: {  	_ =	swait.ge [sflag:s23], $0x4000  }
0x5f: {  	[sflag:s23] =	ssyncset.done $0x0  }
0x60: {  	s29 =	simm.s32 $0x15400;
	[sflag:s23] =	ssyncadd.s32 $0xFFFFC000  }
0x61: {  	[spmem:s1] =	stream.indirect.scatter.add.f32 [tilespmem:s19], [sflag:$0x4], $0x80, s29, s18, $0xb8;
	[tilespmem:$0x1E800] =	vst v63  }
0x62: {  	_ =	swait.ge [sflag:s16], $0x4000  }
0x63: {  	[sflag:s16] =	ssyncset.done $0x0  }
0x64: {  	s29 =	simm.s32 $0x14100;
	[sflag:s16] =	ssyncadd.s32 $0xFFFFC000  }
0x65: {  	[tilespmem:s19], [sflag:$0x1] =	stream.indirect.gather [hbm4b:s4+s18], $0x80, s29, s18, $0xb8;
	[tilespmem:$0x1E800] =	vst v63  }
0x66: {  	_ =	swait.ge [sflag:s24], $0x4000  }
0x67: {  	[sflag:s24] =	ssyncset.done $0x0  }
0x68: {  	s29 =	simm.s32 $0x15480;
	[sflag:s24] =	ssyncadd.s32 $0xFFFFC000  }
0x69: {  	[spmem:s1] =	stream.indirect.scatter.add.f32 [tilespmem:s21], [sflag:$0x4], $0x80, s29, s18, $0xb8;
	[tilespmem:$0x1E800] =	vst v63  }
0x6a: {  	_ =	swait.ge [sflag:s16], $0x4000  }
0x6b: {  	[sflag:s16] =	ssyncset.done $0x0  }
0x6c: {  	s30 =	simm.s32 $0x14180;
	s29 =	simm.s32 $0x400;
	[sflag:s16] =	ssyncadd.s32 $0xFFFFC000  }
.LBB2_4:
0x6d: {  	[tilespmem:s21], [sflag:$0x2] =	stream.indirect.gather [hbm4b:s4+s18], $0x80, s30, s18, $0xb8;
	[tilespmem:$0x1E800] =	vst v63  }
0x6e: {  	s30 =	smov.u32 s29  }
0x6f: {  	p0 =	sne.s32 s29, $0x4800;
	s29 =	sadd.s32 $0x400, s29;
	_ =	swait.ge [sflag:s23], $0x4000  }
0x70: {  	s30 =	sshra.s32 s30, $0x2;
	[sflag:s23] =	ssyncset.done $0x0  }
0x71: {  	s31 =	sadd.s32 $0x15400, s30;
	[sflag:s23] =	ssyncadd.s32 $0xFFFFC000  }
0x72: {  	[spmem:s1] =	stream.indirect.scatter.add.f32 [tilespmem:s19], [sflag:$0x4], $0x80, s31, s18, $0xb8;
	[tilespmem:$0x1E800] =	vst v63  }
0x73: {  	_ =	swait.ge [sflag:s16], $0x4000  }
0x74: {  	[sflag:s16] =	ssyncset.done $0x0  }
0x75: {  	s31 =	sadd.s32 $0x14100, s30;
	[sflag:s16] =	ssyncadd.s32 $0xFFFFC000  }
0x76: {  	[tilespmem:s19], [sflag:$0x1] =	stream.indirect.gather [hbm4b:s4+s18], $0x80, s31, s18, $0xb8;
	[tilespmem:$0x1E800] =	vst v63  }
0x77: {  	_ =	swait.ge [sflag:s24], $0x4000  }
0x78: {  	[sflag:s24] =	ssyncset.done $0x0  }
.Ltmp1:
0x79: {  	s31 =	sadd.s32 $0x15480, s30;
	[sflag:s24] =	ssyncadd.s32 $0xFFFFC000;
	(pc) =	sbr.rel @p0 .LBB2_4-.Ltmp1, $4  }
0x7a: {  	[spmem:s1] =	stream.indirect.scatter.add.f32 [tilespmem:s21], [sflag:$0x4], $0x80, s31, s18, $0xb8;
	[tilespmem:$0x1E800] =	vst v63  }
0x7b: {  	_ =	swait.ge [sflag:s16], $0x4000  }
0x7c: {  	[sflag:s16] =	ssyncset.done $0x0  }
0x7d: {  	s30 =	sadd.s32 $0x14180, s30;
	[sflag:s16] =	ssyncadd.s32 $0xFFFFC000  }
0x7e: {  	[tilespmem:s21], [sflag:$0x2] =	stream.indirect.gather [hbm4b:s4+s18], $0x80, s30, s18, $0xb8;
	[tilespmem:$0x1E800] =	vst v63  }
0x7f: {  	_ =	swait.ge [sflag:s23], $0x4000  }
0x80: {  	[sflag:s23] =	ssyncset.done $0x0  }
0x81: {  	[sflag:s23] =	ssyncadd.s32 $0xFFFFC000  }
0x82: {  	[spmem:s1] =	stream.indirect.scatter.add.f32 [tilespmem:s19], [sflag:$0x4], $0x80, s25, s18, $0xb8;
	[tilespmem:$0x1E800] =	vst v63  }
0x83: {  	_ =	swait.ge [sflag:s16], $0x4000  }
0x84: {  	[sflag:s16] =	ssyncset.done $0x0  }
0x85: {  	[sflag:s16] =	ssyncadd.s32 $0xFFFFC000  }
0x86: {  	_ =	swait.ge [sflag:s24], $0x4000  }
0x87: {  	[sflag:s24] =	ssyncset.done $0x0  }
0x88: {  	[sflag:s24] =	ssyncadd.s32 $0xFFFFC000  }
0x89: {  	[spmem:s1] =	stream.indirect.scatter.add.f32 [tilespmem:s21], [sflag:$0x4], $0x80, s26, s18, $0xb8;
	[tilespmem:$0x1E800] =	vst v63  }
0x8a: {  	_ =	swait.ge [sflag:s16], $0x4000  }
0x8b: {  	s28 =	sadd.s32 $0x1, s28;
	[sflag:s16] =	ssyncset.done $0x0  }
0x8c: {  	p0 =	sne.s32 s28, s13;
	[sflag:s16] =	ssyncadd.s32 $0xFFFFC000  }
.Ltmp2:
0x8d: {  	s29 =	sor.u32 $0x1C04, s6;
	[bflag:$0x0] =	sbarrier.arrive $0xFFFF;
	(pc) =	sbr.rel @p0 .LBB2_1-.Ltmp2, $4  }
0x8e: {  	[hbm:s12], [sflag:s29] =	dma.local [spmem:s14], $0x2800  }
0x8f: {  	_ =	swait.ge [sflag:s16], $0x2800  }
0x90: {  	[sflag:s16] =	ssyncset.done $0x0  }
0x91: {  	[sflag:s16] =	ssyncadd.s32 $0xFFFFD800  }
0x92: {  	_ =	sfence.sel $0x180000  }
0x93: {  	[bflag:$0x0] =	sbarrier.arrive $0xFFFF  }
0x94: {  	p0 =	sne.s32 s2, $0x0;
	_ =	strace $0x90000050  }
0x95: {  	s0 =	sadd.s32 @!p0 $0x100000, s0;
	[bflag:$0x2] =	sbarrier.arrive $0xFFFF  }
0x96: {  	[sflag:s0] =	ssyncadd.tile.s32 @!p0 $0x1;
	_ =	shalt  }
.Lfunc_end2:
_tile_overlayer_lowered:
.L_overlay_start_2:
0x97: {  	(tag) =	ssettag $0x2  }
0x98: {  	s0 =	rddreg [dreg:$0x0];
	s2 =	stileid.u32  }
0x99: {  	s1 =	rddreg [dreg:$0x1];
	p0 =	sne.s32 s2, $0x0  }
0x9a: {  	s3 =	rddreg [dreg:$0x2];
	[bflag:$0x3] =	sbarrier.arrive $0xFFFF;
	s2 =	simm.s32 @!p0 $0x1C04  }
0x9b: {  	[timem:s3], [sflag:s2] =	dma.local @!p0 [hbm:s0], s1  }
0x9c: {  	s0 =	simm.s32 @!p0 $0x4  }
0x9d: {  	_ =	swait.ge @!p0 [sflag:s0], s1  }
0x9e: {  	s1 =	ssub.s32 @!p0 $0x0, s1;
	[sflag:s0] =	ssyncset.done @!p0 $0x0  }
0x9f: {  	[sflag:s0] =	ssyncadd.s32 @!p0 s1  }
0xa0: {  	[bflag:$0x3] =	sbarrier.arrive $0xFFFF  }
0xa1: {  	_ =	shalt  }

</sc_bundles>
